<compile_context>
chip_gen: v7x
topology: tpu7x:2x2x1
jax: 0.10.2.dev20260603
libtpu: 0.0.44.dev20260713+nightly
codegen_flags: <defaults>
</compile_context>

<pallas_src>
import functools

import jax
import jax.numpy as jnp
import numpy as np
from jax import lax
from jax.experimental import pallas as pl
from jax.experimental.pallas import tpu as pltpu
from jax.experimental.pallas import tpu_sc as plsc

_N = 1000
_NP = 1024
_K = 128
_C = 81
_CM1 = _C - 1
_SCORE_THRESH = 0.05
_NMS_THRESH = 0.5
_DET = 100
_CLIP = float(np.log(1000.0 / 16.0))
_IMG_W, _IMG_H = 1333.0, 800.0


def _decode_kernel(logits_ref, dx_ref, dy_ref, dw_ref, dh_ref, prop_ref,
                   s_ref, x1_ref, y1_ref, x2_ref, y2_ref):
    logits = logits_ref[...]
    mlog = jnp.max(logits, axis=0, keepdims=True)
    e = jnp.exp(logits - mlog)
    probs = e / jnp.sum(e, axis=0, keepdims=True)
    scores = probs[1:_C, :]

    px1 = prop_ref[0:1, :]
    py1 = prop_ref[1:2, :]
    px2 = prop_ref[2:3, :]
    py2 = prop_ref[3:4, :]
    w = px2 - px1 + 1.0
    h = py2 - py1 + 1.0
    cx = px1 + 0.5 * w
    cy = py1 + 0.5 * h

    dx = dx_ref[...] / 10.0
    dy = dy_ref[...] / 10.0
    dw = jnp.minimum(dw_ref[...] / 5.0, _CLIP)
    dh = jnp.minimum(dh_ref[...] / 5.0, _CLIP)
    pcx = dx * w + cx
    pcy = dy * h + cy
    pw = jnp.exp(dw) * w
    ph = jnp.exp(dh) * h
    x1 = jnp.clip(pcx - 0.5 * pw, 0.0, _IMG_W - 1.0)
    y1 = jnp.clip(pcy - 0.5 * ph, 0.0, _IMG_H - 1.0)
    x2 = jnp.clip(pcx + 0.5 * pw - 1.0, 0.0, _IMG_W - 1.0)
    y2 = jnp.clip(pcy + 0.5 * ph - 1.0, 0.0, _IMG_H - 1.0)

    pad_s = jnp.full((_CM1, _NP - _N), -1.0, dtype=jnp.float32)
    pad_z = jnp.zeros((_CM1, _NP - _N), dtype=jnp.float32)
    s_ref[:, :_N] = scores
    s_ref[:, _N:] = pad_s
    x1_ref[:, :_N] = x1
    x1_ref[:, _N:] = pad_z
    y1_ref[:, :_N] = y1
    y1_ref[:, _N:] = pad_z
    x2_ref[:, :_N] = x2
    x2_ref[:, _N:] = pad_z
    y2_ref[:, :_N] = y2
    y2_ref[:, _N:] = pad_z


def _sc_compact_kernel(s_hbm, x1_hbm, y1_hbm, x2_hbm, y2_hbm,
                       cs_hbm, cx1_hbm, cy1_hbm, cx2_hbm, cy2_hbm, cnt_hbm,
                       s_v, x1_v, y1_v, x2_v, y2_v,
                       cs_v, cx1_v, cy1_v, cx2_v, cy2_v, cnt_v):
    info = plsc.get_sparse_core_info()
    nc = info.num_cores
    wid = lax.axis_index("s") * nc + lax.axis_index("c")

    for k in range(3):
        c = wid + 32 * k

        @pl.when(c < _CM1)
        def _():
            pltpu.sync_copy(s_hbm.at[c], s_v)
            pltpu.sync_copy(x1_hbm.at[c], x1_v)
            pltpu.sync_copy(y1_hbm.at[c], y1_v)
            pltpu.sync_copy(x2_hbm.at[c], x2_v)
            pltpu.sync_copy(y2_hbm.at[c], y2_v)

            ones = jnp.ones((16,), dtype=jnp.int32)

            def body(j, cntv):
                sl = pl.ds(j * 16, 16)
                sv = s_v[sl]
                m = sv > _SCORE_THRESH
                pos = plsc.cumsum(jnp.where(m, ones, 0))
                idx = cntv + pos - 1
                plsc.store_scatter(cs_v, [idx], sv, mask=m)
                plsc.store_scatter(cx1_v, [idx], x1_v[sl], mask=m)
                plsc.store_scatter(cy1_v, [idx], y1_v[sl], mask=m)
                plsc.store_scatter(cx2_v, [idx], x2_v[sl], mask=m)
                plsc.store_scatter(cy2_v, [idx], y2_v[sl], mask=m)
                return cntv + plsc.all_reduce_population_count(m)

            cntv = lax.fori_loop(0, _NP // 16, body,
                                 jnp.zeros((16,), dtype=jnp.int32))
            cnt_v[...] = cntv
            pltpu.sync_copy(cnt_v, cnt_hbm.at[c])
            pltpu.sync_copy(cs_v.at[pl.ds(0, _K)], cs_hbm.at[c])
            pltpu.sync_copy(cx1_v.at[pl.ds(0, _K)], cx1_hbm.at[c])
            pltpu.sync_copy(cy1_v.at[pl.ds(0, _K)], cy1_hbm.at[c])
            pltpu.sync_copy(cx2_v.at[pl.ds(0, _K)], cx2_hbm.at[c])
            pltpu.sync_copy(cy2_v.at[pl.ds(0, _K)], cy2_hbm.at[c])


def _sc_compact(s, x1, y1, x2, y2):
    mesh = plsc.VectorSubcoreMesh(core_axis_name="c", subcore_axis_name="s")
    f32 = jnp.float32
    out_type = (
        jax.ShapeDtypeStruct((_CM1, _K), f32),
        jax.ShapeDtypeStruct((_CM1, _K), f32),
        jax.ShapeDtypeStruct((_CM1, _K), f32),
        jax.ShapeDtypeStruct((_CM1, _K), f32),
        jax.ShapeDtypeStruct((_CM1, _K), f32),
        jax.ShapeDtypeStruct((_CM1, 16), jnp.int32),
    )
    scratch = (
        [pltpu.VMEM((_NP,), f32)] * 5
        + [pltpu.VMEM((_NP + 32,), f32)] * 5
        + [pltpu.VMEM((16,), jnp.int32)]
    )
    fn = pl.kernel(_sc_compact_kernel, mesh=mesh, out_type=out_type,
                   scratch_types=scratch,
                   compiler_params=pltpu.CompilerParams(
                       needs_layout_passes=False))
    return fn(s, x1, y1, x2, y2)


def _nms_topk(scores, x1, y1, x2, y2, livef, width):
    dn = (((0,), (0,)), ((), ()))
    eo1 = lax.broadcasted_iota(jnp.int32, (_CM1, _CM1), 0)
    eo2 = lax.broadcasted_iota(jnp.int32, (_CM1, _CM1), 1)
    eye = (eo1 == eo2).astype(jnp.float32)

    def tr(x):
        return lax.dot_general(x, eye, dn, preferred_element_type=jnp.float32)

    sT = tr(scores)
    x1T = tr(x1)
    y1T = tr(y1)
    x2T = tr(x2)
    y2T = tr(y2)
    liveT = tr(livef)

    neg = jnp.float32(-jnp.inf)
    msT0 = jnp.where(liveT > 0.5, sT, neg)
    areaT = (x2T - x1T + 1.0) * (y2T - y1T + 1.0)
    sio = lax.broadcasted_iota(jnp.int32, (width, _CM1), 0)
    lio = lax.broadcasted_iota(jnp.int32, (width, _CM1), 1)
    outs0 = jnp.full((width, _CM1), -1.0, dtype=jnp.float32)

    def nms_cond(state):
        ms, _ = state
        return jnp.any(ms > neg)

    def nms_body(state):
        ms, out_s = state
        mx = jnp.max(ms, axis=0, keepdims=True)
        cand = jnp.logical_and(ms > neg, ms == mx)
        seli = jnp.min(jnp.where(cand, sio, width), axis=0, keepdims=True)
        sel = sio == seli
        sf = sel.astype(jnp.float32)
        bx1 = jnp.sum(x1T * sf, axis=0, keepdims=True)
        by1 = jnp.sum(y1T * sf, axis=0, keepdims=True)
        bx2 = jnp.sum(x2T * sf, axis=0, keepdims=True)
        by2 = jnp.sum(y2T * sf, axis=0, keepdims=True)
        ba = (bx2 - bx1 + 1.0) * (by2 - by1 + 1.0)
        iw = jnp.maximum(jnp.minimum(x2T, bx2) - jnp.maximum(x1T, bx1) + 1.0, 0.0)
        ih = jnp.maximum(jnp.minimum(y2T, by2) - jnp.maximum(y1T, by1) + 1.0, 0.0)
        inter = iw * ih
        iou = inter / (areaT + ba - inter)
        suppress = jnp.logical_or(iou > _NMS_THRESH, sel)
        out_s = jnp.where(sel, ms, out_s)
        ms = jnp.where(suppress, neg, ms)
        return ms, out_s

    def nms_body4(state):
        return nms_body(nms_body(nms_body(nms_body(state))))

    _, final_s = lax.while_loop(nms_cond, nms_body4, (msT0, outs0))

    lane = lax.broadcasted_iota(jnp.int32, (1, 128), 1)
    lane80 = lax.broadcasted_iota(jnp.int32, (1, _CM1), 1)
    cio1 = lax.broadcasted_iota(jnp.int32, (_CM1, 1), 0)
    zero = jnp.zeros((1, 128), dtype=jnp.float32)

    def topk_body(t, state):
        work, asc, alb, aii = state
        m1 = jnp.max(work, axis=0, keepdims=True)
        mg = jnp.max(m1, axis=1, keepdims=True)
        crow = jnp.min(jnp.where(m1 == mg, lane80, _CM1), axis=1,
                       keepdims=True)
        colm = lio == crow
        candm = jnp.logical_and(colm, work == mg)
        ii = jnp.min(jnp.where(candm, sio, width))
        sel = jnp.logical_and(colm, sio == ii)
        onehot = (lane == t).astype(jnp.float32)
        asc = asc + mg * onehot
        alb = alb + (crow + 1).astype(jnp.float32) * onehot
        aii = aii + ii.astype(jnp.float32) * onehot
        work = jnp.where(sel, -3.0, work)
        return work, asc, alb, aii

    init = (final_s, zero, zero, zero)
    _, asc, alb, aii = lax.fori_loop(0, _DET, topk_body, init)

    cls_oh = (cio1.astype(jnp.float32) == (alb - 1.0)).astype(jnp.float32)
    jio = lax.broadcasted_iota(jnp.int32, (width, 128), 0).astype(jnp.float32)
    lane_oh = (jio == aii).astype(jnp.float32)
    dn = (((0,), (0,)), ((), ()))

    def extract(x):
        w = lax.dot_general(x, cls_oh, dn,
                            preferred_element_type=jnp.float32)
        return jnp.sum(w * lane_oh, axis=0, keepdims=True)

    return extract(x1), extract(y1), extract(x2), extract(y2), asc, alb


def _select_kernel(cs_ref, cx1_ref, cy1_ref, cx2_ref, cy2_ref, cnt_ref,
                   s_ref, x1_ref, y1_ref, x2_ref, y2_ref, out_ref):
    counts = cnt_ref[:, 0:1]
    overflow = jnp.any(counts > _K)

    def compact_path():
        lanek = lax.broadcasted_iota(jnp.int32, (_CM1, _K), 1)
        live = lanek < counts
        cs = jnp.where(live, cs_ref[...], -1.0)
        cx1 = jnp.where(live, cx1_ref[...], 0.0)
        cy1 = jnp.where(live, cy1_ref[...], 0.0)
        cx2 = jnp.where(live, cx2_ref[...], 0.0)
        cy2 = jnp.where(live, cy2_ref[...], 0.0)
        return _nms_topk(cs, cx1, cy1, cx2, cy2,
                         live.astype(jnp.float32), _K)

    def full_path():
        s = s_ref[...]
        live = s > _SCORE_THRESH
        return _nms_topk(s, x1_ref[...], y1_ref[...],
                         x2_ref[...], y2_ref[...],
                         live.astype(jnp.float32), _NP)

    ax1, ay1, ax2, ay2, asc, alb = lax.cond(overflow, full_path, compact_path)
    out_ref[0:1, :] = ax1
    out_ref[1:2, :] = ay1
    out_ref[2:3, :] = ax2
    out_ref[3:4, :] = ay2
    out_ref[4:5, :] = asc
    out_ref[5:6, :] = alb
    out_ref[6:8, :] = jnp.zeros((2, 128), dtype=jnp.float32)


def kernel(class_logits, box_regression, proposals):
    br = box_regression.reshape(_N, _C, 4)
    dx = br[:, 1:, 0].T
    dy = br[:, 1:, 1].T
    dw = br[:, 1:, 2].T
    dh = br[:, 1:, 3].T
    lg = class_logits.T
    pr = proposals.T

    f32 = jnp.float32
    plane = jax.ShapeDtypeStruct((_CM1, _NP), f32)
    s, x1, y1, x2, y2 = pl.pallas_call(
        _decode_kernel,
        out_shape=(plane, plane, plane, plane, plane),
    )(lg, dx, dy, dw, dh, pr)

    cs, cx1, cy1, cx2, cy2, cnt = _sc_compact(s, x1, y1, x2, y2)

    out = pl.pallas_call(
        _select_kernel,
        out_shape=jax.ShapeDtypeStruct((8, 128), f32),
    )(cs, cx1, cy1, cx2, cy2, cnt, s, x1, y1, x2, y2)

    top_b = jnp.stack(
        [out[0, :_DET], out[1, :_DET], out[2, :_DET], out[3, :_DET]], axis=-1)
    top_s = out[4, :_DET]
    top_l = out[5, :_DET].astype(jnp.int32)
    return top_b, top_s, top_l

# --- scband reference (transcript-rebuilt; emitter-appended) ---
"""Pipeline reference for scband-post-processor-6734508720232 (READ-ONLY COPY).

The authoritative reference and input builder live on the scoring server;
editing this copy changes nothing except your own understanding.
"""

import jax, jax.numpy as jnp
import numpy as np
from jax import lax

N = 1000
C = 81
SCORE_THRESH = 0.05
NMS_THRESH = 0.5
DET_PER_IMG = 100
WX, WY, WW, WH = 10.0, 10.0, 5.0, 5.0
BBOX_XFORM_CLIP = float(np.log(1000.0 / 16.0))
IMG_W, IMG_H = 1333.0, 800.0


def setup_inputs(seed: int = 0):
    key = jax.random.key(seed)
    k1, k2, k3, k4 = jax.random.split(key, 4)
    class_logits = jax.random.normal(k1, (N, C), dtype=jnp.float32) * 3.0
    box_regression = jax.random.normal(k2, (N, C * 4), dtype=jnp.float32)
    xy = jax.random.uniform(k3, (N, 2), dtype=jnp.float32) * jnp.array([IMG_W * 0.8, IMG_H * 0.8], dtype=jnp.float32)
    wh = jax.random.uniform(k4, (N, 2), dtype=jnp.float32) * 200.0 + 8.0
    proposals = jnp.concatenate([xy, xy + wh], axis=1)
    return {"class_logits": class_logits, "box_regression": box_regression, "proposals": proposals}


def _decode(rel_codes, boxes):
    # BoxCoder.decode with weights (10, 10, 5, 5), class-specific deltas [N, C*4]
    widths = boxes[:, 2] - boxes[:, 0] + 1.0
    heights = boxes[:, 3] - boxes[:, 1] + 1.0
    ctr_x = boxes[:, 0] + 0.5 * widths
    ctr_y = boxes[:, 1] + 0.5 * heights
    dx = rel_codes[:, 0::4] / WX
    dy = rel_codes[:, 1::4] / WY
    dw = jnp.minimum(rel_codes[:, 2::4] / WW, BBOX_XFORM_CLIP)
    dh = jnp.minimum(rel_codes[:, 3::4] / WH, BBOX_XFORM_CLIP)
    pred_ctr_x = dx * widths[:, None] + ctr_x[:, None]
    pred_ctr_y = dy * heights[:, None] + ctr_y[:, None]
    pred_w = jnp.exp(dw) * widths[:, None]
    pred_h = jnp.exp(dh) * heights[:, None]
    x1 = pred_ctr_x - 0.5 * pred_w
    y1 = pred_ctr_y - 0.5 * pred_h
    x2 = pred_ctr_x + 0.5 * pred_w - 1.0
    y2 = pred_ctr_y + 0.5 * pred_h - 1.0
    return jnp.stack([x1, y1, x2, y2], axis=-1)  # [N, C, 4]


def _pairwise_iou(b):
    area = (b[:, 2] - b[:, 0] + 1.0) * (b[:, 3] - b[:, 1] + 1.0)
    xx1 = jnp.maximum(b[:, None, 0], b[None, :, 0])
    yy1 = jnp.maximum(b[:, None, 1], b[None, :, 1])
    xx2 = jnp.minimum(b[:, None, 2], b[None, :, 2])
    yy2 = jnp.minimum(b[:, None, 3], b[None, :, 3])
    w = jnp.maximum(xx2 - xx1 + 1.0, 0.0)
    h = jnp.maximum(yy2 - yy1 + 1.0, 0.0)
    inter = w * h
    return inter / (area[:, None] + area[None, :] - inter)


def _nms_class(args):
    # greedy NMS for one class; fixed-shape: suppressed entries keep score -1
    scores_j, boxes_j = args
    valid = scores_j > SCORE_THRESH
    masked = jnp.where(valid, scores_j, -1.0)
    order = jnp.argsort(-masked)
    s = masked[order]
    b = boxes_j[order]
    iou = _pairwise_iou(b)
    idx = jnp.arange(N)
    sup0 = jnp.logical_not(valid[order])

    def body(sup, i):
        keep_i = jnp.logical_not(sup[i])
        newly = jnp.logical_and(jnp.logical_and(keep_i, iou[i] > NMS_THRESH), idx > i)
        return jnp.logical_or(sup, newly), keep_i

    _, keep = lax.scan(body, sup0, idx)
    out_scores = jnp.where(keep, s, -1.0)
    return out_scores, b


def _forward(class_logits, box_regression, proposals):
    probs = jax.nn.softmax(class_logits, axis=-1)
    pred = _decode(box_regression, proposals)  # [N, C, 4]
    # clip_to_image(remove_empty=False), TO_REMOVE=1
    x1 = jnp.clip(pred[..., 0], 0.0, IMG_W - 1.0)
    y1 = jnp.clip(pred[..., 1], 0.0, IMG_H - 1.0)
    x2 = jnp.clip(pred[..., 2], 0.0, IMG_W - 1.0)
    y2 = jnp.clip(pred[..., 3], 0.0, IMG_H - 1.0)
    pred = jnp.stack([x1, y1, x2, y2], axis=-1)
    cls_boxes = jnp.transpose(pred, (1, 0, 2))[1:]  # skip background class 0
    cls_scores = probs.T[1:]
    sc, bx = lax.map(_nms_class, (cls_scores, cls_boxes))  # [C-1, N], [C-1, N, 4]
    labels = jnp.broadcast_to(jnp.arange(1, C, dtype=jnp.int64 if jax.config.jax_enable_x64 else jnp.int32)[:, None], (C - 1, N))
    flat_s = sc.reshape(-1)
    flat_b = bx.reshape(-1, 4)
    flat_l = labels.reshape(-1)
    top_s, top_idx = lax.top_k(flat_s, DET_PER_IMG)
    top_b = flat_b[top_idx]
    top_l = flat_l[top_idx]
    return top_b, top_s, top_l


def reference(class_logits, box_regression, proposals):
    return _forward(class_logits, box_regression, proposals)

if __name__ == "__main__":
    import jax
    _d = setup_inputs()
    print(jax.jit(kernel)(*tuple(_d.values())))

</pallas_src>

<mosaic_0001>
#map = affine_map<(d0, d1) -> (0, 0)>
module attributes {stable_mosaic.version = 14 : i64} {
  func.func @_sc_compact_kernel(%arg0: i32, %arg1: i32, %arg2: memref<80x1024xf32, #tpu.memory_space<hbm>>, %arg3: memref<80x1024xf32, #tpu.memory_space<hbm>>, %arg4: memref<80x1024xf32, #tpu.memory_space<hbm>>, %arg5: memref<80x1024xf32, #tpu.memory_space<hbm>>, %arg6: memref<80x1024xf32, #tpu.memory_space<hbm>>, %arg7: memref<80x128xf32, #tpu.memory_space<hbm>>, %arg8: memref<80x128xf32, #tpu.memory_space<hbm>>, %arg9: memref<80x128xf32, #tpu.memory_space<hbm>>, %arg10: memref<80x128xf32, #tpu.memory_space<hbm>>, %arg11: memref<80x128xf32, #tpu.memory_space<hbm>>, %arg12: memref<80x16xi32, #tpu.memory_space<hbm>>, %arg13: memref<1024xf32, #tpu.memory_space<vmem>>, %arg14: memref<1024xf32, #tpu.memory_space<vmem>>, %arg15: memref<1024xf32, #tpu.memory_space<vmem>>, %arg16: memref<1024xf32, #tpu.memory_space<vmem>>, %arg17: memref<1024xf32, #tpu.memory_space<vmem>>, %arg18: memref<1056xf32, #tpu.memory_space<vmem>>, %arg19: memref<1056xf32, #tpu.memory_space<vmem>>, %arg20: memref<1056xf32, #tpu.memory_space<vmem>>, %arg21: memref<1056xf32, #tpu.memory_space<vmem>>, %arg22: memref<1056xf32, #tpu.memory_space<vmem>>, %arg23: memref<16xi32, #tpu.memory_space<vmem>>) attributes {dimension_semantics = [#tpu.dimension_semantics<core_parallel>, #tpu.dimension_semantics<subcore_parallel>], iteration_bounds = array<i64: 2, 16>, scalar_prefetch = 0 : i64, scratch_operands = 11 : i64, tpu.core_type = #tpu.core_type<sc_vector_subcore>, window_params = [{transform_indices = #map}, {transform_indices = #map}, {transform_indices = #map}, {transform_indices = #map}, {transform_indices = #map}, {transform_indices = #map}, {transform_indices = #map}, {transform_indices = #map}, {transform_indices = #map}, {transform_indices = #map}, {transform_indices = #map}]} {
    %mul3A = arith.constant 2 : i32
    %mul3A_0 = arith.muli %arg1, %mul3A : i32
    %add3A = arith.addi %mul3A_0, %arg0 : i32
    %add3A_1 = arith.constant 0 : i32
    %add3A_2 = arith.addi %add3A, %add3A_1 : i32
    %lt3A = arith.constant 80 : i32
    %lt3A_3 = arith.cmpi slt, %add3A_2, %lt3A : i32
    %convert_element_type3A = arith.extui %lt3A_3 : i1 to i32
    %cond3A = arith.constant 0 : i32
    %cond3A_4 = arith.cmpi ne, %convert_element_type3A, %cond3A : i32
    scf.if %cond3A_4 {
      "tpu.region"() ({
        %run_scoped3A = tpu.sem_alloc : memref<!tpu.dma_semaphore, #tpu.memory_space<semaphore_mem>>
        %dma_start3A = arith.constant 0 : i32
        %dma_start3A_28 = tpu.memref_slice %arg2[%add3A_2, %dma_start3A] : memref<80x1024xf32, #tpu.memory_space<hbm>> -> memref<1x1024xf32, #tpu.memory_space<hbm>>
        %dma_start3A_29 = tpu.memref_squeeze %dma_start3A_28 : memref<1x1024xf32, #tpu.memory_space<hbm>> -> memref<1024xf32, #tpu.memory_space<hbm>>
        %dma_start3A_30 = arith.constant 0 : i32
        %dma_start3A_31 = tpu.memref_slice %arg2[%add3A_2, %dma_start3A_30] : memref<80x1024xf32, #tpu.memory_space<hbm>> -> memref<1x1024xf32, #tpu.memory_space<hbm>>
        %dma_start3A_32 = tpu.memref_squeeze %dma_start3A_31 : memref<1x1024xf32, #tpu.memory_space<hbm>> -> memref<1024xf32, #tpu.memory_space<hbm>>
        tpu.enqueue_dma source(%dma_start3A_32 : memref<1024xf32, #tpu.memory_space<hbm>>) target(%arg13 : memref<1024xf32, #tpu.memory_space<vmem>>) target_semaphore(%run_scoped3A : memref<!tpu.dma_semaphore, #tpu.memory_space<semaphore_mem>>)
        %dma_wait3A = arith.constant 0 : i32
        %dma_wait3A_33 = tpu.memref_slice %arg2[%add3A_2, %dma_wait3A] : memref<80x1024xf32, #tpu.memory_space<hbm>> -> memref<1x1024xf32, #tpu.memory_space<hbm>>
        %dma_wait3A_34 = tpu.memref_squeeze %dma_wait3A_33 : memref<1x1024xf32, #tpu.memory_space<hbm>> -> memref<1024xf32, #tpu.memory_space<hbm>>
        %dma_wait3A_35 = arith.constant 0 : i32
        %dma_wait3A_36 = tpu.memref_slice %arg2[%add3A_2, %dma_wait3A_35] : memref<80x1024xf32, #tpu.memory_space<hbm>> -> memref<1x1024xf32, #tpu.memory_space<hbm>>
        %dma_wait3A_37 = tpu.memref_squeeze %dma_wait3A_36 : memref<1x1024xf32, #tpu.memory_space<hbm>> -> memref<1024xf32, #tpu.memory_space<hbm>>
        tpu.wait_dma2 semaphore(%run_scoped3A : memref<!tpu.dma_semaphore, #tpu.memory_space<semaphore_mem>>) src(%dma_wait3A_37 : memref<1024xf32, #tpu.memory_space<hbm>>) dst(%arg13 : memref<1024xf32, #tpu.memory_space<vmem>>)
        tpu.yield
      }) : () -> ()
      "tpu.region"() ({
        %run_scoped3A = tpu.sem_alloc : memref<!tpu.dma_semaphore, #tpu.memory_space<semaphore_mem>>
        %dma_start3A = arith.constant 0 : i32
        %dma_start3A_28 = tpu.memref_slice %arg3[%add3A_2, %dma_start3A] : memref<80x1024xf32, #tpu.memory_space<hbm>> -> memref<1x1024xf32, #tpu.memory_space<hbm>>
        %dma_start3A_29 = tpu.memref_squeeze %dma_start3A_28 : memref<1x1024xf32, #tpu.memory_space<hbm>> -> memref<1024xf32, #tpu.memory_space<hbm>>
        %dma_start3A_30 = arith.constant 0 : i32
        %dma_start3A_31 = tpu.memref_slice %arg3[%add3A_2, %dma_start3A_30] : memref<80x1024xf32, #tpu.memory_space<hbm>> -> memref<1x1024xf32, #tpu.memory_space<hbm>>
        %dma_start3A_32 = tpu.memref_squeeze %dma_start3A_31 : memref<1x1024xf32, #tpu.memory_space<hbm>> -> memref<1024xf32, #tpu.memory_space<hbm>>
        tpu.enqueue_dma source(%dma_start3A_32 : memref<1024xf32, #tpu.memory_space<hbm>>) target(%arg14 : memref<1024xf32, #tpu.memory_space<vmem>>) target_semaphore(%run_scoped3A : memref<!tpu.dma_semaphore, #tpu.memory_space<semaphore_mem>>)
        %dma_wait3A = arith.constant 0 : i32
        %dma_wait3A_33 = tpu.memref_slice %arg3[%add3A_2, %dma_wait3A] : memref<80x1024xf32, #tpu.memory_space<hbm>> -> memref<1x1024xf32, #tpu.memory_space<hbm>>
        %dma_wait3A_34 = tpu.memref_squeeze %dma_wait3A_33 : memref<1x1024xf32, #tpu.memory_space<hbm>> -> memref<1024xf32, #tpu.memory_space<hbm>>
        %dma_wait3A_35 = arith.constant 0 : i32
        %dma_wait3A_36 = tpu.memref_slice %arg3[%add3A_2, %dma_wait3A_35] : memref<80x1024xf32, #tpu.memory_space<hbm>> -> memref<1x1024xf32, #tpu.memory_space<hbm>>
        %dma_wait3A_37 = tpu.memref_squeeze %dma_wait3A_36 : memref<1x1024xf32, #tpu.memory_space<hbm>> -> memref<1024xf32, #tpu.memory_space<hbm>>
        tpu.wait_dma2 semaphore(%run_scoped3A : memref<!tpu.dma_semaphore, #tpu.memory_space<semaphore_mem>>) src(%dma_wait3A_37 : memref<1024xf32, #tpu.memory_space<hbm>>) dst(%arg14 : memref<1024xf32, #tpu.memory_space<vmem>>)
        tpu.yield
      }) : () -> ()
      "tpu.region"() ({
        %run_scoped3A = tpu.sem_alloc : memref<!tpu.dma_semaphore, #tpu.memory_space<semaphore_mem>>
        %dma_start3A = arith.constant 0 : i32
        %dma_start3A_28 = tpu.memref_slice %arg4[%add3A_2, %dma_start3A] : memref<80x1024xf32, #tpu.memory_space<hbm>> -> memref<1x1024xf32, #tpu.memory_space<hbm>>
        %dma_start3A_29 = tpu.memref_squeeze %dma_start3A_28 : memref<1x1024xf32, #tpu.memory_space<hbm>> -> memref<1024xf32, #tpu.memory_space<hbm>>
        %dma_start3A_30 = arith.constant 0 : i32
        %dma_start3A_31 = tpu.memref_slice %arg4[%add3A_2, %dma_start3A_30] : memref<80x1024xf32, #tpu.memory_space<hbm>> -> memref<1x1024xf32, #tpu.memory_space<hbm>>
        %dma_start3A_32 = tpu.memref_squeeze %dma_start3A_31 : memref<1x1024xf32, #tpu.memory_space<hbm>> -> memref<1024xf32, #tpu.memory_space<hbm>>
        tpu.enqueue_dma source(%dma_start3A_32 : memref<1024xf32, #tpu.memory_space<hbm>>) target(%arg15 : memref<1024xf32, #tpu.memory_space<vmem>>) target_semaphore(%run_scoped3A : memref<!tpu.dma_semaphore, #tpu.memory_space<semaphore_mem>>)
        %dma_wait3A = arith.constant 0 : i32
        %dma_wait3A_33 = tpu.memref_slice %arg4[%add3A_2, %dma_wait3A] : memref<80x1024xf32, #tpu.memory_space<hbm>> -> memref<1x1024xf32, #tpu.memory_space<hbm>>
        %dma_wait3A_34 = tpu.memref_squeeze %dma_wait3A_33 : memref<1x1024xf32, #tpu.memory_space<hbm>> -> memref<1024xf32, #tpu.memory_space<hbm>>
        %dma_wait3A_35 = arith.constant 0 : i32
        %dma_wait3A_36 = tpu.memref_slice %arg4[%add3A_2, %dma_wait3A_35] : memref<80x1024xf32, #tpu.memory_space<hbm>> -> memref<1x1024xf32, #tpu.memory_space<hbm>>
        %dma_wait3A_37 = tpu.memref_squeeze %dma_wait3A_36 : memref<1x1024xf32, #tpu.memory_space<hbm>> -> memref<1024xf32, #tpu.memory_space<hbm>>
        tpu.wait_dma2 semaphore(%run_scoped3A : memref<!tpu.dma_semaphore, #tpu.memory_space<semaphore_mem>>) src(%dma_wait3A_37 : memref<1024xf32, #tpu.memory_space<hbm>>) dst(%arg15 : memref<1024xf32, #tpu.memory_space<vmem>>)
        tpu.yield
      }) : () -> ()
      "tpu.region"() ({
        %run_scoped3A = tpu.sem_alloc : memref<!tpu.dma_semaphore, #tpu.memory_space<semaphore_mem>>
        %dma_start3A = arith.constant 0 : i32
        %dma_start3A_28 = tpu.memref_slice %arg5[%add3A_2, %dma_start3A] : memref<80x1024xf32, #tpu.memory_space<hbm>> -> memref<1x1024xf32, #tpu.memory_space<hbm>>
        %dma_start3A_29 = tpu.memref_squeeze %dma_start3A_28 : memref<1x1024xf32, #tpu.memory_space<hbm>> -> memref<1024xf32, #tpu.memory_space<hbm>>
        %dma_start3A_30 = arith.constant 0 : i32
        %dma_start3A_31 = tpu.memref_slice %arg5[%add3A_2, %dma_start3A_30] : memref<80x1024xf32, #tpu.memory_space<hbm>> -> memref<1x1024xf32, #tpu.memory_space<hbm>>
        %dma_start3A_32 = tpu.memref_squeeze %dma_start3A_31 : memref<1x1024xf32, #tpu.memory_space<hbm>> -> memref<1024xf32, #tpu.memory_space<hbm>>
        tpu.enqueue_dma source(%dma_start3A_32 : memref<1024xf32, #tpu.memory_space<hbm>>) target(%arg16 : memref<1024xf32, #tpu.memory_space<vmem>>) target_semaphore(%run_scoped3A : memref<!tpu.dma_semaphore, #tpu.memory_space<semaphore_mem>>)
        %dma_wait3A = arith.constant 0 : i32
        %dma_wait3A_33 = tpu.memref_slice %arg5[%add3A_2, %dma_wait3A] : memref<80x1024xf32, #tpu.memory_space<hbm>> -> memref<1x1024xf32, #tpu.memory_space<hbm>>
        %dma_wait3A_34 = tpu.memref_squeeze %dma_wait3A_33 : memref<1x1024xf32, #tpu.memory_space<hbm>> -> memref<1024xf32, #tpu.memory_space<hbm>>
        %dma_wait3A_35 = arith.constant 0 : i32
        %dma_wait3A_36 = tpu.memref_slice %arg5[%add3A_2, %dma_wait3A_35] : memref<80x1024xf32, #tpu.memory_space<hbm>> -> memref<1x1024xf32, #tpu.memory_space<hbm>>
        %dma_wait3A_37 = tpu.memref_squeeze %dma_wait3A_36 : memref<1x1024xf32, #tpu.memory_space<hbm>> -> memref<1024xf32, #tpu.memory_space<hbm>>
        tpu.wait_dma2 semaphore(%run_scoped3A : memref<!tpu.dma_semaphore, #tpu.memory_space<semaphore_mem>>) src(%dma_wait3A_37 : memref<1024xf32, #tpu.memory_space<hbm>>) dst(%arg16 : memref<1024xf32, #tpu.memory_space<vmem>>)
        tpu.yield
      }) : () -> ()
      "tpu.region"() ({
        %run_scoped3A = tpu.sem_alloc : memref<!tpu.dma_semaphore, #tpu.memory_space<semaphore_mem>>
        %dma_start3A = arith.constant 0 : i32
        %dma_start3A_28 = tpu.memref_slice %arg6[%add3A_2, %dma_start3A] : memref<80x1024xf32, #tpu.memory_space<hbm>> -> memref<1x1024xf32, #tpu.memory_space<hbm>>
        %dma_start3A_29 = tpu.memref_squeeze %dma_start3A_28 : memref<1x1024xf32, #tpu.memory_space<hbm>> -> memref<1024xf32, #tpu.memory_space<hbm>>
        %dma_start3A_30 = arith.constant 0 : i32
        %dma_start3A_31 = tpu.memref_slice %arg6[%add3A_2, %dma_start3A_30] : memref<80x1024xf32, #tpu.memory_space<hbm>> -> memref<1x1024xf32, #tpu.memory_space<hbm>>
        %dma_start3A_32 = tpu.memref_squeeze %dma_start3A_31 : memref<1x1024xf32, #tpu.memory_space<hbm>> -> memref<1024xf32, #tpu.memory_space<hbm>>
        tpu.enqueue_dma source(%dma_start3A_32 : memref<1024xf32, #tpu.memory_space<hbm>>) target(%arg17 : memref<1024xf32, #tpu.memory_space<vmem>>) target_semaphore(%run_scoped3A : memref<!tpu.dma_semaphore, #tpu.memory_space<semaphore_mem>>)
        %dma_wait3A = arith.constant 0 : i32
        %dma_wait3A_33 = tpu.memref_slice %arg6[%add3A_2, %dma_wait3A] : memref<80x1024xf32, #tpu.memory_space<hbm>> -> memref<1x1024xf32, #tpu.memory_space<hbm>>
        %dma_wait3A_34 = tpu.memref_squeeze %dma_wait3A_33 : memref<1x1024xf32, #tpu.memory_space<hbm>> -> memref<1024xf32, #tpu.memory_space<hbm>>
        %dma_wait3A_35 = arith.constant 0 : i32
        %dma_wait3A_36 = tpu.memref_slice %arg6[%add3A_2, %dma_wait3A_35] : memref<80x1024xf32, #tpu.memory_space<hbm>> -> memref<1x1024xf32, #tpu.memory_space<hbm>>
        %dma_wait3A_37 = tpu.memref_squeeze %dma_wait3A_36 : memref<1x1024xf32, #tpu.memory_space<hbm>> -> memref<1024xf32, #tpu.memory_space<hbm>>
        tpu.wait_dma2 semaphore(%run_scoped3A : memref<!tpu.dma_semaphore, #tpu.memory_space<semaphore_mem>>) src(%dma_wait3A_37 : memref<1024xf32, #tpu.memory_space<hbm>>) dst(%arg17 : memref<1024xf32, #tpu.memory_space<vmem>>)
        tpu.yield
      }) : () -> ()
      %broadcast_in_dim3A = arith.constant 1 : i32
      %broadcast_in_dim3A_19 = vector.broadcast %broadcast_in_dim3A : i32 to vector<16xi32>
      %broadcast_in_dim3A_20 = arith.constant 0 : i32
      %broadcast_in_dim3A_21 = vector.broadcast %broadcast_in_dim3A_20 : i32 to vector<16xi32>
      %scan3A = arith.constant 0 : i32
      %scan3A_22 = arith.constant 64 : i32
      %scan3A_23 = arith.addi %scan3A, %scan3A_22 : i32
      %scan3A_24 = arith.constant 1 : i32
      %scan3A_25 = scf.for %scan3A_28 = %scan3A to %scan3A_23 step %scan3A_24 iter_args(%scan3A_29 = %broadcast_in_dim3A_21) -> (vector<16xi32>)  : i32 {
        %mul3A_30 = arith.constant 16 : i32
        %mul3A_31 = arith.muli %scan3A_28, %mul3A_30 : i32
        %get3A = arith.index_cast %mul3A_31 : i32 to index
        %get3A_32 = tpu.vector_load %arg13[%get3A] {strides = array<i32>} : memref<1024xf32, #tpu.memory_space<vmem>>, vector<16xf32>,
        %gt3A = arith.constant 5.000000e-02 : f32
        %gt3A_33 = vector.broadcast %gt3A : f32 to vector<16xf32>
        %gt3A_34 = arith.cmpf ogt, %get3A_32, %gt3A_33 : vector<16xf32>
        %jit3A = arith.constant 0 : i32
        %broadcast_in_dim3A_35 = vector.broadcast %jit3A : i32 to vector<16xi32>
        %select_n3A = arith.select %gt3A_34, %broadcast_in_dim3A_19, %broadcast_in_dim3A_35 : vector<16xi1>, vector<16xi32>
        %broadcast_in_dim3A_36 = arith.constant true
        %broadcast_in_dim3A_37 = vector.broadcast %broadcast_in_dim3A_36 : i1 to vector<16xi1>
        %masked_cumsum3A = tpu.scan <sum>, %select_n3A masked %broadcast_in_dim3A_37 : vector<16xi32>, vector<16xi1> -> vector<16xi32>
        %add3A_38 = arith.addi %scan3A_29, %masked_cumsum3A : vector<16xi32>
        %sub3A = arith.constant 1 : i32
        %sub3A_39 = vector.broadcast %sub3A : i32 to vector<16xi32>
        %sub3A_40 = arith.subi %add3A_38, %sub3A_39 : vector<16xi32>
        tpu.vector_store_idx %arg18[%sub3A_40], %get3A_32 masked %gt3A_34 : memref<1056xf32, #tpu.memory_space<vmem>>[vector<16xi32>], vector<16xf32>, vector<16xi1>
        %get3A_41 = arith.index_cast %mul3A_31 : i32 to index
        %get3A_42 = tpu.vector_load %arg14[%get3A_41] {strides = array<i32>} : memref<1024xf32, #tpu.memory_space<vmem>>, vector<16xf32>,
        tpu.vector_store_idx %arg19[%sub3A_40], %get3A_42 masked %gt3A_34 : memref<1056xf32, #tpu.memory_space<vmem>>[vector<16xi32>], vector<16xf32>, vector<16xi1>
        %get3A_43 = arith.index_cast %mul3A_31 : i32 to index
        %get3A_44 = tpu.vector_load %arg15[%get3A_43] {strides = array<i32>} : memref<1024xf32, #tpu.memory_space<vmem>>, vector<16xf32>,
        tpu.vector_store_idx %arg20[%sub3A_40], %get3A_44 masked %gt3A_34 : memref<1056xf32, #tpu.memory_space<vmem>>[vector<16xi32>], vector<16xf32>, vector<16xi1>
        %get3A_45 = arith.index_cast %mul3A_31 : i32 to index
        %get3A_46 = tpu.vector_load %arg16[%get3A_45] {strides = array<i32>} : memref<1024xf32, #tpu.memory_space<vmem>>, vector<16xf32>,
        tpu.vector_store_idx %arg21[%sub3A_40], %get3A_46 masked %gt3A_34 : memref<1056xf32, #tpu.memory_space<vmem>>[vector<16xi32>], vector<16xf32>, vector<16xi1>
        %get3A_47 = arith.index_cast %mul3A_31 : i32 to index
        %get3A_48 = tpu.vector_load %arg17[%get3A_47] {strides = array<i32>} : memref<1024xf32, #tpu.memory_space<vmem>>, vector<16xf32>,
        tpu.vector_store_idx %arg22[%sub3A_40], %get3A_48 masked %gt3A_34 : memref<1056xf32, #tpu.memory_space<vmem>>[vector<16xi32>], vector<16xf32>, vector<16xi1>
        %all_reduce_population_count3A = tpu.all_reduce %gt3A_34 {dim = 0 : i64, kind = #tpu.reduction_kind<sum>} : vector<16xi1> -> vector<16xi32>
        %add3A_49 = arith.addi %scan3A_29, %all_reduce_population_count3A : vector<16xi32>
        scf.yield %add3A_49 : vector<16xi32>
      }
      %scan3A_26 = arith.constant 64 : i32
      %swap3A = arith.constant 0 : index
      %swap3A_27 = tpu.vector_load %arg23[%swap3A] {strides = array<i32>} : memref<16xi32, #tpu.memory_space<vmem>>, vector<16xi32>,
      tpu.vector_store %arg23[%swap3A], %scan3A_25 {strides = array<i32>} : memref<16xi32, #tpu.memory_space<vmem>>, vector<16xi32>,
      "tpu.region"() ({
        %run_scoped3A = tpu.sem_alloc : memref<!tpu.dma_semaphore, #tpu.memory_space<semaphore_mem>>
        %dma_start3A = arith.constant 0 : i32
        %dma_start3A_28 = tpu.memref_slice %arg12[%add3A_2, %dma_start3A] : memref<80x16xi32, #tpu.memory_space<hbm>> -> memref<1x16xi32, #tpu.memory_space<hbm>>
        %dma_start3A_29 = tpu.memref_squeeze %dma_start3A_28 : memref<1x16xi32, #tpu.memory_space<hbm>> -> memref<16xi32, #tpu.memory_space<hbm>>
        %dma_start3A_30 = arith.constant 0 : i32
        %dma_start3A_31 = tpu.memref_slice %arg12[%add3A_2, %dma_start3A_30] : memref<80x16xi32, #tpu.memory_space<hbm>> -> memref<1x16xi32, #tpu.memory_space<hbm>>
        %dma_start3A_32 = tpu.memref_squeeze %dma_start3A_31 : memref<1x16xi32, #tpu.memory_space<hbm>> -> memref<16xi32, #tpu.memory_space<hbm>>
        tpu.enqueue_dma source(%arg23 : memref<16xi32, #tpu.memory_space<vmem>>) target(%dma_start3A_32 : memref<16xi32, #tpu.memory_space<hbm>>) target_semaphore(%run_scoped3A : memref<!tpu.dma_semaphore, #tpu.memory_space<semaphore_mem>>)
        %dma_wait3A = arith.constant 0 : i32
        %dma_wait3A_33 = tpu.memref_slice %arg12[%add3A_2, %dma_wait3A] : memref<80x16xi32, #tpu.memory_space<hbm>> -> memref<1x16xi32, #tpu.memory_space<hbm>>
        %dma_wait3A_34 = tpu.memref_squeeze %dma_wait3A_33 : memref<1x16xi32, #tpu.memory_space<hbm>> -> memref<16xi32, #tpu.memory_space<hbm>>
        %dma_wait3A_35 = arith.constant 0 : i32
        %dma_wait3A_36 = tpu.memref_slice %arg12[%add3A_2, %dma_wait3A_35] : memref<80x16xi32, #tpu.memory_space<hbm>> -> memref<1x16xi32, #tpu.memory_space<hbm>>
        %dma_wait3A_37 = tpu.memref_squeeze %dma_wait3A_36 : memref<1x16xi32, #tpu.memory_space<hbm>> -> memref<16xi32, #tpu.memory_space<hbm>>
        tpu.wait_dma2 semaphore(%run_scoped3A : memref<!tpu.dma_semaphore, #tpu.memory_space<semaphore_mem>>) src(%arg23 : memref<16xi32, #tpu.memory_space<vmem>>) dst(%dma_wait3A_37 : memref<16xi32, #tpu.memory_space<hbm>>)
        tpu.yield
      }) : () -> ()
      "tpu.region"() ({
        %run_scoped3A = tpu.sem_alloc : memref<!tpu.dma_semaphore, #tpu.memory_space<semaphore_mem>>
        %dma_start3A = arith.constant 0 : i32
        %dma_start3A_28 = tpu.memref_slice %arg18[%dma_start3A] : memref<1056xf32, #tpu.memory_space<vmem>> -> memref<128xf32, #tpu.memory_space<vmem>>
        %dma_start3A_29 = arith.constant 0 : i32
        %dma_start3A_30 = tpu.memref_slice %arg7[%add3A_2, %dma_start3A_29] : memref<80x128xf32, #tpu.memory_space<hbm>> -> memref<1x128xf32, #tpu.memory_space<hbm>>
        %dma_start3A_31 = tpu.memref_squeeze %dma_start3A_30 : memref<1x128xf32, #tpu.memory_space<hbm>> -> memref<128xf32, #tpu.memory_space<hbm>>
        %dma_start3A_32 = arith.constant 0 : i32
        %dma_start3A_33 = tpu.memref_slice %arg7[%add3A_2, %dma_start3A_32] : memref<80x128xf32, #tpu.memory_space<hbm>> -> memref<1x128xf32, #tpu.memory_space<hbm>>
        %dma_start3A_34 = tpu.memref_squeeze %dma_start3A_33 : memref<1x128xf32, #tpu.memory_space<hbm>> -> memref<128xf32, #tpu.memory_space<hbm>>
        %dma_start3A_35 = arith.constant 0 : i32
        %dma_start3A_36 = tpu.memref_slice %arg18[%dma_start3A_35] : memref<1056xf32, #tpu.memory_space<vmem>> -> memref<128xf32, #tpu.memory_space<vmem>>
        tpu.enqueue_dma source(%dma_start3A_36 : memref<128xf32, #tpu.memory_space<vmem>>) target(%dma_start3A_34 : memref<128xf32, #tpu.memory_space<hbm>>) target_semaphore(%run_scoped3A : memref<!tpu.dma_semaphore, #tpu.memory_space<semaphore_mem>>)
        %dma_wait3A = arith.constant 0 : i32
        %dma_wait3A_37 = tpu.memref_slice %arg18[%dma_wait3A] : memref<1056xf32, #tpu.memory_space<vmem>> -> memref<128xf32, #tpu.memory_space<vmem>>
        %dma_wait3A_38 = arith.constant 0 : i32
        %dma_wait3A_39 = tpu.memref_slice %arg7[%add3A_2, %dma_wait3A_38] : memref<80x128xf32, #tpu.memory_space<hbm>> -> memref<1x128xf32, #tpu.memory_space<hbm>>
        %dma_wait3A_40 = tpu.memref_squeeze %dma_wait3A_39 : memref<1x128xf32, #tpu.memory_space<hbm>> -> memref<128xf32, #tpu.memory_space<hbm>>
        %dma_wait3A_41 = arith.constant 0 : i32
        %dma_wait3A_42 = tpu.memref_slice %arg7[%add3A_2, %dma_wait3A_41] : memref<80x128xf32, #tpu.memory_space<hbm>> -> memref<1x128xf32, #tpu.memory_space<hbm>>
        %dma_wait3A_43 = tpu.memref_squeeze %dma_wait3A_42 : memref<1x128xf32, #tpu.memory_space<hbm>> -> memref<128xf32, #tpu.memory_space<hbm>>
        %dma_wait3A_44 = arith.constant 0 : i32
        %dma_wait3A_45 = tpu.memref_slice %arg18[%dma_wait3A_44] : memref<1056xf32, #tpu.memory_space<vmem>> -> memref<128xf32, #tpu.memory_space<vmem>>
        tpu.wait_dma2 semaphore(%run_scoped3A : memref<!tpu.dma_semaphore, #tpu.memory_space<semaphore_mem>>) src(%dma_wait3A_45 : memref<128xf32, #tpu.memory_space<vmem>>) dst(%dma_wait3A_43 : memref<128xf32, #tpu.memory_space<hbm>>)
        tpu.yield
      }) : () -> ()
      "tpu.region"() ({
        %run_scoped3A = tpu.sem_alloc : memref<!tpu.dma_semaphore, #tpu.memory_space<semaphore_mem>>
        %dma_start3A = arith.constant 0 : i32
        %dma_start3A_28 = tpu.memref_slice %arg19[%dma_start3A] : memref<1056xf32, #tpu.memory_space<vmem>> -> memref<128xf32, #tpu.memory_space<vmem>>
        %dma_start3A_29 = arith.constant 0 : i32
        %dma_start3A_30 = tpu.memref_slice %arg8[%add3A_2, %dma_start3A_29] : memref<80x128xf32, #tpu.memory_space<hbm>> -> memref<1x128xf32, #tpu.memory_space<hbm>>
        %dma_start3A_31 = tpu.memref_squeeze %dma_start3A_30 : memref<1x128xf32, #tpu.memory_space<hbm>> -> memref<128xf32, #tpu.memory_space<hbm>>
        %dma_start3A_32 = arith.constant 0 : i32
        %dma_start3A_33 = tpu.memref_slice %arg8[%add3A_2, %dma_start3A_32] : memref<80x128xf32, #tpu.memory_space<hbm>> -> memref<1x128xf32, #tpu.memory_space<hbm>>
        %dma_start3A_34 = tpu.memref_squeeze %dma_start3A_33 : memref<1x128xf32, #tpu.memory_space<hbm>> -> memref<128xf32, #tpu.memory_space<hbm>>
        %dma_start3A_35 = arith.constant 0 : i32
        %dma_start3A_36 = tpu.memref_slice %arg19[%dma_start3A_35] : memref<1056xf32, #tpu.memory_space<vmem>> -> memref<128xf32, #tpu.memory_space<vmem>>
        tpu.enqueue_dma source(%dma_start3A_36 : memref<128xf32, #tpu.memory_space<vmem>>) target(%dma_start3A_34 : memref<128xf32, #tpu.memory_space<hbm>>) target_semaphore(%run_scoped3A : memref<!tpu.dma_semaphore, #tpu.memory_space<semaphore_mem>>)
        %dma_wait3A = arith.constant 0 : i32
        %dma_wait3A_37 = tpu.memref_slice %arg19[%dma_wait3A] : memref<1056xf32, #tpu.memory_space<vmem>> -> memref<128xf32, #tpu.memory_space<vmem>>
        %dma_wait3A_38 = arith.constant 0 : i32
        %dma_wait3A_39 = tpu.memref_slice %arg8[%add3A_2, %dma_wait3A_38] : memref<80x128xf32, #tpu.memory_space<hbm>> -> memref<1x128xf32, #tpu.memory_space<hbm>>
        %dma_wait3A_40 = tpu.memref_squeeze %dma_wait3A_39 : memref<1x128xf32, #tpu.memory_space<hbm>> -> memref<128xf32, #tpu.memory_space<hbm>>
        %dma_wait3A_41 = arith.constant 0 : i32
        %dma_wait3A_42 = tpu.memref_slice %arg8[%add3A_2, %dma_wait3A_41] : memref<80x128xf32, #tpu.memory_space<hbm>> -> memref<1x128xf32, #tpu.memory_space<hbm>>
        %dma_wait3A_43 = tpu.memref_squeeze %dma_wait3A_42 : memref<1x128xf32, #tpu.memory_space<hbm>> -> memref<128xf32, #tpu.memory_space<hbm>>
        %dma_wait3A_44 = arith.constant 0 : i32
        %dma_wait3A_45 = tpu.memref_slice %arg19[%dma_wait3A_44] : memref<1056xf32, #tpu.memory_space<vmem>> -> memref<128xf32, #tpu.memory_space<vmem>>
        tpu.wait_dma2 semaphore(%run_scoped3A : memref<!tpu.dma_semaphore, #tpu.memory_space<semaphore_mem>>) src(%dma_wait3A_45 : memref<128xf32, #tpu.memory_space<vmem>>) dst(%dma_wait3A_43 : memref<128xf32, #tpu.memory_space<hbm>>)
        tpu.yield
      }) : () -> ()
      "tpu.region"() ({
        %run_scoped3A = tpu.sem_alloc : memref<!tpu.dma_semaphore, #tpu.memory_space<semaphore_mem>>
        %dma_start3A = arith.constant 0 : i32
        %dma_start3A_28 = tpu.memref_slice %arg20[%dma_start3A] : memref<1056xf32, #tpu.memory_space<vmem>> -> memref<128xf32, #tpu.memory_space<vmem>>
        %dma_start3A_29 = arith.constant 0 : i32
        %dma_start3A_30 = tpu.memref_slice %arg9[%add3A_2, %dma_start3A_29] : memref<80x128xf32, #tpu.memory_space<hbm>> -> memref<1x128xf32, #tpu.memory_space<hbm>>
        %dma_start3A_31 = tpu.memref_squeeze %dma_start3A_30 : memref<1x128xf32, #tpu.memory_space<hbm>> -> memref<128xf32, #tpu.memory_space<hbm>>
        %dma_start3A_32 = arith.constant 0 : i32
        %dma_start3A_33 = tpu.memref_slice %arg9[%add3A_2, %dma_start3A_32] : memref<80x128xf32, #tpu.memory_space<hbm>> -> memref<1x128xf32, #tpu.memory_space<hbm>>
        %dma_start3A_34 = tpu.memref_squeeze %dma_start3A_33 : memref<1x128xf32, #tpu.memory_space<hbm>> -> memref<128xf32, #tpu.memory_space<hbm>>
        %dma_start3A_35 = arith.constant 0 : i32
        %dma_start3A_36 = tpu.memref_slice %arg20[%dma_start3A_35] : memref<1056xf32, #tpu.memory_space<vmem>> -> memref<128xf32, #tpu.memory_space<vmem>>
        tpu.enqueue_dma source(%dma_start3A_36 : memref<128xf32, #tpu.memory_space<vmem>>) target(%dma_start3A_34 : memref<128xf32, #tpu.memory_space<hbm>>) target_semaphore(%run_scoped3A : memref<!tpu.dma_semaphore, #tpu.memory_space<semaphore_mem>>)
        %dma_wait3A = arith.constant 0 : i32
        %dma_wait3A_37 = tpu.memref_slice %arg20[%dma_wait3A] : memref<1056xf32, #tpu.memory_space<vmem>> -> memref<128xf32, #tpu.memory_space<vmem>>
        %dma_wait3A_38 = arith.constant 0 : i32
        %dma_wait3A_39 = tpu.memref_slice %arg9[%add3A_2, %dma_wait3A_38] : memref<80x128xf32, #tpu.memory_space<hbm>> -> memref<1x128xf32, #tpu.memory_space<hbm>>
        %dma_wait3A_40 = tpu.memref_squeeze %dma_wait3A_39 : memref<1x128xf32, #tpu.memory_space<hbm>> -> memref<128xf32, #tpu.memory_space<hbm>>
        %dma_wait3A_41 = arith.constant 0 : i32
        %dma_wait3A_42 = tpu.memref_slice %arg9[%add3A_2, %dma_wait3A_41] : memref<80x128xf32, #tpu.memory_space<hbm>> -> memref<1x128xf32, #tpu.memory_space<hbm>>
        %dma_wait3A_43 = tpu.memref_squeeze %dma_wait3A_42 : memref<1x128xf32, #tpu.memory_space<hbm>> -> memref<128xf32, #tpu.memory_space<hbm>>
        %dma_wait3A_44 = arith.constant 0 : i32
        %dma_wait3A_45 = tpu.memref_slice %arg20[%dma_wait3A_44] : memref<1056xf32, #tpu.memory_space<vmem>> -> memref<128xf32, #tpu.memory_space<vmem>>
        tpu.wait_dma2 semaphore(%run_scoped3A : memref<!tpu.dma_semaphore, #tpu.memory_space<semaphore_mem>>) src(%dma_wait3A_45 : memref<128xf32, #tpu.memory_space<vmem>>) dst(%dma_wait3A_43 : memref<128xf32, #tpu.memory_space<hbm>>)
        tpu.yield
      }) : () -> ()
      "tpu.region"() ({
        %run_scoped3A = tpu.sem_alloc : memref<!tpu.dma_semaphore, #tpu.memory_space<semaphore_mem>>
        %dma_start3A = arith.constant 0 : i32
        %dma_start3A_28 = tpu.memref_slice %arg21[%dma_start3A] : memref<1056xf32, #tpu.memory_space<vmem>> -> memref<128xf32, #tpu.memory_space<vmem>>
        %dma_start3A_29 = arith.constant 0 : i32
        %dma_start3A_30 = tpu.memref_slice %arg10[%add3A_2, %dma_start3A_29] : memref<80x128xf32, #tpu.memory_space<hbm>> -> memref<1x128xf32, #tpu.memory_space<hbm>>
        %dma_start3A_31 = tpu.memref_squeeze %dma_start3A_30 : memref<1x128xf32, #tpu.memory_space<hbm>> -> memref<128xf32, #tpu.memory_space<hbm>>
        %dma_start3A_32 = arith.constant 0 : i32
        %dma_start3A_33 = tpu.memref_slice %arg10[%add3A_2, %dma_start3A_32] : memref<80x128xf32, #tpu.memory_space<hbm>> -> memref<1x128xf32, #tpu.memory_space<hbm>>
        %dma_start3A_34 = tpu.memref_squeeze %dma_start3A_33 : memref<1x128xf32, #tpu.memory_space<hbm>> -> memref<128xf32, #tpu.memory_space<hbm>>
        %dma_start3A_35 = arith.constant 0 : i32
        %dma_start3A_36 = tpu.memref_slice %arg21[%dma_start3A_35] : memref<1056xf32, #tpu.memory_space<vmem>> -> memref<128xf32, #tpu.memory_space<vmem>>
        tpu.enqueue_dma source(%dma_start3A_36 : memref<128xf32, #tpu.memory_space<vmem>>) target(%dma_start3A_34 : memref<128xf32, #tpu.memory_space<hbm>>) target_semaphore(%run_scoped3A : memref<!tpu.dma_semaphore, #tpu.memory_space<semaphore_mem>>)
        %dma_wait3A = arith.constant 0 : i32
        %dma_wait3A_37 = tpu.memref_slice %arg21[%dma_wait3A] : memref<1056xf32, #tpu.memory_space<vmem>> -> memref<128xf32, #tpu.memory_space<vmem>>
        %dma_wait3A_38 = arith.constant 0 : i32
        %dma_wait3A_39 = tpu.memref_slice %arg10[%add3A_2, %dma_wait3A_38] : memref<80x128xf32, #tpu.memory_space<hbm>> -> memref<1x128xf32, #tpu.memory_space<hbm>>
        %dma_wait3A_40 = tpu.memref_squeeze %dma_wait3A_39 : memref<1x128xf32, #tpu.memory_space<hbm>> -> memref<128xf32, #tpu.memory_space<hbm>>
        %dma_wait3A_41 = arith.constant 0 : i32
        %dma_wait3A_42 = tpu.memref_slice %arg10[%add3A_2, %dma_wait3A_41] : memref<80x128xf32, #tpu.memory_space<hbm>> -> memref<1x128xf32, #tpu.memory_space<hbm>>
        %dma_wait3A_43 = tpu.memref_squeeze %dma_wait3A_42 : memref<1x128xf32, #tpu.memory_space<hbm>> -> memref<128xf32, #tpu.memory_space<hbm>>
        %dma_wait3A_44 = arith.constant 0 : i32
        %dma_wait3A_45 = tpu.memref_slice %arg21[%dma_wait3A_44] : memref<1056xf32, #tpu.memory_space<vmem>> -> memref<128xf32, #tpu.memory_space<vmem>>
        tpu.wait_dma2 semaphore(%run_scoped3A : memref<!tpu.dma_semaphore, #tpu.memory_space<semaphore_mem>>) src(%dma_wait3A_45 : memref<128xf32, #tpu.memory_space<vmem>>) dst(%dma_wait3A_43 : memref<128xf32, #tpu.memory_space<hbm>>)
        tpu.yield
      }) : () -> ()
      "tpu.region"() ({
        %run_scoped3A = tpu.sem_alloc : memref<!tpu.dma_semaphore, #tpu.memory_space<semaphore_mem>>
        %dma_start3A = arith.constant 0 : i32
        %dma_start3A_28 = tpu.memref_slice %arg22[%dma_start3A] : memref<1056xf32, #tpu.memory_space<vmem>> -> memref<128xf32, #tpu.memory_space<vmem>>
        %dma_start3A_29 = arith.constant 0 : i32
        %dma_start3A_30 = tpu.memref_slice %arg11[%add3A_2, %dma_start3A_29] : memref<80x128xf32, #tpu.memory_space<hbm>> -> memref<1x128xf32, #tpu.memory_space<hbm>>
        %dma_start3A_31 = tpu.memref_squeeze %dma_start3A_30 : memref<1x128xf32, #tpu.memory_space<hbm>> -> memref<128xf32, #tpu.memory_space<hbm>>
        %dma_start3A_32 = arith.constant 0 : i32
        %dma_start3A_33 = tpu.memref_slice %arg11[%add3A_2, %dma_start3A_32] : memref<80x128xf32, #tpu.memory_space<hbm>> -> memref<1x128xf32, #tpu.memory_space<hbm>>
        %dma_start3A_34 = tpu.memref_squeeze %dma_start3A_33 : memref<1x128xf32, #tpu.memory_space<hbm>> -> memref<128xf32, #tpu.memory_space<hbm>>
        %dma_start3A_35 = arith.constant 0 : i32
        %dma_start3A_36 = tpu.memref_slice %arg22[%dma_start3A_35] : memref<1056xf32, #tpu.memory_space<vmem>> -> memref<128xf32, #tpu.memory_space<vmem>>
        tpu.enqueue_dma source(%dma_start3A_36 : memref<128xf32, #tpu.memory_space<vmem>>) target(%dma_start3A_34 : memref<128xf32, #tpu.memory_space<hbm>>) target_semaphore(%run_scoped3A : memref<!tpu.dma_semaphore, #tpu.memory_space<semaphore_mem>>)
        %dma_wait3A = arith.constant 0 : i32
        %dma_wait3A_37 = tpu.memref_slice %arg22[%dma_wait3A] : memref<1056xf32, #tpu.memory_space<vmem>> -> memref<128xf32, #tpu.memory_space<vmem>>
        %dma_wait3A_38 = arith.constant 0 : i32
        %dma_wait3A_39 = tpu.memref_slice %arg11[%add3A_2, %dma_wait3A_38] : memref<80x128xf32, #tpu.memory_space<hbm>> -> memref<1x128xf32, #tpu.memory_space<hbm>>
        %dma_wait3A_40 = tpu.memref_squeeze %dma_wait3A_39 : memref<1x128xf32, #tpu.memory_space<hbm>> -> memref<128xf32, #tpu.memory_space<hbm>>
        %dma_wait3A_41 = arith.constant 0 : i32
        %dma_wait3A_42 = tpu.memref_slice %arg11[%add3A_2, %dma_wait3A_41] : memref<80x128xf32, #tpu.memory_space<hbm>> -> memref<1x128xf32, #tpu.memory_space<hbm>>
        %dma_wait3A_43 = tpu.memref_squeeze %dma_wait3A_42 : memref<1x128xf32, #tpu.memory_space<hbm>> -> memref<128xf32, #tpu.memory_space<hbm>>
        %dma_wait3A_44 = arith.constant 0 : i32
        %dma_wait3A_45 = tpu.memref_slice %arg22[%dma_wait3A_44] : memref<1056xf32, #tpu.memory_space<vmem>> -> memref<128xf32, #tpu.memory_space<vmem>>
        tpu.wait_dma2 semaphore(%run_scoped3A : memref<!tpu.dma_semaphore, #tpu.memory_space<semaphore_mem>>) src(%dma_wait3A_45 : memref<128xf32, #tpu.memory_space<vmem>>) dst(%dma_wait3A_43 : memref<128xf32, #tpu.memory_space<hbm>>)
        tpu.yield
      }) : () -> ()
    } else {
    }
    %add3A_5 = arith.constant 32 : i32
    %add3A_6 = arith.addi %add3A, %add3A_5 : i32
    %lt3A_7 = arith.constant 80 : i32
    %lt3A_8 = arith.cmpi slt, %add3A_6, %lt3A_7 : i32
    %convert_element_type3A_9 = arith.extui %lt3A_8 : i1 to i32
    %cond3A_10 = arith.constant 0 : i32
    %cond3A_11 = arith.cmpi ne, %convert_element_type3A_9, %cond3A_10 : i32
    scf.if %cond3A_11 {
      "tpu.region"() ({
        %run_scoped3A = tpu.sem_alloc : memref<!tpu.dma_semaphore, #tpu.memory_space<semaphore_mem>>
        %dma_start3A = arith.constant 0 : i32
        %dma_start3A_28 = tpu.memref_slice %arg2[%add3A_6, %dma_start3A] : memref<80x1024xf32, #tpu.memory_space<hbm>> -> memref<1x1024xf32, #tpu.memory_space<hbm>>
        %dma_start3A_29 = tpu.memref_squeeze %dma_start3A_28 : memref<1x1024xf32, #tpu.memory_space<hbm>> -> memref<1024xf32, #tpu.memory_space<hbm>>
        %dma_start3A_30 = arith.constant 0 : i32
        %dma_start3A_31 = tpu.memref_slice %arg2[%add3A_6, %dma_start3A_30] : memref<80x1024xf32, #tpu.memory_space<hbm>> -> memref<1x1024xf32, #tpu.memory_space<hbm>>
        %dma_start3A_32 = tpu.memref_squeeze %dma_start3A_31 : memref<1x1024xf32, #tpu.memory_space<hbm>> -> memref<1024xf32, #tpu.memory_space<hbm>>
        tpu.enqueue_dma source(%dma_start3A_32 : memref<1024xf32, #tpu.memory_space<hbm>>) target(%arg13 : memref<1024xf32, #tpu.memory_space<vmem>>) target_semaphore(%run_scoped3A : memref<!tpu.dma_semaphore, #tpu.memory_space<semaphore_mem>>)
        %dma_wait3A = arith.constant 0 : i32
        %dma_wait3A_33 = tpu.memref_slice %arg2[%add3A_6, %dma_wait3A] : memref<80x1024xf32, #tpu.memory_space<hbm>> -> memref<1x1024xf32, #tpu.memory_space<hbm>>
        %dma_wait3A_34 = tpu.memref_squeeze %dma_wait3A_33 : memref<1x1024xf32, #tpu.memory_space<hbm>> -> memref<1024xf32, #tpu.memory_space<hbm>>
        %dma_wait3A_35 = arith.constant 0 : i32
        %dma_wait3A_36 = tpu.memref_slice %arg2[%add3A_6, %dma_wait3A_35] : memref<80x1024xf32, #tpu.memory_space<hbm>> -> memref<1x1024xf32, #tpu.memory_space<hbm>>
        %dma_wait3A_37 = tpu.memref_squeeze %dma_wait3A_36 : memref<1x1024xf32, #tpu.memory_space<hbm>> -> memref<1024xf32, #tpu.memory_space<hbm>>
        tpu.wait_dma2 semaphore(%run_scoped3A : memref<!tpu.dma_semaphore, #tpu.memory_space<semaphore_mem>>) src(%dma_wait3A_37 : memref<1024xf32, #tpu.memory_space<hbm>>) dst(%arg13 : memref<1024xf32, #tpu.memory_space<vmem>>)
        tpu.yield
      }) : () -> ()
      "tpu.region"() ({
        %run_scoped3A = tpu.sem_alloc : memref<!tpu.dma_semaphore, #tpu.memory_space<semaphore_mem>>
        %dma_start3A = arith.constant 0 : i32
        %dma_start3A_28 = tpu.memref_slice %arg3[%add3A_6, %dma_start3A] : memref<80x1024xf32, #tpu.memory_space<hbm>> -> memref<1x1024xf32, #tpu.memory_space<hbm>>
        %dma_start3A_29 = tpu.memref_squeeze %dma_start3A_28 : memref<1x1024xf32, #tpu.memory_space<hbm>> -> memref<1024xf32, #tpu.memory_space<hbm>>
        %dma_start3A_30 = arith.constant 0 : i32
        %dma_start3A_31 = tpu.memref_slice %arg3[%add3A_6, %dma_start3A_30] : memref<80x1024xf32, #tpu.memory_space<hbm>> -> memref<1x1024xf32, #tpu.memory_space<hbm>>
        %dma_start3A_32 = tpu.memref_squeeze %dma_start3A_31 : memref<1x1024xf32, #tpu.memory_space<hbm>> -> memref<1024xf32, #tpu.memory_space<hbm>>
        tpu.enqueue_dma source(%dma_start3A_32 : memref<1024xf32, #tpu.memory_space<hbm>>) target(%arg14 : memref<1024xf32, #tpu.memory_space<vmem>>) target_semaphore(%run_scoped3A : memref<!tpu.dma_semaphore, #tpu.memory_space<semaphore_mem>>)
        %dma_wait3A = arith.constant 0 : i32
        %dma_wait3A_33 = tpu.memref_slice %arg3[%add3A_6, %dma_wait3A] : memref<80x1024xf32, #tpu.memory_space<hbm>> -> memref<1x1024xf32, #tpu.memory_space<hbm>>
        %dma_wait3A_34 = tpu.memref_squeeze %dma_wait3A_33 : memref<1x1024xf32, #tpu.memory_space<hbm>> -> memref<1024xf32, #tpu.memory_space<hbm>>
        %dma_wait3A_35 = arith.constant 0 : i32
        %dma_wait3A_36 = tpu.memref_slice %arg3[%add3A_6, %dma_wait3A_35] : memref<80x1024xf32, #tpu.memory_space<hbm>> -> memref<1x1024xf32, #tpu.memory_space<hbm>>
        %dma_wait3A_37 = tpu.memref_squeeze %dma_wait3A_36 : memref<1x1024xf32, #tpu.memory_space<hbm>> -> memref<1024xf32, #tpu.memory_space<hbm>>
        tpu.wait_dma2 semaphore(%run_scoped3A : memref<!tpu.dma_semaphore, #tpu.memory_space<semaphore_mem>>) src(%dma_wait3A_37 : memref<1024xf32, #tpu.memory_space<hbm>>) dst(%arg14 : memref<1024xf32, #tpu.memory_space<vmem>>)
        tpu.yield
      }) : () -> ()
      "tpu.region"() ({
        %run_scoped3A = tpu.sem_alloc : memref<!tpu.dma_semaphore, #tpu.memory_space<semaphore_mem>>
        %dma_start3A = arith.constant 0 : i32
        %dma_start3A_28 = tpu.memref_slice %arg4[%add3A_6, %dma_start3A] : memref<80x1024xf32, #tpu.memory_space<hbm>> -> memref<1x1024xf32, #tpu.memory_space<hbm>>
        %dma_start3A_29 = tpu.memref_squeeze %dma_start3A_28 : memref<1x1024xf32, #tpu.memory_space<hbm>> -> memref<1024xf32, #tpu.memory_space<hbm>>
        %dma_start3A_30 = arith.constant 0 : i32
        %dma_start3A_31 = tpu.memref_slice %arg4[%add3A_6, %dma_start3A_30] : memref<80x1024xf32, #tpu.memory_space<hbm>> -> memref<1x1024xf32, #tpu.memory_space<hbm>>
        %dma_start3A_32 = tpu.memref_squeeze %dma_start3A_31 : memref<1x1024xf32, #tpu.memory_space<hbm>> -> memref<1024xf32, #tpu.memory_space<hbm>>
        tpu.enqueue_dma source(%dma_start3A_32 : memref<1024xf32, #tpu.memory_space<hbm>>) target(%arg15 : memref<1024xf32, #tpu.memory_space<vmem>>) target_semaphore(%run_scoped3A : memref<!tpu.dma_semaphore, #tpu.memory_space<semaphore_mem>>)
        %dma_wait3A = arith.constant 0 : i32
        %dma_wait3A_33 = tpu.memref_slice %arg4[%add3A_6, %dma_wait3A] : memref<80x1024xf32, #tpu.memory_space<hbm>> -> memref<1x1024xf32, #tpu.memory_space<hbm>>
        %dma_wait3A_34 = tpu.memref_squeeze %dma_wait3A_33 : memref<1x1024xf32, #tpu.memory_space<hbm>> -> memref<1024xf32, #tpu.memory_space<hbm>>
        %dma_wait3A_35 = arith.constant 0 : i32
        %dma_wait3A_36 = tpu.memref_slice %arg4[%add3A_6, %dma_wait3A_35] : memref<80x1024xf32, #tpu.memory_space<hbm>> -> memref<1x1024xf32, #tpu.memory_space<hbm>>
        %dma_wait3A_37 = tpu.memref_squeeze %dma_wait3A_36 : memref<1x1024xf32, #tpu.memory_space<hbm>> -> memref<1024xf32, #tpu.memory_space<hbm>>
        tpu.wait_dma2 semaphore(%run_scoped3A : memref<!tpu.dma_semaphore, #tpu.memory_space<semaphore_mem>>) src(%dma_wait3A_37 : memref<1024xf32, #tpu.memory_space<hbm>>) dst(%arg15 : memref<1024xf32, #tpu.memory_space<vmem>>)
        tpu.yield
      }) : () -> ()
      "tpu.region"() ({
        %run_scoped3A = tpu.sem_alloc : memref<!tpu.dma_semaphore, #tpu.memory_space<semaphore_mem>>
        %dma_start3A = arith.constant 0 : i32
        %dma_start3A_28 = tpu.memref_slice %arg5[%add3A_6, %dma_start3A] : memref<80x1024xf32, #tpu.memory_space<hbm>> -> memref<1x1024xf32, #tpu.memory_space<hbm>>
        %dma_start3A_29 = tpu.memref_squeeze %dma_start3A_28 : memref<1x1024xf32, #tpu.memory_space<hbm>> -> memref<1024xf32, #tpu.memory_space<hbm>>
        %dma_start3A_30 = arith.constant 0 : i32
        %dma_start3A_31 = tpu.memref_slice %arg5[%add3A_6, %dma_start3A_30] : memref<80x1024xf32, #tpu.memory_space<hbm>> -> memref<1x1024xf32, #tpu.memory_space<hbm>>
        %dma_start3A_32 = tpu.memref_squeeze %dma_start3A_31 : memref<1x1024xf32, #tpu.memory_space<hbm>> -> memref<1024xf32, #tpu.memory_space<hbm>>
        tpu.enqueue_dma source(%dma_start3A_32 : memref<1024xf32, #tpu.memory_space<hbm>>) target(%arg16 : memref<1024xf32, #tpu.memory_space<vmem>>) target_semaphore(%run_scoped3A : memref<!tpu.dma_semaphore, #tpu.memory_space<semaphore_mem>>)
        %dma_wait3A = arith.constant 0 : i32
        %dma_wait3A_33 = tpu.memref_slice %arg5[%add3A_6, %dma_wait3A] : memref<80x1024xf32, #tpu.memory_space<hbm>> -> memref<1x1024xf32, #tpu.memory_space<hbm>>
        %dma_wait3A_34 = tpu.memref_squeeze %dma_wait3A_33 : memref<1x1024xf32, #tpu.memory_space<hbm>> -> memref<1024xf32, #tpu.memory_space<hbm>>
        %dma_wait3A_35 = arith.constant 0 : i32
        %dma_wait3A_36 = tpu.memref_slice %arg5[%add3A_6, %dma_wait3A_35] : memref<80x1024xf32, #tpu.memory_space<hbm>> -> memref<1x1024xf32, #tpu.memory_space<hbm>>
        %dma_wait3A_37 = tpu.memref_squeeze %dma_wait3A_36 : memref<1x1024xf32, #tpu.memory_space<hbm>> -> memref<1024xf32, #tpu.memory_space<hbm>>
        tpu.wait_dma2 semaphore(%run_scoped3A : memref<!tpu.dma_semaphore, #tpu.memory_space<semaphore_mem>>) src(%dma_wait3A_37 : memref<1024xf32, #tpu.memory_space<hbm>>) dst(%arg16 : memref<1024xf32, #tpu.memory_space<vmem>>)
        tpu.yield
      }) : () -> ()
      "tpu.region"() ({
        %run_scoped3A = tpu.sem_alloc : memref<!tpu.dma_semaphore, #tpu.memory_space<semaphore_mem>>
        %dma_start3A = arith.constant 0 : i32
        %dma_start3A_28 = tpu.memref_slice %arg6[%add3A_6, %dma_start3A] : memref<80x1024xf32, #tpu.memory_space<hbm>> -> memref<1x1024xf32, #tpu.memory_space<hbm>>
        %dma_start3A_29 = tpu.memref_squeeze %dma_start3A_28 : memref<1x1024xf32, #tpu.memory_space<hbm>> -> memref<1024xf32, #tpu.memory_space<hbm>>
        %dma_start3A_30 = arith.constant 0 : i32
        %dma_start3A_31 = tpu.memref_slice %arg6[%add3A_6, %dma_start3A_30] : memref<80x1024xf32, #tpu.memory_space<hbm>> -> memref<1x1024xf32, #tpu.memory_space<hbm>>
        %dma_start3A_32 = tpu.memref_squeeze %dma_start3A_31 : memref<1x1024xf32, #tpu.memory_space<hbm>> -> memref<1024xf32, #tpu.memory_space<hbm>>
        tpu.enqueue_dma source(%dma_start3A_32 : memref<1024xf32, #tpu.memory_space<hbm>>) target(%arg17 : memref<1024xf32, #tpu.memory_space<vmem>>) target_semaphore(%run_scoped3A : memref<!tpu.dma_semaphore, #tpu.memory_space<semaphore_mem>>)
        %dma_wait3A = arith.constant 0 : i32
        %dma_wait3A_33 = tpu.memref_slice %arg6[%add3A_6, %dma_wait3A] : memref<80x1024xf32, #tpu.memory_space<hbm>> -> memref<1x1024xf32, #tpu.memory_space<hbm>>
        %dma_wait3A_34 = tpu.memref_squeeze %dma_wait3A_33 : memref<1x1024xf32, #tpu.memory_space<hbm>> -> memref<1024xf32, #tpu.memory_space<hbm>>
        %dma_wait3A_35 = arith.constant 0 : i32
        %dma_wait3A_36 = tpu.memref_slice %arg6[%add3A_6, %dma_wait3A_35] : memref<80x1024xf32, #tpu.memory_space<hbm>> -> memref<1x1024xf32, #tpu.memory_space<hbm>>
        %dma_wait3A_37 = tpu.memref_squeeze %dma_wait3A_36 : memref<1x1024xf32, #tpu.memory_space<hbm>> -> memref<1024xf32, #tpu.memory_space<hbm>>
        tpu.wait_dma2 semaphore(%run_scoped3A : memref<!tpu.dma_semaphore, #tpu.memory_space<semaphore_mem>>) src(%dma_wait3A_37 : memref<1024xf32, #tpu.memory_space<hbm>>) dst(%arg17 : memref<1024xf32, #tpu.memory_space<vmem>>)
        tpu.yield
      }) : () -> ()
      %broadcast_in_dim3A = arith.constant 1 : i32
      %broadcast_in_dim3A_19 = vector.broadcast %broadcast_in_dim3A : i32 to vector<16xi32>
      %broadcast_in_dim3A_20 = arith.constant 0 : i32
      %broadcast_in_dim3A_21 = vector.broadcast %broadcast_in_dim3A_20 : i32 to vector<16xi32>
      %scan3A = arith.constant 0 : i32
      %scan3A_22 = arith.constant 64 : i32
      %scan3A_23 = arith.addi %scan3A, %scan3A_22 : i32
      %scan3A_24 = arith.constant 1 : i32
      %scan3A_25 = scf.for %scan3A_28 = %scan3A to %scan3A_23 step %scan3A_24 iter_args(%scan3A_29 = %broadcast_in_dim3A_21) -> (vector<16xi32>)  : i32 {
        %mul3A_30 = arith.constant 16 : i32
        %mul3A_31 = arith.muli %scan3A_28, %mul3A_30 : i32
        %get3A = arith.index_cast %mul3A_31 : i32 to index
        %get3A_32 = tpu.vector_load %arg13[%get3A] {strides = array<i32>} : memref<1024xf32, #tpu.memory_space<vmem>>, vector<16xf32>,
        %gt3A = arith.constant 5.000000e-02 : f32
        %gt3A_33 = vector.broadcast %gt3A : f32 to vector<16xf32>
        %gt3A_34 = arith.cmpf ogt, %get3A_32, %gt3A_33 : vector<16xf32>
        %jit3A = arith.constant 0 : i32
        %broadcast_in_dim3A_35 = vector.broadcast %jit3A : i32 to vector<16xi32>
        %select_n3A = arith.select %gt3A_34, %broadcast_in_dim3A_19, %broadcast_in_dim3A_35 : vector<16xi1>, vector<16xi32>
        %broadcast_in_dim3A_36 = arith.constant true
        %broadcast_in_dim3A_37 = vector.broadcast %broadcast_in_dim3A_36 : i1 to vector<16xi1>
        %masked_cumsum3A = tpu.scan <sum>, %select_n3A masked %broadcast_in_dim3A_37 : vector<16xi32>, vector<16xi1> -> vector<16xi32>
        %add3A_38 = arith.addi %scan3A_29, %masked_cumsum3A : vector<16xi32>
        %sub3A = arith.constant 1 : i32
        %sub3A_39 = vector.broadcast %sub3A : i32 to vector<16xi32>
        %sub3A_40 = arith.subi %add3A_38, %sub3A_39 : vector<16xi32>
        tpu.vector_store_idx %arg18[%sub3A_40], %get3A_32 masked %gt3A_34 : memref<1056xf32, #tpu.memory_space<vmem>>[vector<16xi32>], vector<16xf32>, vector<16xi1>
        %get3A_41 = arith.index_cast %mul3A_31 : i32 to index
        %get3A_42 = tpu.vector_load %arg14[%get3A_41] {strides = array<i32>} : memref<1024xf32, #tpu.memory_space<vmem>>, vector<16xf32>,
        tpu.vector_store_idx %arg19[%sub3A_40], %get3A_42 masked %gt3A_34 : memref<1056xf32, #tpu.memory_space<vmem>>[vector<16xi32>], vector<16xf32>, vector<16xi1>
        %get3A_43 = arith.index_cast %mul3A_31 : i32 to index
        %get3A_44 = tpu.vector_load %arg15[%get3A_43] {strides = array<i32>} : memref<1024xf32, #tpu.memory_space<vmem>>, vector<16xf32>,
        tpu.vector_store_idx %arg20[%sub3A_40], %get3A_44 masked %gt3A_34 : memref<1056xf32, #tpu.memory_space<vmem>>[vector<16xi32>], vector<16xf32>, vector<16xi1>
        %get3A_45 = arith.index_cast %mul3A_31 : i32 to index
        %get3A_46 = tpu.vector_load %arg16[%get3A_45] {strides = array<i32>} : memref<1024xf32, #tpu.memory_space<vmem>>, vector<16xf32>,
        tpu.vector_store_idx %arg21[%sub3A_40], %get3A_46 masked %gt3A_34 : memref<1056xf32, #tpu.memory_space<vmem>>[vector<16xi32>], vector<16xf32>, vector<16xi1>
        %get3A_47 = arith.index_cast %mul3A_31 : i32 to index
        %get3A_48 = tpu.vector_load %arg17[%get3A_47] {strides = array<i32>} : memref<1024xf32, #tpu.memory_space<vmem>>, vector<16xf32>,
        tpu.vector_store_idx %arg22[%sub3A_40], %get3A_48 masked %gt3A_34 : memref<1056xf32, #tpu.memory_space<vmem>>[vector<16xi32>], vector<16xf32>, vector<16xi1>
        %all_reduce_population_count3A = tpu.all_reduce %gt3A_34 {dim = 0 : i64, kind = #tpu.reduction_kind<sum>} : vector<16xi1> -> vector<16xi32>
        %add3A_49 = arith.addi %scan3A_29, %all_reduce_population_count3A : vector<16xi32>
        scf.yield %add3A_49 : vector<16xi32>
      }
      %scan3A_26 = arith.constant 64 : i32
      %swap3A = arith.constant 0 : index
      %swap3A_27 = tpu.vector_load %arg23[%swap3A] {strides = array<i32>} : memref<16xi32, #tpu.memory_space<vmem>>, vector<16xi32>,
      tpu.vector_store %arg23[%swap3A], %scan3A_25 {strides = array<i32>} : memref<16xi32, #tpu.memory_space<vmem>>, vector<16xi32>,
      "tpu.region"() ({
        %run_scoped3A = tpu.sem_alloc : memref<!tpu.dma_semaphore, #tpu.memory_space<semaphore_mem>>
        %dma_start3A = arith.constant 0 : i32
        %dma_start3A_28 = tpu.memref_slice %arg12[%add3A_6, %dma_start3A] : memref<80x16xi32, #tpu.memory_space<hbm>> -> memref<1x16xi32, #tpu.memory_space<hbm>>
        %dma_start3A_29 = tpu.memref_squeeze %dma_start3A_28 : memref<1x16xi32, #tpu.memory_space<hbm>> -> memref<16xi32, #tpu.memory_space<hbm>>
        %dma_start3A_30 = arith.constant 0 : i32
        %dma_start3A_31 = tpu.memref_slice %arg12[%add3A_6, %dma_start3A_30] : memref<80x16xi32, #tpu.memory_space<hbm>> -> memref<1x16xi32, #tpu.memory_space<hbm>>
        %dma_start3A_32 = tpu.memref_squeeze %dma_start3A_31 : memref<1x16xi32, #tpu.memory_space<hbm>> -> memref<16xi32, #tpu.memory_space<hbm>>
        tpu.enqueue_dma source(%arg23 : memref<16xi32, #tpu.memory_space<vmem>>) target(%dma_start3A_32 : memref<16xi32, #tpu.memory_space<hbm>>) target_semaphore(%run_scoped3A : memref<!tpu.dma_semaphore, #tpu.memory_space<semaphore_mem>>)
        %dma_wait3A = arith.constant 0 : i32
        %dma_wait3A_33 = tpu.memref_slice %arg12[%add3A_6, %dma_wait3A] : memref<80x16xi32, #tpu.memory_space<hbm>> -> memref<1x16xi32, #tpu.memory_space<hbm>>
        %dma_wait3A_34 = tpu.memref_squeeze %dma_wait3A_33 : memref<1x16xi32, #tpu.memory_space<hbm>> -> memref<16xi32, #tpu.memory_space<hbm>>
        %dma_wait3A_35 = arith.constant 0 : i32
        %dma_wait3A_36 = tpu.memref_slice %arg12[%add3A_6, %dma_wait3A_35] : memref<80x16xi32, #tpu.memory_space<hbm>> -> memref<1x16xi32, #tpu.memory_space<hbm>>
        %dma_wait3A_37 = tpu.memref_squeeze %dma_wait3A_36 : memref<1x16xi32, #tpu.memory_space<hbm>> -> memref<16xi32, #tpu.memory_space<hbm>>
        tpu.wait_dma2 semaphore(%run_scoped3A : memref<!tpu.dma_semaphore, #tpu.memory_space<semaphore_mem>>) src(%arg23 : memref<16xi32, #tpu.memory_space<vmem>>) dst(%dma_wait3A_37 : memref<16xi32, #tpu.memory_space<hbm>>)
        tpu.yield
      }) : () -> ()
      "tpu.region"() ({
        %run_scoped3A = tpu.sem_alloc : memref<!tpu.dma_semaphore, #tpu.memory_space<semaphore_mem>>
        %dma_start3A = arith.constant 0 : i32
        %dma_start3A_28 = tpu.memref_slice %arg18[%dma_start3A] : memref<1056xf32, #tpu.memory_space<vmem>> -> memref<128xf32, #tpu.memory_space<vmem>>
        %dma_start3A_29 = arith.constant 0 : i32
        %dma_start3A_30 = tpu.memref_slice %arg7[%add3A_6, %dma_start3A_29] : memref<80x128xf32, #tpu.memory_space<hbm>> -> memref<1x128xf32, #tpu.memory_space<hbm>>
        %dma_start3A_31 = tpu.memref_squeeze %dma_start3A_30 : memref<1x128xf32, #tpu.memory_space<hbm>> -> memref<128xf32, #tpu.memory_space<hbm>>
        %dma_start3A_32 = arith.constant 0 : i32
        %dma_start3A_33 = tpu.memref_slice %arg7[%add3A_6, %dma_start3A_32] : memref<80x128xf32, #tpu.memory_space<hbm>> -> memref<1x128xf32, #tpu.memory_space<hbm>>
        %dma_start3A_34 = tpu.memref_squeeze %dma_start3A_33 : memref<1x128xf32, #tpu.memory_space<hbm>> -> memref<128xf32, #tpu.memory_space<hbm>>
        %dma_start3A_35 = arith.constant 0 : i32
        %dma_start3A_36 = tpu.memref_slice %arg18[%dma_start3A_35] : memref<1056xf32, #tpu.memory_space<vmem>> -> memref<128xf32, #tpu.memory_space<vmem>>
        tpu.enqueue_dma source(%dma_start3A_36 : memref<128xf32, #tpu.memory_space<vmem>>) target(%dma_start3A_34 : memref<128xf32, #tpu.memory_space<hbm>>) target_semaphore(%run_scoped3A : memref<!tpu.dma_semaphore, #tpu.memory_space<semaphore_mem>>)
        %dma_wait3A = arith.constant 0 : i32
        %dma_wait3A_37 = tpu.memref_slice %arg18[%dma_wait3A] : memref<1056xf32, #tpu.memory_space<vmem>> -> memref<128xf32, #tpu.memory_space<vmem>>
        %dma_wait3A_38 = arith.constant 0 : i32
        %dma_wait3A_39 = tpu.memref_slice %arg7[%add3A_6, %dma_wait3A_38] : memref<80x128xf32, #tpu.memory_space<hbm>> -> memref<1x128xf32, #tpu.memory_space<hbm>>
        %dma_wait3A_40 = tpu.memref_squeeze %dma_wait3A_39 : memref<1x128xf32, #tpu.memory_space<hbm>> -> memref<128xf32, #tpu.memory_space<hbm>>
        %dma_wait3A_41 = arith.constant 0 : i32
        %dma_wait3A_42 = tpu.memref_slice %arg7[%add3A_6, %dma_wait3A_41] : memref<80x128xf32, #tpu.memory_space<hbm>> -> memref<1x128xf32, #tpu.memory_space<hbm>>
        %dma_wait3A_43 = tpu.memref_squeeze %dma_wait3A_42 : memref<1x128xf32, #tpu.memory_space<hbm>> -> memref<128xf32, #tpu.memory_space<hbm>>
        %dma_wait3A_44 = arith.constant 0 : i32
        %dma_wait3A_45 = tpu.memref_slice %arg18[%dma_wait3A_44] : memref<1056xf32, #tpu.memory_space<vmem>> -> memref<128xf32, #tpu.memory_space<vmem>>
        tpu.wait_dma2 semaphore(%run_scoped3A : memref<!tpu.dma_semaphore, #tpu.memory_space<semaphore_mem>>) src(%dma_wait3A_45 : memref<128xf32, #tpu.memory_space<vmem>>) dst(%dma_wait3A_43 : memref<128xf32, #tpu.memory_space<hbm>>)
        tpu.yield
      }) : () -> ()
      "tpu.region"() ({
        %run_scoped3A = tpu.sem_alloc : memref<!tpu.dma_semaphore, #tpu.memory_space<semaphore_mem>>
        %dma_start3A = arith.constant 0 : i32
        %dma_start3A_28 = tpu.memref_slice %arg19[%dma_start3A] : memref<1056xf32, #tpu.memory_space<vmem>> -> memref<128xf32, #tpu.memory_space<vmem>>
        %dma_start3A_29 = arith.constant 0 : i32
        %dma_start3A_30 = tpu.memref_slice %arg8[%add3A_6, %dma_start3A_29] : memref<80x128xf32, #tpu.memory_space<hbm>> -> memref<1x128xf32, #tpu.memory_space<hbm>>
        %dma_start3A_31 = tpu.memref_squeeze %dma_start3A_30 : memref<1x128xf32, #tpu.memory_space<hbm>> -> memref<128xf32, #tpu.memory_space<hbm>>
        %dma_start3A_32 = arith.constant 0 : i32
        %dma_start3A_33 = tpu.memref_slice %arg8[%add3A_6, %dma_start3A_32] : memref<80x128xf32, #tpu.memory_space<hbm>> -> memref<1x128xf32, #tpu.memory_space<hbm>>
        %dma_start3A_34 = tpu.memref_squeeze %dma_start3A_33 : memref<1x128xf32, #tpu.memory_space<hbm>> -> memref<128xf32, #tpu.memory_space<hbm>>
        %dma_start3A_35 = arith.constant 0 : i32
        %dma_start3A_36 = tpu.memref_slice %arg19[%dma_start3A_35] : memref<1056xf32, #tpu.memory_space<vmem>> -> memref<128xf32, #tpu.memory_space<vmem>>
        tpu.enqueue_dma source(%dma_start3A_36 : memref<128xf32, #tpu.memory_space<vmem>>) target(%dma_start3A_34 : memref<128xf32, #tpu.memory_space<hbm>>) target_semaphore(%run_scoped3A : memref<!tpu.dma_semaphore, #tpu.memory_space<semaphore_mem>>)
        %dma_wait3A = arith.constant 0 : i32
        %dma_wait3A_37 = tpu.memref_slice %arg19[%dma_wait3A] : memref<1056xf32, #tpu.memory_space<vmem>> -> memref<128xf32, #tpu.memory_space<vmem>>
        %dma_wait3A_38 = arith.constant 0 : i32
        %dma_wait3A_39 = tpu.memref_slice %arg8[%add3A_6, %dma_wait3A_38] : memref<80x128xf32, #tpu.memory_space<hbm>> -> memref<1x128xf32, #tpu.memory_space<hbm>>
        %dma_wait3A_40 = tpu.memref_squeeze %dma_wait3A_39 : memref<1x128xf32, #tpu.memory_space<hbm>> -> memref<128xf32, #tpu.memory_space<hbm>>
        %dma_wait3A_41 = arith.constant 0 : i32
        %dma_wait3A_42 = tpu.memref_slice %arg8[%add3A_6, %dma_wait3A_41] : memref<80x128xf32, #tpu.memory_space<hbm>> -> memref<1x128xf32, #tpu.memory_space<hbm>>
        %dma_wait3A_43 = tpu.memref_squeeze %dma_wait3A_42 : memref<1x128xf32, #tpu.memory_space<hbm>> -> memref<128xf32, #tpu.memory_space<hbm>>
        %dma_wait3A_44 = arith.constant 0 : i32
        %dma_wait3A_45 = tpu.memref_slice %arg19[%dma_wait3A_44] : memref<1056xf32, #tpu.memory_space<vmem>> -> memref<128xf32, #tpu.memory_space<vmem>>
        tpu.wait_dma2 semaphore(%run_scoped3A : memref<!tpu.dma_semaphore, #tpu.memory_space<semaphore_mem>>) src(%dma_wait3A_45 : memref<128xf32, #tpu.memory_space<vmem>>) dst(%dma_wait3A_43 : memref<128xf32, #tpu.memory_space<hbm>>)
        tpu.yield
      }) : () -> ()
      "tpu.region"() ({
        %run_scoped3A = tpu.sem_alloc : memref<!tpu.dma_semaphore, #tpu.memory_space<semaphore_mem>>
        %dma_start3A = arith.constant 0 : i32
        %dma_start3A_28 = tpu.memref_slice %arg20[%dma_start3A] : memref<1056xf32, #tpu.memory_space<vmem>> -> memref<128xf32, #tpu.memory_space<vmem>>
        %dma_start3A_29 = arith.constant 0 : i32
        %dma_start3A_30 = tpu.memref_slice %arg9[%add3A_6, %dma_start3A_29] : memref<80x128xf32, #tpu.memory_space<hbm>> -> memref<1x128xf32, #tpu.memory_space<hbm>>
        %dma_start3A_31 = tpu.memref_squeeze %dma_start3A_30 : memref<1x128xf32, #tpu.memory_space<hbm>> -> memref<128xf32, #tpu.memory_space<hbm>>
        %dma_start3A_32 = arith.constant 0 : i32
        %dma_start3A_33 = tpu.memref_slice %arg9[%add3A_6, %dma_start3A_32] : memref<80x128xf32, #tpu.memory_space<hbm>> -> memref<1x128xf32, #tpu.memory_space<hbm>>
        %dma_start3A_34 = tpu.memref_squeeze %dma_start3A_33 : memref<1x128xf32, #tpu.memory_space<hbm>> -> memref<128xf32, #tpu.memory_space<hbm>>
        %dma_start3A_35 = arith.constant 0 : i32
        %dma_start3A_36 = tpu.memref_slice %arg20[%dma_start3A_35] : memref<1056xf32, #tpu.memory_space<vmem>> -> memref<128xf32, #tpu.memory_space<vmem>>
        tpu.enqueue_dma source(%dma_start3A_36 : memref<128xf32, #tpu.memory_space<vmem>>) target(%dma_start3A_34 : memref<128xf32, #tpu.memory_space<hbm>>) target_semaphore(%run_scoped3A : memref<!tpu.dma_semaphore, #tpu.memory_space<semaphore_mem>>)
        %dma_wait3A = arith.constant 0 : i32
        %dma_wait3A_37 = tpu.memref_slice %arg20[%dma_wait3A] : memref<1056xf32, #tpu.memory_space<vmem>> -> memref<128xf32, #tpu.memory_space<vmem>>
        %dma_wait3A_38 = arith.constant 0 : i32
        %dma_wait3A_39 = tpu.memref_slice %arg9[%add3A_6, %dma_wait3A_38] : memref<80x128xf32, #tpu.memory_space<hbm>> -> memref<1x128xf32, #tpu.memory_space<hbm>>
        %dma_wait3A_40 = tpu.memref_squeeze %dma_wait3A_39 : memref<1x128xf32, #tpu.memory_space<hbm>> -> memref<128xf32, #tpu.memory_space<hbm>>
        %dma_wait3A_41 = arith.constant 0 : i32
        %dma_wait3A_42 = tpu.memref_slice %arg9[%add3A_6, %dma_wait3A_41] : memref<80x128xf32, #tpu.memory_space<hbm>> -> memref<1x128xf32, #tpu.memory_space<hbm>>
        %dma_wait3A_43 = tpu.memref_squeeze %dma_wait3A_42 : memref<1x128xf32, #tpu.memory_space<hbm>> -> memref<128xf32, #tpu.memory_space<hbm>>
        %dma_wait3A_44 = arith.constant 0 : i32
        %dma_wait3A_45 = tpu.memref_slice %arg20[%dma_wait3A_44] : memref<1056xf32, #tpu.memory_space<vmem>> -> memref<128xf32, #tpu.memory_space<vmem>>
        tpu.wait_dma2 semaphore(%run_scoped3A : memref<!tpu.dma_semaphore, #tpu.memory_space<semaphore_mem>>) src(%dma_wait3A_45 : memref<128xf32, #tpu.memory_space<vmem>>) dst(%dma_wait3A_43 : memref<128xf32, #tpu.memory_space<hbm>>)
        tpu.yield
      }) : () -> ()
      "tpu.region"() ({
        %run_scoped3A = tpu.sem_alloc : memref<!tpu.dma_semaphore, #tpu.memory_space<semaphore_mem>>
        %dma_start3A = arith.constant 0 : i32
        %dma_start3A_28 = tpu.memref_slice %arg21[%dma_start3A] : memref<1056xf32, #tpu.memory_space<vmem>> -> memref<128xf32, #tpu.memory_space<vmem>>
        %dma_start3A_29 = arith.constant 0 : i32
        %dma_start3A_30 = tpu.memref_slice %arg10[%add3A_6, %dma_start3A_29] : memref<80x128xf32, #tpu.memory_space<hbm>> -> memref<1x128xf32, #tpu.memory_space<hbm>>
        %dma_start3A_31 = tpu.memref_squeeze %dma_start3A_30 : memref<1x128xf32, #tpu.memory_space<hbm>> -> memref<128xf32, #tpu.memory_space<hbm>>
        %dma_start3A_32 = arith.constant 0 : i32
        %dma_start3A_33 = tpu.memref_slice %arg10[%add3A_6, %dma_start3A_32] : memref<80x128xf32, #tpu.memory_space<hbm>> -> memref<1x128xf32, #tpu.memory_space<hbm>>
        %dma_start3A_34 = tpu.memref_squeeze %dma_start3A_33 : memref<1x128xf32, #tpu.memory_space<hbm>> -> memref<128xf32, #tpu.memory_space<hbm>>
        %dma_start3A_35 = arith.constant 0 : i32
        %dma_start3A_36 = tpu.memref_slice %arg21[%dma_start3A_35] : memref<1056xf32, #tpu.memory_space<vmem>> -> memref<128xf32, #tpu.memory_space<vmem>>
        tpu.enqueue_dma source(%dma_start3A_36 : memref<128xf32, #tpu.memory_space<vmem>>) target(%dma_start3A_34 : memref<128xf32, #tpu.memory_space<hbm>>) target_semaphore(%run_scoped3A : memref<!tpu.dma_semaphore, #tpu.memory_space<semaphore_mem>>)
        %dma_wait3A = arith.constant 0 : i32
        %dma_wait3A_37 = tpu.memref_slice %arg21[%dma_wait3A] : memref<1056xf32, #tpu.memory_space<vmem>> -> memref<128xf32, #tpu.memory_space<vmem>>
        %dma_wait3A_38 = arith.constant 0 : i32
        %dma_wait3A_39 = tpu.memref_slice %arg10[%add3A_6, %dma_wait3A_38] : memref<80x128xf32, #tpu.memory_space<hbm>> -> memref<1x128xf32, #tpu.memory_space<hbm>>
        %dma_wait3A_40 = tpu.memref_squeeze %dma_wait3A_39 : memref<1x128xf32, #tpu.memory_space<hbm>> -> memref<128xf32, #tpu.memory_space<hbm>>
        %dma_wait3A_41 = arith.constant 0 : i32
        %dma_wait3A_42 = tpu.memref_slice %arg10[%add3A_6, %dma_wait3A_41] : memref<80x128xf32, #tpu.memory_space<hbm>> -> memref<1x128xf32, #tpu.memory_space<hbm>>
        %dma_wait3A_43 = tpu.memref_squeeze %dma_wait3A_42 : memref<1x128xf32, #tpu.memory_space<hbm>> -> memref<128xf32, #tpu.memory_space<hbm>>
        %dma_wait3A_44 = arith.constant 0 : i32
        %dma_wait3A_45 = tpu.memref_slice %arg21[%dma_wait3A_44] : memref<1056xf32, #tpu.memory_space<vmem>> -> memref<128xf32, #tpu.memory_space<vmem>>
        tpu.wait_dma2 semaphore(%run_scoped3A : memref<!tpu.dma_semaphore, #tpu.memory_space<semaphore_mem>>) src(%dma_wait3A_45 : memref<128xf32, #tpu.memory_space<vmem>>) dst(%dma_wait3A_43 : memref<128xf32, #tpu.memory_space<hbm>>)
        tpu.yield
      }) : () -> ()
      "tpu.region"() ({
        %run_scoped3A = tpu.sem_alloc : memref<!tpu.dma_semaphore, #tpu.memory_space<semaphore_mem>>
        %dma_start3A = arith.constant 0 : i32
        %dma_start3A_28 = tpu.memref_slice %arg22[%dma_start3A] : memref<1056xf32, #tpu.memory_space<vmem>> -> memref<128xf32, #tpu.memory_space<vmem>>
        %dma_start3A_29 = arith.constant 0 : i32
        %dma_start3A_30 = tpu.memref_slice %arg11[%add3A_6, %dma_start3A_29] : memref<80x128xf32, #tpu.memory_space<hbm>> -> memref<1x128xf32, #tpu.memory_space<hbm>>
        %dma_start3A_31 = tpu.memref_squeeze %dma_start3A_30 : memref<1x128xf32, #tpu.memory_space<hbm>> -> memref<128xf32, #tpu.memory_space<hbm>>
        %dma_start3A_32 = arith.constant 0 : i32
        %dma_start3A_33 = tpu.memref_slice %arg11[%add3A_6, %dma_start3A_32] : memref<80x128xf32, #tpu.memory_space<hbm>> -> memref<1x128xf32, #tpu.memory_space<hbm>>
        %dma_start3A_34 = tpu.memref_squeeze %dma_start3A_33 : memref<1x128xf32, #tpu.memory_space<hbm>> -> memref<128xf32, #tpu.memory_space<hbm>>
        %dma_start3A_35 = arith.constant 0 : i32
        %dma_start3A_36 = tpu.memref_slice %arg22[%dma_start3A_35] : memref<1056xf32, #tpu.memory_space<vmem>> -> memref<128xf32, #tpu.memory_space<vmem>>
        tpu.enqueue_dma source(%dma_start3A_36 : memref<128xf32, #tpu.memory_space<vmem>>) target(%dma_start3A_34 : memref<128xf32, #tpu.memory_space<hbm>>) target_semaphore(%run_scoped3A : memref<!tpu.dma_semaphore, #tpu.memory_space<semaphore_mem>>)
        %dma_wait3A = arith.constant 0 : i32
        %dma_wait3A_37 = tpu.memref_slice %arg22[%dma_wait3A] : memref<1056xf32, #tpu.memory_space<vmem>> -> memref<128xf32, #tpu.memory_space<vmem>>
        %dma_wait3A_38 = arith.constant 0 : i32
        %dma_wait3A_39 = tpu.memref_slice %arg11[%add3A_6, %dma_wait3A_38] : memref<80x128xf32, #tpu.memory_space<hbm>> -> memref<1x128xf32, #tpu.memory_space<hbm>>
        %dma_wait3A_40 = tpu.memref_squeeze %dma_wait3A_39 : memref<1x128xf32, #tpu.memory_space<hbm>> -> memref<128xf32, #tpu.memory_space<hbm>>
        %dma_wait3A_41 = arith.constant 0 : i32
        %dma_wait3A_42 = tpu.memref_slice %arg11[%add3A_6, %dma_wait3A_41] : memref<80x128xf32, #tpu.memory_space<hbm>> -> memref<1x128xf32, #tpu.memory_space<hbm>>
        %dma_wait3A_43 = tpu.memref_squeeze %dma_wait3A_42 : memref<1x128xf32, #tpu.memory_space<hbm>> -> memref<128xf32, #tpu.memory_space<hbm>>
        %dma_wait3A_44 = arith.constant 0 : i32
        %dma_wait3A_45 = tpu.memref_slice %arg22[%dma_wait3A_44] : memref<1056xf32, #tpu.memory_space<vmem>> -> memref<128xf32, #tpu.memory_space<vmem>>
        tpu.wait_dma2 semaphore(%run_scoped3A : memref<!tpu.dma_semaphore, #tpu.memory_space<semaphore_mem>>) src(%dma_wait3A_45 : memref<128xf32, #tpu.memory_space<vmem>>) dst(%dma_wait3A_43 : memref<128xf32, #tpu.memory_space<hbm>>)
        tpu.yield
      }) : () -> ()
    } else {
    }
    %add3A_12 = arith.constant 64 : i32
    %add3A_13 = arith.addi %add3A, %add3A_12 : i32
    %lt3A_14 = arith.constant 80 : i32
    %lt3A_15 = arith.cmpi slt, %add3A_13, %lt3A_14 : i32
    %convert_element_type3A_16 = arith.extui %lt3A_15 : i1 to i32
    %cond3A_17 = arith.constant 0 : i32
    %cond3A_18 = arith.cmpi ne, %convert_element_type3A_16, %cond3A_17 : i32
    scf.if %cond3A_18 {
      "tpu.region"() ({
        %run_scoped3A = tpu.sem_alloc : memref<!tpu.dma_semaphore, #tpu.memory_space<semaphore_mem>>
        %dma_start3A = arith.constant 0 : i32
        %dma_start3A_28 = tpu.memref_slice %arg2[%add3A_13, %dma_start3A] : memref<80x1024xf32, #tpu.memory_space<hbm>> -> memref<1x1024xf32, #tpu.memory_space<hbm>>
        %dma_start3A_29 = tpu.memref_squeeze %dma_start3A_28 : memref<1x1024xf32, #tpu.memory_space<hbm>> -> memref<1024xf32, #tpu.memory_space<hbm>>
        %dma_start3A_30 = arith.constant 0 : i32
        %dma_start3A_31 = tpu.memref_slice %arg2[%add3A_13, %dma_start3A_30] : memref<80x1024xf32, #tpu.memory_space<hbm>> -> memref<1x1024xf32, #tpu.memory_space<hbm>>
        %dma_start3A_32 = tpu.memref_squeeze %dma_start3A_31 : memref<1x1024xf32, #tpu.memory_space<hbm>> -> memref<1024xf32, #tpu.memory_space<hbm>>
        tpu.enqueue_dma source(%dma_start3A_32 : memref<1024xf32, #tpu.memory_space<hbm>>) target(%arg13 : memref<1024xf32, #tpu.memory_space<vmem>>) target_semaphore(%run_scoped3A : memref<!tpu.dma_semaphore, #tpu.memory_space<semaphore_mem>>)
        %dma_wait3A = arith.constant 0 : i32
        %dma_wait3A_33 = tpu.memref_slice %arg2[%add3A_13, %dma_wait3A] : memref<80x1024xf32, #tpu.memory_space<hbm>> -> memref<1x1024xf32, #tpu.memory_space<hbm>>
        %dma_wait3A_34 = tpu.memref_squeeze %dma_wait3A_33 : memref<1x1024xf32, #tpu.memory_space<hbm>> -> memref<1024xf32, #tpu.memory_space<hbm>>
        %dma_wait3A_35 = arith.constant 0 : i32
        %dma_wait3A_36 = tpu.memref_slice %arg2[%add3A_13, %dma_wait3A_35] : memref<80x1024xf32, #tpu.memory_space<hbm>> -> memref<1x1024xf32, #tpu.memory_space<hbm>>
        %dma_wait3A_37 = tpu.memref_squeeze %dma_wait3A_36 : memref<1x1024xf32, #tpu.memory_space<hbm>> -> memref<1024xf32, #tpu.memory_space<hbm>>
        tpu.wait_dma2 semaphore(%run_scoped3A : memref<!tpu.dma_semaphore, #tpu.memory_space<semaphore_mem>>) src(%dma_wait3A_37 : memref<1024xf32, #tpu.memory_space<hbm>>) dst(%arg13 : memref<1024xf32, #tpu.memory_space<vmem>>)
        tpu.yield
      }) : () -> ()
      "tpu.region"() ({
        %run_scoped3A = tpu.sem_alloc : memref<!tpu.dma_semaphore, #tpu.memory_space<semaphore_mem>>
        %dma_start3A = arith.constant 0 : i32
        %dma_start3A_28 = tpu.memref_slice %arg3[%add3A_13, %dma_start3A] : memref<80x1024xf32, #tpu.memory_space<hbm>> -> memref<1x1024xf32, #tpu.memory_space<hbm>>
        %dma_start3A_29 = tpu.memref_squeeze %dma_start3A_28 : memref<1x1024xf32, #tpu.memory_space<hbm>> -> memref<1024xf32, #tpu.memory_space<hbm>>
        %dma_start3A_30 = arith.constant 0 : i32
        %dma_start3A_31 = tpu.memref_slice %arg3[%add3A_13, %dma_start3A_30] : memref<80x1024xf32, #tpu.memory_space<hbm>> -> memref<1x1024xf32, #tpu.memory_space<hbm>>
        %dma_start3A_32 = tpu.memref_squeeze %dma_start3A_31 : memref<1x1024xf32, #tpu.memory_space<hbm>> -> memref<1024xf32, #tpu.memory_space<hbm>>
        tpu.enqueue_dma source(%dma_start3A_32 : memref<1024xf32, #tpu.memory_space<hbm>>) target(%arg14 : memref<1024xf32, #tpu.memory_space<vmem>>) target_semaphore(%run_scoped3A : memref<!tpu.dma_semaphore, #tpu.memory_space<semaphore_mem>>)
        %dma_wait3A = arith.constant 0 : i32
        %dma_wait3A_33 = tpu.memref_slice %arg3[%add3A_13, %dma_wait3A] : memref<80x1024xf32, #tpu.memory_space<hbm>> -> memref<1x1024xf32, #tpu.memory_space<hbm>>
        %dma_wait3A_34 = tpu.memref_squeeze %dma_wait3A_33 : memref<1x1024xf32, #tpu.memory_space<hbm>> -> memref<1024xf32, #tpu.memory_space<hbm>>
        %dma_wait3A_35 = arith.constant 0 : i32
        %dma_wait3A_36 = tpu.memref_slice %arg3[%add3A_13, %dma_wait3A_35] : memref<80x1024xf32, #tpu.memory_space<hbm>> -> memref<1x1024xf32, #tpu.memory_space<hbm>>
        %dma_wait3A_37 = tpu.memref_squeeze %dma_wait3A_36 : memref<1x1024xf32, #tpu.memory_space<hbm>> -> memref<1024xf32, #tpu.memory_space<hbm>>
        tpu.wait_dma2 semaphore(%run_scoped3A : memref<!tpu.dma_semaphore, #tpu.memory_space<semaphore_mem>>) src(%dma_wait3A_37 : memref<1024xf32, #tpu.memory_space<hbm>>) dst(%arg14 : memref<1024xf32, #tpu.memory_space<vmem>>)
        tpu.yield
      }) : () -> ()
      "tpu.region"() ({
        %run_scoped3A = tpu.sem_alloc : memref<!tpu.dma_semaphore, #tpu.memory_space<semaphore_mem>>
        %dma_start3A = arith.constant 0 : i32
        %dma_start3A_28 = tpu.memref_slice %arg4[%add3A_13, %dma_start3A] : memref<80x1024xf32, #tpu.memory_space<hbm>> -> memref<1x1024xf32, #tpu.memory_space<hbm>>
        %dma_start3A_29 = tpu.memref_squeeze %dma_start3A_28 : memref<1x1024xf32, #tpu.memory_space<hbm>> -> memref<1024xf32, #tpu.memory_space<hbm>>
        %dma_start3A_30 = arith.constant 0 : i32
        %dma_start3A_31 = tpu.memref_slice %arg4[%add3A_13, %dma_start3A_30] : memref<80x1024xf32, #tpu.memory_space<hbm>> -> memref<1x1024xf32, #tpu.memory_space<hbm>>
        %dma_start3A_32 = tpu.memref_squeeze %dma_start3A_31 : memref<1x1024xf32, #tpu.memory_space<hbm>> -> memref<1024xf32, #tpu.memory_space<hbm>>
        tpu.enqueue_dma source(%dma_start3A_32 : memref<1024xf32, #tpu.memory_space<hbm>>) target(%arg15 : memref<1024xf32, #tpu.memory_space<vmem>>) target_semaphore(%run_scoped3A : memref<!tpu.dma_semaphore, #tpu.memory_space<semaphore_mem>>)
        %dma_wait3A = arith.constant 0 : i32
        %dma_wait3A_33 = tpu.memref_slice %arg4[%add3A_13, %dma_wait3A] : memref<80x1024xf32, #tpu.memory_space<hbm>> -> memref<1x1024xf32, #tpu.memory_space<hbm>>
        %dma_wait3A_34 = tpu.memref_squeeze %dma_wait3A_33 : memref<1x1024xf32, #tpu.memory_space<hbm>> -> memref<1024xf32, #tpu.memory_space<hbm>>
        %dma_wait3A_35 = arith.constant 0 : i32
        %dma_wait3A_36 = tpu.memref_slice %arg4[%add3A_13, %dma_wait3A_35] : memref<80x1024xf32, #tpu.memory_space<hbm>> -> memref<1x1024xf32, #tpu.memory_space<hbm>>
        %dma_wait3A_37 = tpu.memref_squeeze %dma_wait3A_36 : memref<1x1024xf32, #tpu.memory_space<hbm>> -> memref<1024xf32, #tpu.memory_space<hbm>>
        tpu.wait_dma2 semaphore(%run_scoped3A : memref<!tpu.dma_semaphore, #tpu.memory_space<semaphore_mem>>) src(%dma_wait3A_37 : memref<1024xf32, #tpu.memory_space<hbm>>) dst(%arg15 : memref<1024xf32, #tpu.memory_space<vmem>>)
        tpu.yield
      }) : () -> ()
      "tpu.region"() ({
        %run_scoped3A = tpu.sem_alloc : memref<!tpu.dma_semaphore, #tpu.memory_space<semaphore_mem>>
        %dma_start3A = arith.constant 0 : i32
        %dma_start3A_28 = tpu.memref_slice %arg5[%add3A_13, %dma_start3A] : memref<80x1024xf32, #tpu.memory_space<hbm>> -> memref<1x1024xf32, #tpu.memory_space<hbm>>
        %dma_start3A_29 = tpu.memref_squeeze %dma_start3A_28 : memref<1x1024xf32, #tpu.memory_space<hbm>> -> memref<1024xf32, #tpu.memory_space<hbm>>
        %dma_start3A_30 = arith.constant 0 : i32
        %dma_start3A_31 = tpu.memref_slice %arg5[%add3A_13, %dma_start3A_30] : memref<80x1024xf32, #tpu.memory_space<hbm>> -> memref<1x1024xf32, #tpu.memory_space<hbm>>
        %dma_start3A_32 = tpu.memref_squeeze %dma_start3A_31 : memref<1x1024xf32, #tpu.memory_space<hbm>> -> memref<1024xf32, #tpu.memory_space<hbm>>
        tpu.enqueue_dma source(%dma_start3A_32 : memref<1024xf32, #tpu.memory_space<hbm>>) target(%arg16 : memref<1024xf32, #tpu.memory_space<vmem>>) target_semaphore(%run_scoped3A : memref<!tpu.dma_semaphore, #tpu.memory_space<semaphore_mem>>)
        %dma_wait3A = arith.constant 0 : i32
        %dma_wait3A_33 = tpu.memref_slice %arg5[%add3A_13, %dma_wait3A] : memref<80x1024xf32, #tpu.memory_space<hbm>> -> memref<1x1024xf32, #tpu.memory_space<hbm>>
        %dma_wait3A_34 = tpu.memref_squeeze %dma_wait3A_33 : memref<1x1024xf32, #tpu.memory_space<hbm>> -> memref<1024xf32, #tpu.memory_space<hbm>>
        %dma_wait3A_35 = arith.constant 0 : i32
        %dma_wait3A_36 = tpu.memref_slice %arg5[%add3A_13, %dma_wait3A_35] : memref<80x1024xf32, #tpu.memory_space<hbm>> -> memref<1x1024xf32, #tpu.memory_space<hbm>>
        %dma_wait3A_37 = tpu.memref_squeeze %dma_wait3A_36 : memref<1x1024xf32, #tpu.memory_space<hbm>> -> memref<1024xf32, #tpu.memory_space<hbm>>
        tpu.wait_dma2 semaphore(%run_scoped3A : memref<!tpu.dma_semaphore, #tpu.memory_space<semaphore_mem>>) src(%dma_wait3A_37 : memref<1024xf32, #tpu.memory_space<hbm>>) dst(%arg16 : memref<1024xf32, #tpu.memory_space<vmem>>)
        tpu.yield
      }) : () -> ()
      "tpu.region"() ({
        %run_scoped3A = tpu.sem_alloc : memref<!tpu.dma_semaphore, #tpu.memory_space<semaphore_mem>>
        %dma_start3A = arith.constant 0 : i32
        %dma_start3A_28 = tpu.memref_slice %arg6[%add3A_13, %dma_start3A] : memref<80x1024xf32, #tpu.memory_space<hbm>> -> memref<1x1024xf32, #tpu.memory_space<hbm>>
        %dma_start3A_29 = tpu.memref_squeeze %dma_start3A_28 : memref<1x1024xf32, #tpu.memory_space<hbm>> -> memref<1024xf32, #tpu.memory_space<hbm>>
        %dma_start3A_30 = arith.constant 0 : i32
        %dma_start3A_31 = tpu.memref_slice %arg6[%add3A_13, %dma_start3A_30] : memref<80x1024xf32, #tpu.memory_space<hbm>> -> memref<1x1024xf32, #tpu.memory_space<hbm>>
        %dma_start3A_32 = tpu.memref_squeeze %dma_start3A_31 : memref<1x1024xf32, #tpu.memory_space<hbm>> -> memref<1024xf32, #tpu.memory_space<hbm>>
        tpu.enqueue_dma source(%dma_start3A_32 : memref<1024xf32, #tpu.memory_space<hbm>>) target(%arg17 : memref<1024xf32, #tpu.memory_space<vmem>>) target_semaphore(%run_scoped3A : memref<!tpu.dma_semaphore, #tpu.memory_space<semaphore_mem>>)
        %dma_wait3A = arith.constant 0 : i32
        %dma_wait3A_33 = tpu.memref_slice %arg6[%add3A_13, %dma_wait3A] : memref<80x1024xf32, #tpu.memory_space<hbm>> -> memref<1x1024xf32, #tpu.memory_space<hbm>>
        %dma_wait3A_34 = tpu.memref_squeeze %dma_wait3A_33 : memref<1x1024xf32, #tpu.memory_space<hbm>> -> memref<1024xf32, #tpu.memory_space<hbm>>
        %dma_wait3A_35 = arith.constant 0 : i32
        %dma_wait3A_36 = tpu.memref_slice %arg6[%add3A_13, %dma_wait3A_35] : memref<80x1024xf32, #tpu.memory_space<hbm>> -> memref<1x1024xf32, #tpu.memory_space<hbm>>
        %dma_wait3A_37 = tpu.memref_squeeze %dma_wait3A_36 : memref<1x1024xf32, #tpu.memory_space<hbm>> -> memref<1024xf32, #tpu.memory_space<hbm>>
        tpu.wait_dma2 semaphore(%run_scoped3A : memref<!tpu.dma_semaphore, #tpu.memory_space<semaphore_mem>>) src(%dma_wait3A_37 : memref<1024xf32, #tpu.memory_space<hbm>>) dst(%arg17 : memref<1024xf32, #tpu.memory_space<vmem>>)
        tpu.yield
      }) : () -> ()
      %broadcast_in_dim3A = arith.constant 1 : i32
      %broadcast_in_dim3A_19 = vector.broadcast %broadcast_in_dim3A : i32 to vector<16xi32>
      %broadcast_in_dim3A_20 = arith.constant 0 : i32
      %broadcast_in_dim3A_21 = vector.broadcast %broadcast_in_dim3A_20 : i32 to vector<16xi32>
      %scan3A = arith.constant 0 : i32
      %scan3A_22 = arith.constant 64 : i32
      %scan3A_23 = arith.addi %scan3A, %scan3A_22 : i32
      %scan3A_24 = arith.constant 1 : i32
      %scan3A_25 = scf.for %scan3A_28 = %scan3A to %scan3A_23 step %scan3A_24 iter_args(%scan3A_29 = %broadcast_in_dim3A_21) -> (vector<16xi32>)  : i32 {
        %mul3A_30 = arith.constant 16 : i32
        %mul3A_31 = arith.muli %scan3A_28, %mul3A_30 : i32
        %get3A = arith.index_cast %mul3A_31 : i32 to index
        %get3A_32 = tpu.vector_load %arg13[%get3A] {strides = array<i32>} : memref<1024xf32, #tpu.memory_space<vmem>>, vector<16xf32>,
        %gt3A = arith.constant 5.000000e-02 : f32
        %gt3A_33 = vector.broadcast %gt3A : f32 to vector<16xf32>
        %gt3A_34 = arith.cmpf ogt, %get3A_32, %gt3A_33 : vector<16xf32>
        %jit3A = arith.constant 0 : i32
        %broadcast_in_dim3A_35 = vector.broadcast %jit3A : i32 to vector<16xi32>
        %select_n3A = arith.select %gt3A_34, %broadcast_in_dim3A_19, %broadcast_in_dim3A_35 : vector<16xi1>, vector<16xi32>
        %broadcast_in_dim3A_36 = arith.constant true
        %broadcast_in_dim3A_37 = vector.broadcast %broadcast_in_dim3A_36 : i1 to vector<16xi1>
        %masked_cumsum3A = tpu.scan <sum>, %select_n3A masked %broadcast_in_dim3A_37 : vector<16xi32>, vector<16xi1> -> vector<16xi32>
        %add3A_38 = arith.addi %scan3A_29, %masked_cumsum3A : vector<16xi32>
        %sub3A = arith.constant 1 : i32
        %sub3A_39 = vector.broadcast %sub3A : i32 to vector<16xi32>
        %sub3A_40 = arith.subi %add3A_38, %sub3A_39 : vector<16xi32>
        tpu.vector_store_idx %arg18[%sub3A_40], %get3A_32 masked %gt3A_34 : memref<1056xf32, #tpu.memory_space<vmem>>[vector<16xi32>], vector<16xf32>, vector<16xi1>
        %get3A_41 = arith.index_cast %mul3A_31 : i32 to index
        %get3A_42 = tpu.vector_load %arg14[%get3A_41] {strides = array<i32>} : memref<1024xf32, #tpu.memory_space<vmem>>, vector<16xf32>,
        tpu.vector_store_idx %arg19[%sub3A_40], %get3A_42 masked %gt3A_34 : memref<1056xf32, #tpu.memory_space<vmem>>[vector<16xi32>], vector<16xf32>, vector<16xi1>
        %get3A_43 = arith.index_cast %mul3A_31 : i32 to index
        %get3A_44 = tpu.vector_load %arg15[%get3A_43] {strides = array<i32>} : memref<1024xf32, #tpu.memory_space<vmem>>, vector<16xf32>,
        tpu.vector_store_idx %arg20[%sub3A_40], %get3A_44 masked %gt3A_34 : memref<1056xf32, #tpu.memory_space<vmem>>[vector<16xi32>], vector<16xf32>, vector<16xi1>
        %get3A_45 = arith.index_cast %mul3A_31 : i32 to index
        %get3A_46 = tpu.vector_load %arg16[%get3A_45] {strides = array<i32>} : memref<1024xf32, #tpu.memory_space<vmem>>, vector<16xf32>,
        tpu.vector_store_idx %arg21[%sub3A_40], %get3A_46 masked %gt3A_34 : memref<1056xf32, #tpu.memory_space<vmem>>[vector<16xi32>], vector<16xf32>, vector<16xi1>
        %get3A_47 = arith.index_cast %mul3A_31 : i32 to index
        %get3A_48 = tpu.vector_load %arg17[%get3A_47] {strides = array<i32>} : memref<1024xf32, #tpu.memory_space<vmem>>, vector<16xf32>,
        tpu.vector_store_idx %arg22[%sub3A_40], %get3A_48 masked %gt3A_34 : memref<1056xf32, #tpu.memory_space<vmem>>[vector<16xi32>], vector<16xf32>, vector<16xi1>
        %all_reduce_population_count3A = tpu.all_reduce %gt3A_34 {dim = 0 : i64, kind = #tpu.reduction_kind<sum>} : vector<16xi1> -> vector<16xi32>
        %add3A_49 = arith.addi %scan3A_29, %all_reduce_population_count3A : vector<16xi32>
        scf.yield %add3A_49 : vector<16xi32>
      }
      %scan3A_26 = arith.constant 64 : i32
      %swap3A = arith.constant 0 : index
      %swap3A_27 = tpu.vector_load %arg23[%swap3A] {strides = array<i32>} : memref<16xi32, #tpu.memory_space<vmem>>, vector<16xi32>,
      tpu.vector_store %arg23[%swap3A], %scan3A_25 {strides = array<i32>} : memref<16xi32, #tpu.memory_space<vmem>>, vector<16xi32>,
      "tpu.region"() ({
        %run_scoped3A = tpu.sem_alloc : memref<!tpu.dma_semaphore, #tpu.memory_space<semaphore_mem>>
        %dma_start3A = arith.constant 0 : i32
        %dma_start3A_28 = tpu.memref_slice %arg12[%add3A_13, %dma_start3A] : memref<80x16xi32, #tpu.memory_space<hbm>> -> memref<1x16xi32, #tpu.memory_space<hbm>>
        %dma_start3A_29 = tpu.memref_squeeze %dma_start3A_28 : memref<1x16xi32, #tpu.memory_space<hbm>> -> memref<16xi32, #tpu.memory_space<hbm>>
        %dma_start3A_30 = arith.constant 0 : i32
        %dma_start3A_31 = tpu.memref_slice %arg12[%add3A_13, %dma_start3A_30] : memref<80x16xi32, #tpu.memory_space<hbm>> -> memref<1x16xi32, #tpu.memory_space<hbm>>
        %dma_start3A_32 = tpu.memref_squeeze %dma_start3A_31 : memref<1x16xi32, #tpu.memory_space<hbm>> -> memref<16xi32, #tpu.memory_space<hbm>>
        tpu.enqueue_dma source(%arg23 : memref<16xi32, #tpu.memory_space<vmem>>) target(%dma_start3A_32 : memref<16xi32, #tpu.memory_space<hbm>>) target_semaphore(%run_scoped3A : memref<!tpu.dma_semaphore, #tpu.memory_space<semaphore_mem>>)
        %dma_wait3A = arith.constant 0 : i32
        %dma_wait3A_33 = tpu.memref_slice %arg12[%add3A_13, %dma_wait3A] : memref<80x16xi32, #tpu.memory_space<hbm>> -> memref<1x16xi32, #tpu.memory_space<hbm>>
        %dma_wait3A_34 = tpu.memref_squeeze %dma_wait3A_33 : memref<1x16xi32, #tpu.memory_space<hbm>> -> memref<16xi32, #tpu.memory_space<hbm>>
        %dma_wait3A_35 = arith.constant 0 : i32
        %dma_wait3A_36 = tpu.memref_slice %arg12[%add3A_13, %dma_wait3A_35] : memref<80x16xi32, #tpu.memory_space<hbm>> -> memref<1x16xi32, #tpu.memory_space<hbm>>
        %dma_wait3A_37 = tpu.memref_squeeze %dma_wait3A_36 : memref<1x16xi32, #tpu.memory_space<hbm>> -> memref<16xi32, #tpu.memory_space<hbm>>
        tpu.wait_dma2 semaphore(%run_scoped3A : memref<!tpu.dma_semaphore, #tpu.memory_space<semaphore_mem>>) src(%arg23 : memref<16xi32, #tpu.memory_space<vmem>>) dst(%dma_wait3A_37 : memref<16xi32, #tpu.memory_space<hbm>>)
        tpu.yield
      }) : () -> ()
      "tpu.region"() ({
        %run_scoped3A = tpu.sem_alloc : memref<!tpu.dma_semaphore, #tpu.memory_space<semaphore_mem>>
        %dma_start3A = arith.constant 0 : i32
        %dma_start3A_28 = tpu.memref_slice %arg18[%dma_start3A] : memref<1056xf32, #tpu.memory_space<vmem>> -> memref<128xf32, #tpu.memory_space<vmem>>
        %dma_start3A_29 = arith.constant 0 : i32
        %dma_start3A_30 = tpu.memref_slice %arg7[%add3A_13, %dma_start3A_29] : memref<80x128xf32, #tpu.memory_space<hbm>> -> memref<1x128xf32, #tpu.memory_space<hbm>>
        %dma_start3A_31 = tpu.memref_squeeze %dma_start3A_30 : memref<1x128xf32, #tpu.memory_space<hbm>> -> memref<128xf32, #tpu.memory_space<hbm>>
        %dma_start3A_32 = arith.constant 0 : i32
        %dma_start3A_33 = tpu.memref_slice %arg7[%add3A_13, %dma_start3A_32] : memref<80x128xf32, #tpu.memory_space<hbm>> -> memref<1x128xf32, #tpu.memory_space<hbm>>
        %dma_start3A_34 = tpu.memref_squeeze %dma_start3A_33 : memref<1x128xf32, #tpu.memory_space<hbm>> -> memref<128xf32, #tpu.memory_space<hbm>>
        %dma_start3A_35 = arith.constant 0 : i32
        %dma_start3A_36 = tpu.memref_slice %arg18[%dma_start3A_35] : memref<1056xf32, #tpu.memory_space<vmem>> -> memref<128xf32, #tpu.memory_space<vmem>>
        tpu.enqueue_dma source(%dma_start3A_36 : memref<128xf32, #tpu.memory_space<vmem>>) target(%dma_start3A_34 : memref<128xf32, #tpu.memory_space<hbm>>) target_semaphore(%run_scoped3A : memref<!tpu.dma_semaphore, #tpu.memory_space<semaphore_mem>>)
        %dma_wait3A = arith.constant 0 : i32
        %dma_wait3A_37 = tpu.memref_slice %arg18[%dma_wait3A] : memref<1056xf32, #tpu.memory_space<vmem>> -> memref<128xf32, #tpu.memory_space<vmem>>
        %dma_wait3A_38 = arith.constant 0 : i32
        %dma_wait3A_39 = tpu.memref_slice %arg7[%add3A_13, %dma_wait3A_38] : memref<80x128xf32, #tpu.memory_space<hbm>> -> memref<1x128xf32, #tpu.memory_space<hbm>>
        %dma_wait3A_40 = tpu.memref_squeeze %dma_wait3A_39 : memref<1x128xf32, #tpu.memory_space<hbm>> -> memref<128xf32, #tpu.memory_space<hbm>>
        %dma_wait3A_41 = arith.constant 0 : i32
        %dma_wait3A_42 = tpu.memref_slice %arg7[%add3A_13, %dma_wait3A_41] : memref<80x128xf32, #tpu.memory_space<hbm>> -> memref<1x128xf32, #tpu.memory_space<hbm>>
        %dma_wait3A_43 = tpu.memref_squeeze %dma_wait3A_42 : memref<1x128xf32, #tpu.memory_space<hbm>> -> memref<128xf32, #tpu.memory_space<hbm>>
        %dma_wait3A_44 = arith.constant 0 : i32
        %dma_wait3A_45 = tpu.memref_slice %arg18[%dma_wait3A_44] : memref<1056xf32, #tpu.memory_space<vmem>> -> memref<128xf32, #tpu.memory_space<vmem>>
        tpu.wait_dma2 semaphore(%run_scoped3A : memref<!tpu.dma_semaphore, #tpu.memory_space<semaphore_mem>>) src(%dma_wait3A_45 : memref<128xf32, #tpu.memory_space<vmem>>) dst(%dma_wait3A_43 : memref<128xf32, #tpu.memory_space<hbm>>)
        tpu.yield
      }) : () -> ()
      "tpu.region"() ({
        %run_scoped3A = tpu.sem_alloc : memref<!tpu.dma_semaphore, #tpu.memory_space<semaphore_mem>>
        %dma_start3A = arith.constant 0 : i32
        %dma_start3A_28 = tpu.memref_slice %arg19[%dma_start3A] : memref<1056xf32, #tpu.memory_space<vmem>> -> memref<128xf32, #tpu.memory_space<vmem>>
        %dma_start3A_29 = arith.constant 0 : i32
        %dma_start3A_30 = tpu.memref_slice %arg8[%add3A_13, %dma_start3A_29] : memref<80x128xf32, #tpu.memory_space<hbm>> -> memref<1x128xf32, #tpu.memory_space<hbm>>
        %dma_start3A_31 = tpu.memref_squeeze %dma_start3A_30 : memref<1x128xf32, #tpu.memory_space<hbm>> -> memref<128xf32, #tpu.memory_space<hbm>>
        %dma_start3A_32 = arith.constant 0 : i32
        %dma_start3A_33 = tpu.memref_slice %arg8[%add3A_13, %dma_start3A_32] : memref<80x128xf32, #tpu.memory_space<hbm>> -> memref<1x128xf32, #tpu.memory_space<hbm>>
        %dma_start3A_34 = tpu.memref_squeeze %dma_start3A_33 : memref<1x128xf32, #tpu.memory_space<hbm>> -> memref<128xf32, #tpu.memory_space<hbm>>
        %dma_start3A_35 = arith.constant 0 : i32
        %dma_start3A_36 = tpu.memref_slice %arg19[%dma_start3A_35] : memref<1056xf32, #tpu.memory_space<vmem>> -> memref<128xf32, #tpu.memory_space<vmem>>
        tpu.enqueue_dma source(%dma_start3A_36 : memref<128xf32, #tpu.memory_space<vmem>>) target(%dma_start3A_34 : memref<128xf32, #tpu.memory_space<hbm>>) target_semaphore(%run_scoped3A : memref<!tpu.dma_semaphore, #tpu.memory_space<semaphore_mem>>)
        %dma_wait3A = arith.constant 0 : i32
        %dma_wait3A_37 = tpu.memref_slice %arg19[%dma_wait3A] : memref<1056xf32, #tpu.memory_space<vmem>> -> memref<128xf32, #tpu.memory_space<vmem>>
        %dma_wait3A_38 = arith.constant 0 : i32
        %dma_wait3A_39 = tpu.memref_slice %arg8[%add3A_13, %dma_wait3A_38] : memref<80x128xf32, #tpu.memory_space<hbm>> -> memref<1x128xf32, #tpu.memory_space<hbm>>
        %dma_wait3A_40 = tpu.memref_squeeze %dma_wait3A_39 : memref<1x128xf32, #tpu.memory_space<hbm>> -> memref<128xf32, #tpu.memory_space<hbm>>
        %dma_wait3A_41 = arith.constant 0 : i32
        %dma_wait3A_42 = tpu.memref_slice %arg8[%add3A_13, %dma_wait3A_41] : memref<80x128xf32, #tpu.memory_space<hbm>> -> memref<1x128xf32, #tpu.memory_space<hbm>>
        %dma_wait3A_43 = tpu.memref_squeeze %dma_wait3A_42 : memref<1x128xf32, #tpu.memory_space<hbm>> -> memref<128xf32, #tpu.memory_space<hbm>>
        %dma_wait3A_44 = arith.constant 0 : i32
        %dma_wait3A_45 = tpu.memref_slice %arg19[%dma_wait3A_44] : memref<1056xf32, #tpu.memory_space<vmem>> -> memref<128xf32, #tpu.memory_space<vmem>>
        tpu.wait_dma2 semaphore(%run_scoped3A : memref<!tpu.dma_semaphore, #tpu.memory_space<semaphore_mem>>) src(%dma_wait3A_45 : memref<128xf32, #tpu.memory_space<vmem>>) dst(%dma_wait3A_43 : memref<128xf32, #tpu.memory_space<hbm>>)
        tpu.yield
      }) : () -> ()
      "tpu.region"() ({
        %run_scoped3A = tpu.sem_alloc : memref<!tpu.dma_semaphore, #tpu.memory_space<semaphore_mem>>
        %dma_start3A = arith.constant 0 : i32
        %dma_start3A_28 = tpu.memref_slice %arg20[%dma_start3A] : memref<1056xf32, #tpu.memory_space<vmem>> -> memref<128xf32, #tpu.memory_space<vmem>>
        %dma_start3A_29 = arith.constant 0 : i32
        %dma_start3A_30 = tpu.memref_slice %arg9[%add3A_13, %dma_start3A_29] : memref<80x128xf32, #tpu.memory_space<hbm>> -> memref<1x128xf32, #tpu.memory_space<hbm>>
        %dma_start3A_31 = tpu.memref_squeeze %dma_start3A_30 : memref<1x128xf32, #tpu.memory_space<hbm>> -> memref<128xf32, #tpu.memory_space<hbm>>
        %dma_start3A_32 = arith.constant 0 : i32
        %dma_start3A_33 = tpu.memref_slice %arg9[%add3A_13, %dma_start3A_32] : memref<80x128xf32, #tpu.memory_space<hbm>> -> memref<1x128xf32, #tpu.memory_space<hbm>>
        %dma_start3A_34 = tpu.memref_squeeze %dma_start3A_33 : memref<1x128xf32, #tpu.memory_space<hbm>> -> memref<128xf32, #tpu.memory_space<hbm>>
        %dma_start3A_35 = arith.constant 0 : i32
        %dma_start3A_36 = tpu.memref_slice %arg20[%dma_start3A_35] : memref<1056xf32, #tpu.memory_space<vmem>> -> memref<128xf32, #tpu.memory_space<vmem>>
        tpu.enqueue_dma source(%dma_start3A_36 : memref<128xf32, #tpu.memory_space<vmem>>) target(%dma_start3A_34 : memref<128xf32, #tpu.memory_space<hbm>>) target_semaphore(%run_scoped3A : memref<!tpu.dma_semaphore, #tpu.memory_space<semaphore_mem>>)
        %dma_wait3A = arith.constant 0 : i32
        %dma_wait3A_37 = tpu.memref_slice %arg20[%dma_wait3A] : memref<1056xf32, #tpu.memory_space<vmem>> -> memref<128xf32, #tpu.memory_space<vmem>>
        %dma_wait3A_38 = arith.constant 0 : i32
        %dma_wait3A_39 = tpu.memref_slice %arg9[%add3A_13, %dma_wait3A_38] : memref<80x128xf32, #tpu.memory_space<hbm>> -> memref<1x128xf32, #tpu.memory_space<hbm>>
        %dma_wait3A_40 = tpu.memref_squeeze %dma_wait3A_39 : memref<1x128xf32, #tpu.memory_space<hbm>> -> memref<128xf32, #tpu.memory_space<hbm>>
        %dma_wait3A_41 = arith.constant 0 : i32
        %dma_wait3A_42 = tpu.memref_slice %arg9[%add3A_13, %dma_wait3A_41] : memref<80x128xf32, #tpu.memory_space<hbm>> -> memref<1x128xf32, #tpu.memory_space<hbm>>
        %dma_wait3A_43 = tpu.memref_squeeze %dma_wait3A_42 : memref<1x128xf32, #tpu.memory_space<hbm>> -> memref<128xf32, #tpu.memory_space<hbm>>
        %dma_wait3A_44 = arith.constant 0 : i32
        %dma_wait3A_45 = tpu.memref_slice %arg20[%dma_wait3A_44] : memref<1056xf32, #tpu.memory_space<vmem>> -> memref<128xf32, #tpu.memory_space<vmem>>
        tpu.wait_dma2 semaphore(%run_scoped3A : memref<!tpu.dma_semaphore, #tpu.memory_space<semaphore_mem>>) src(%dma_wait3A_45 : memref<128xf32, #tpu.memory_space<vmem>>) dst(%dma_wait3A_43 : memref<128xf32, #tpu.memory_space<hbm>>)
        tpu.yield
      }) : () -> ()
      "tpu.region"() ({
        %run_scoped3A = tpu.sem_alloc : memref<!tpu.dma_semaphore, #tpu.memory_space<semaphore_mem>>
        %dma_start3A = arith.constant 0 : i32
        %dma_start3A_28 = tpu.memref_slice %arg21[%dma_start3A] : memref<1056xf32, #tpu.memory_space<vmem>> -> memref<128xf32, #tpu.memory_space<vmem>>
        %dma_start3A_29 = arith.constant 0 : i32
        %dma_start3A_30 = tpu.memref_slice %arg10[%add3A_13, %dma_start3A_29] : memref<80x128xf32, #tpu.memory_space<hbm>> -> memref<1x128xf32, #tpu.memory_space<hbm>>
        %dma_start3A_31 = tpu.memref_squeeze %dma_start3A_30 : memref<1x128xf32, #tpu.memory_space<hbm>> -> memref<128xf32, #tpu.memory_space<hbm>>
        %dma_start3A_32 = arith.constant 0 : i32
        %dma_start3A_33 = tpu.memref_slice %arg10[%add3A_13, %dma_start3A_32] : memref<80x128xf32, #tpu.memory_space<hbm>> -> memref<1x128xf32, #tpu.memory_space<hbm>>
        %dma_start3A_34 = tpu.memref_squeeze %dma_start3A_33 : memref<1x128xf32, #tpu.memory_space<hbm>> -> memref<128xf32, #tpu.memory_space<hbm>>
        %dma_start3A_35 = arith.constant 0 : i32
        %dma_start3A_36 = tpu.memref_slice %arg21[%dma_start3A_35] : memref<1056xf32, #tpu.memory_space<vmem>> -> memref<128xf32, #tpu.memory_space<vmem>>
        tpu.enqueue_dma source(%dma_start3A_36 : memref<128xf32, #tpu.memory_space<vmem>>) target(%dma_start3A_34 : memref<128xf32, #tpu.memory_space<hbm>>) target_semaphore(%run_scoped3A : memref<!tpu.dma_semaphore, #tpu.memory_space<semaphore_mem>>)
        %dma_wait3A = arith.constant 0 : i32
        %dma_wait3A_37 = tpu.memref_slice %arg21[%dma_wait3A] : memref<1056xf32, #tpu.memory_space<vmem>> -> memref<128xf32, #tpu.memory_space<vmem>>
        %dma_wait3A_38 = arith.constant 0 : i32
        %dma_wait3A_39 = tpu.memref_slice %arg10[%add3A_13, %dma_wait3A_38] : memref<80x128xf32, #tpu.memory_space<hbm>> -> memref<1x128xf32, #tpu.memory_space<hbm>>
        %dma_wait3A_40 = tpu.memref_squeeze %dma_wait3A_39 : memref<1x128xf32, #tpu.memory_space<hbm>> -> memref<128xf32, #tpu.memory_space<hbm>>
        %dma_wait3A_41 = arith.constant 0 : i32
        %dma_wait3A_42 = tpu.memref_slice %arg10[%add3A_13, %dma_wait3A_41] : memref<80x128xf32, #tpu.memory_space<hbm>> -> memref<1x128xf32, #tpu.memory_space<hbm>>
        %dma_wait3A_43 = tpu.memref_squeeze %dma_wait3A_42 : memref<1x128xf32, #tpu.memory_space<hbm>> -> memref<128xf32, #tpu.memory_space<hbm>>
        %dma_wait3A_44 = arith.constant 0 : i32
        %dma_wait3A_45 = tpu.memref_slice %arg21[%dma_wait3A_44] : memref<1056xf32, #tpu.memory_space<vmem>> -> memref<128xf32, #tpu.memory_space<vmem>>
        tpu.wait_dma2 semaphore(%run_scoped3A : memref<!tpu.dma_semaphore, #tpu.memory_space<semaphore_mem>>) src(%dma_wait3A_45 : memref<128xf32, #tpu.memory_space<vmem>>) dst(%dma_wait3A_43 : memref<128xf32, #tpu.memory_space<hbm>>)
        tpu.yield
      }) : () -> ()
      "tpu.region"() ({
        %run_scoped3A = tpu.sem_alloc : memref<!tpu.dma_semaphore, #tpu.memory_space<semaphore_mem>>
        %dma_start3A = arith.constant 0 : i32
        %dma_start3A_28 = tpu.memref_slice %arg22[%dma_start3A] : memref<1056xf32, #tpu.memory_space<vmem>> -> memref<128xf32, #tpu.memory_space<vmem>>
        %dma_start3A_29 = arith.constant 0 : i32
        %dma_start3A_30 = tpu.memref_slice %arg11[%add3A_13, %dma_start3A_29] : memref<80x128xf32, #tpu.memory_space<hbm>> -> memref<1x128xf32, #tpu.memory_space<hbm>>
        %dma_start3A_31 = tpu.memref_squeeze %dma_start3A_30 : memref<1x128xf32, #tpu.memory_space<hbm>> -> memref<128xf32, #tpu.memory_space<hbm>>
        %dma_start3A_32 = arith.constant 0 : i32
        %dma_start3A_33 = tpu.memref_slice %arg11[%add3A_13, %dma_start3A_32] : memref<80x128xf32, #tpu.memory_space<hbm>> -> memref<1x128xf32, #tpu.memory_space<hbm>>
        %dma_start3A_34 = tpu.memref_squeeze %dma_start3A_33 : memref<1x128xf32, #tpu.memory_space<hbm>> -> memref<128xf32, #tpu.memory_space<hbm>>
        %dma_start3A_35 = arith.constant 0 : i32
        %dma_start3A_36 = tpu.memref_slice %arg22[%dma_start3A_35] : memref<1056xf32, #tpu.memory_space<vmem>> -> memref<128xf32, #tpu.memory_space<vmem>>
        tpu.enqueue_dma source(%dma_start3A_36 : memref<128xf32, #tpu.memory_space<vmem>>) target(%dma_start3A_34 : memref<128xf32, #tpu.memory_space<hbm>>) target_semaphore(%run_scoped3A : memref<!tpu.dma_semaphore, #tpu.memory_space<semaphore_mem>>)
        %dma_wait3A = arith.constant 0 : i32
        %dma_wait3A_37 = tpu.memref_slice %arg22[%dma_wait3A] : memref<1056xf32, #tpu.memory_space<vmem>> -> memref<128xf32, #tpu.memory_space<vmem>>
        %dma_wait3A_38 = arith.constant 0 : i32
        %dma_wait3A_39 = tpu.memref_slice %arg11[%add3A_13, %dma_wait3A_38] : memref<80x128xf32, #tpu.memory_space<hbm>> -> memref<1x128xf32, #tpu.memory_space<hbm>>
        %dma_wait3A_40 = tpu.memref_squeeze %dma_wait3A_39 : memref<1x128xf32, #tpu.memory_space<hbm>> -> memref<128xf32, #tpu.memory_space<hbm>>
        %dma_wait3A_41 = arith.constant 0 : i32
        %dma_wait3A_42 = tpu.memref_slice %arg11[%add3A_13, %dma_wait3A_41] : memref<80x128xf32, #tpu.memory_space<hbm>> -> memref<1x128xf32, #tpu.memory_space<hbm>>
        %dma_wait3A_43 = tpu.memref_squeeze %dma_wait3A_42 : memref<1x128xf32, #tpu.memory_space<hbm>> -> memref<128xf32, #tpu.memory_space<hbm>>
        %dma_wait3A_44 = arith.constant 0 : i32
        %dma_wait3A_45 = tpu.memref_slice %arg22[%dma_wait3A_44] : memref<1056xf32, #tpu.memory_space<vmem>> -> memref<128xf32, #tpu.memory_space<vmem>>
        tpu.wait_dma2 semaphore(%run_scoped3A : memref<!tpu.dma_semaphore, #tpu.memory_space<semaphore_mem>>) src(%dma_wait3A_45 : memref<128xf32, #tpu.memory_space<vmem>>) dst(%dma_wait3A_43 : memref<128xf32, #tpu.memory_space<hbm>>)
        tpu.yield
      }) : () -> ()
    } else {
    }
    return
  }
}

module attributes {stable_mosaic.version = 14 : i64} {
  func.func @_decode_kernel(%arg0: memref<81x1000xf32, #tpu.memory_space<vmem>>, %arg1: memref<80x1000xf32, #tpu.memory_space<vmem>>, %arg2: memref<80x1000xf32, #tpu.memory_space<vmem>>, %arg3: memref<80x1000xf32, #tpu.memory_space<vmem>>, %arg4: memref<80x1000xf32, #tpu.memory_space<vmem>>, %arg5: memref<4x1000xf32, #tpu.memory_space<vmem>>, %arg6: memref<80x1024xf32, #tpu.memory_space<vmem>>, %arg7: memref<80x1024xf32, #tpu.memory_space<vmem>>, %arg8: memref<80x1024xf32, #tpu.memory_space<vmem>>, %arg9: memref<80x1024xf32, #tpu.memory_space<vmem>>, %arg10: memref<80x1024xf32, #tpu.memory_space<vmem>>) attributes {dimension_semantics = [], scalar_prefetch = 0 : i64, scratch_operands = 0 : i64, tpu.core_type = #tpu.core_type<tc>} {
    %get3A = arith.constant 0 : index
    %get3A_0 = arith.constant 0 : index
    %get3A_1 = vector.load %arg0[%get3A, %get3A_0] : memref<81x1000xf32, #tpu.memory_space<vmem>>, vector<81x1000xf32>
    %reduce_max3A = arith.constant dense<0xFF800000> : vector<1000xf32>
    %reduce_max3A_2 = vector.multi_reduction <maximumf>, %get3A_1, %reduce_max3A [0] : vector<81x1000xf32> to vector<1000xf32>
    %broadcast_in_dim3A = vector.shape_cast %reduce_max3A_2 : vector<1000xf32> to vector<1x1000xf32>
    %sub3A = vector.broadcast %broadcast_in_dim3A : vector<1x1000xf32> to vector<81x1000xf32>
    %sub3A_3 = arith.subf %get3A_1, %sub3A : vector<81x1000xf32>
    %exp3A = math.exp %sub3A_3 : vector<81x1000xf32>
    %reduce_sum3A = arith.constant dense<0.000000e+00> : vector<1000xf32>
    %reduce_sum3A_4 = vector.multi_reduction <add>, %exp3A, %reduce_sum3A [0] : vector<81x1000xf32> to vector<1000xf32>
    %broadcast_in_dim3A_5 = vector.shape_cast %reduce_sum3A_4 : vector<1000xf32> to vector<1x1000xf32>
    %div3A = vector.broadcast %broadcast_in_dim3A_5 : vector<1x1000xf32> to vector<81x1000xf32>
    %div3A_6 = arith.divf %exp3A, %div3A : vector<81x1000xf32>
    %slice3A = vector.extract_strided_slice %div3A_6 {offsets = [1, 0], sizes = [80, 1000], strides = [1, 1]} : vector<81x1000xf32> to vector<80x1000xf32>
    %get3A_7 = arith.constant 0 : index
    %get3A_8 = arith.constant 0 : index
    %get3A_9 = vector.load %arg5[%get3A_7, %get3A_8] : memref<4x1000xf32, #tpu.memory_space<vmem>>, vector<1x1000xf32>
    %get3A_10 = arith.constant 1 : index
    %get3A_11 = arith.constant 0 : index
    %get3A_12 = vector.load %arg5[%get3A_10, %get3A_11] : memref<4x1000xf32, #tpu.memory_space<vmem>>, vector<1x1000xf32>
    %get3A_13 = arith.constant 2 : index
    %get3A_14 = arith.constant 0 : index
    %get3A_15 = vector.load %arg5[%get3A_13, %get3A_14] : memref<4x1000xf32, #tpu.memory_space<vmem>>, vector<1x1000xf32>
    %get3A_16 = arith.constant 3 : index
    %get3A_17 = arith.constant 0 : index
    %get3A_18 = vector.load %arg5[%get3A_16, %get3A_17] : memref<4x1000xf32, #tpu.memory_space<vmem>>, vector<1x1000xf32>
    %sub3A_19 = arith.subf %get3A_15, %get3A_9 : vector<1x1000xf32>
    %add3A = arith.constant 1.000000e+00 : f32
    %add3A_20 = vector.broadcast %add3A : f32 to vector<1x1000xf32>
    %add3A_21 = arith.addf %sub3A_19, %add3A_20 : vector<1x1000xf32>
    %sub3A_22 = arith.subf %get3A_18, %get3A_12 : vector<1x1000xf32>
    %add3A_23 = arith.constant 1.000000e+00 : f32
    %add3A_24 = vector.broadcast %add3A_23 : f32 to vector<1x1000xf32>
    %add3A_25 = arith.addf %sub3A_22, %add3A_24 : vector<1x1000xf32>
    %mul3A = arith.constant 5.000000e-01 : f32
    %mul3A_26 = vector.broadcast %mul3A : f32 to vector<1x1000xf32>
    %mul3A_27 = arith.mulf %mul3A_26, %add3A_21 : vector<1x1000xf32>
    %add3A_28 = arith.addf %get3A_9, %mul3A_27 : vector<1x1000xf32>
    %mul3A_29 = arith.constant 5.000000e-01 : f32
    %mul3A_30 = vector.broadcast %mul3A_29 : f32 to vector<1x1000xf32>
    %mul3A_31 = arith.mulf %mul3A_30, %add3A_25 : vector<1x1000xf32>
    %add3A_32 = arith.addf %get3A_12, %mul3A_31 : vector<1x1000xf32>
    %get3A_33 = arith.constant 0 : index
    %get3A_34 = arith.constant 0 : index
    %get3A_35 = vector.load %arg1[%get3A_33, %get3A_34] : memref<80x1000xf32, #tpu.memory_space<vmem>>, vector<80x1000xf32>
    %div3A_36 = arith.constant 1.000000e+01 : f32
    %div3A_37 = vector.broadcast %div3A_36 : f32 to vector<80x1000xf32>
    %div3A_38 = arith.divf %get3A_35, %div3A_37 : vector<80x1000xf32>
    %get3A_39 = arith.constant 0 : index
    %get3A_40 = arith.constant 0 : index
    %get3A_41 = vector.load %arg2[%get3A_39, %get3A_40] : memref<80x1000xf32, #tpu.memory_space<vmem>>, vector<80x1000xf32>
    %div3A_42 = arith.constant 1.000000e+01 : f32
    %div3A_43 = vector.broadcast %div3A_42 : f32 to vector<80x1000xf32>
    %div3A_44 = arith.divf %get3A_41, %div3A_43 : vector<80x1000xf32>
    %get3A_45 = arith.constant 0 : index
    %get3A_46 = arith.constant 0 : index
    %get3A_47 = vector.load %arg3[%get3A_45, %get3A_46] : memref<80x1000xf32, #tpu.memory_space<vmem>>, vector<80x1000xf32>
    %div3A_48 = arith.constant 5.000000e+00 : f32
    %div3A_49 = vector.broadcast %div3A_48 : f32 to vector<80x1000xf32>
    %div3A_50 = arith.divf %get3A_47, %div3A_49 : vector<80x1000xf32>
    %min3A = arith.constant 4.13516665 : f32
    %min3A_51 = vector.broadcast %min3A : f32 to vector<80x1000xf32>
    %min3A_52 = arith.minimumf %div3A_50, %min3A_51 : vector<80x1000xf32>
    %get3A_53 = arith.constant 0 : index
    %get3A_54 = arith.constant 0 : index
    %get3A_55 = vector.load %arg4[%get3A_53, %get3A_54] : memref<80x1000xf32, #tpu.memory_space<vmem>>, vector<80x1000xf32>
    %div3A_56 = arith.constant 5.000000e+00 : f32
    %div3A_57 = vector.broadcast %div3A_56 : f32 to vector<80x1000xf32>
    %div3A_58 = arith.divf %get3A_55, %div3A_57 : vector<80x1000xf32>
    %min3A_59 = arith.constant 4.13516665 : f32
    %min3A_60 = vector.broadcast %min3A_59 : f32 to vector<80x1000xf32>
    %min3A_61 = arith.minimumf %div3A_58, %min3A_60 : vector<80x1000xf32>
    %mul3A_62 = vector.broadcast %add3A_21 : vector<1x1000xf32> to vector<80x1000xf32>
    %mul3A_63 = arith.mulf %div3A_38, %mul3A_62 : vector<80x1000xf32>
    %add3A_64 = vector.broadcast %add3A_28 : vector<1x1000xf32> to vector<80x1000xf32>
    %add3A_65 = arith.addf %mul3A_63, %add3A_64 : vector<80x1000xf32>
    %mul3A_66 = vector.broadcast %add3A_25 : vector<1x1000xf32> to vector<80x1000xf32>
    %mul3A_67 = arith.mulf %div3A_44, %mul3A_66 : vector<80x1000xf32>
    %add3A_68 = vector.broadcast %add3A_32 : vector<1x1000xf32> to vector<80x1000xf32>
    %add3A_69 = arith.addf %mul3A_67, %add3A_68 : vector<80x1000xf32>
    %exp3A_70 = math.exp %min3A_52 : vector<80x1000xf32>
    %mul3A_71 = vector.broadcast %add3A_21 : vector<1x1000xf32> to vector<80x1000xf32>
    %mul3A_72 = arith.mulf %exp3A_70, %mul3A_71 : vector<80x1000xf32>
    %exp3A_73 = math.exp %min3A_61 : vector<80x1000xf32>
    %mul3A_74 = vector.broadcast %add3A_25 : vector<1x1000xf32> to vector<80x1000xf32>
    %mul3A_75 = arith.mulf %exp3A_73, %mul3A_74 : vector<80x1000xf32>
    %mul3A_76 = arith.constant 5.000000e-01 : f32
    %mul3A_77 = vector.broadcast %mul3A_76 : f32 to vector<80x1000xf32>
    %mul3A_78 = arith.mulf %mul3A_77, %mul3A_72 : vector<80x1000xf32>
    %sub3A_79 = arith.subf %add3A_65, %mul3A_78 : vector<80x1000xf32>
    %jit3A = arith.constant 0.000000e+00 : f32
    %jit3A_80 = arith.constant 1.332000e+03 : f32
    %max3A = vector.broadcast %jit3A : f32 to vector<80x1000xf32>
    %max3A_81 = arith.maximumf %max3A, %sub3A_79 : vector<80x1000xf32>
    %min3A_82 = vector.broadcast %jit3A_80 : f32 to vector<80x1000xf32>
    %min3A_83 = arith.minimumf %min3A_82, %max3A_81 : vector<80x1000xf32>
    %mul3A_84 = arith.constant 5.000000e-01 : f32
    %mul3A_85 = vector.broadcast %mul3A_84 : f32 to vector<80x1000xf32>
    %mul3A_86 = arith.mulf %mul3A_85, %mul3A_75 : vector<80x1000xf32>
    %sub3A_87 = arith.subf %add3A_69, %mul3A_86 : vector<80x1000xf32>
    %jit3A_88 = arith.constant 0.000000e+00 : f32
    %jit3A_89 = arith.constant 7.990000e+02 : f32
    %max3A_90 = vector.broadcast %jit3A_88 : f32 to vector<80x1000xf32>
    %max3A_91 = arith.maximumf %max3A_90, %sub3A_87 : vector<80x1000xf32>
    %min3A_92 = vector.broadcast %jit3A_89 : f32 to vector<80x1000xf32>
    %min3A_93 = arith.minimumf %min3A_92, %max3A_91 : vector<80x1000xf32>
    %mul3A_94 = arith.constant 5.000000e-01 : f32
    %mul3A_95 = vector.broadcast %mul3A_94 : f32 to vector<80x1000xf32>
    %mul3A_96 = arith.mulf %mul3A_95, %mul3A_72 : vector<80x1000xf32>
    %add3A_97 = arith.addf %add3A_65, %mul3A_96 : vector<80x1000xf32>
    %sub3A_98 = arith.constant 1.000000e+00 : f32
    %sub3A_99 = vector.broadcast %sub3A_98 : f32 to vector<80x1000xf32>
    %sub3A_100 = arith.subf %add3A_97, %sub3A_99 : vector<80x1000xf32>
    %jit3A_101 = arith.constant 0.000000e+00 : f32
    %jit3A_102 = arith.constant 1.332000e+03 : f32
    %max3A_103 = vector.broadcast %jit3A_101 : f32 to vector<80x1000xf32>
    %max3A_104 = arith.maximumf %max3A_103, %sub3A_100 : vector<80x1000xf32>
    %min3A_105 = vector.broadcast %jit3A_102 : f32 to vector<80x1000xf32>
    %min3A_106 = arith.minimumf %min3A_105, %max3A_104 : vector<80x1000xf32>
    %mul3A_107 = arith.constant 5.000000e-01 : f32
    %mul3A_108 = vector.broadcast %mul3A_107 : f32 to vector<80x1000xf32>
    %mul3A_109 = arith.mulf %mul3A_108, %mul3A_75 : vector<80x1000xf32>
    %add3A_110 = arith.addf %add3A_69, %mul3A_109 : vector<80x1000xf32>
    %sub3A_111 = arith.constant 1.000000e+00 : f32
    %sub3A_112 = vector.broadcast %sub3A_111 : f32 to vector<80x1000xf32>
    %sub3A_113 = arith.subf %add3A_110, %sub3A_112 : vector<80x1000xf32>
    %jit3A_114 = arith.constant 0.000000e+00 : f32
    %jit3A_115 = arith.constant 7.990000e+02 : f32
    %max3A_116 = vector.broadcast %jit3A_114 : f32 to vector<80x1000xf32>
    %max3A_117 = arith.maximumf %max3A_116, %sub3A_113 : vector<80x1000xf32>
    %min3A_118 = vector.broadcast %jit3A_115 : f32 to vector<80x1000xf32>
    %min3A_119 = arith.minimumf %min3A_118, %max3A_117 : vector<80x1000xf32>
    %broadcast_in_dim3A_120 = arith.constant -1.000000e+00 : f32
    %broadcast_in_dim3A_121 = vector.broadcast %broadcast_in_dim3A_120 : f32 to vector<80x24xf32>
    %broadcast_in_dim3A_122 = arith.constant 0.000000e+00 : f32
    %broadcast_in_dim3A_123 = vector.broadcast %broadcast_in_dim3A_122 : f32 to vector<80x24xf32>
    %swap3A = arith.constant 0 : index
    %swap3A_124 = arith.constant 0 : index
    %swap3A_125 = vector.load %arg6[%swap3A, %swap3A_124] : memref<80x1024xf32, #tpu.memory_space<vmem>>, vector<80x1000xf32>
    tpu.vector_store %arg6[%swap3A, %swap3A_124], %slice3A {strides = array<i32>} : memref<80x1024xf32, #tpu.memory_space<vmem>>, vector<80x1000xf32>,
    %swap3A_126 = arith.constant 0 : index
    %swap3A_127 = arith.constant 1000 : index
    %swap3A_128 = vector.load %arg6[%swap3A_126, %swap3A_127] : memref<80x1024xf32, #tpu.memory_space<vmem>>, vector<80x24xf32>
    tpu.vector_store %arg6[%swap3A_126, %swap3A_127], %broadcast_in_dim3A_121 {strides = array<i32>} : memref<80x1024xf32, #tpu.memory_space<vmem>>, vector<80x24xf32>,
    %swap3A_129 = arith.constant 0 : index
    %swap3A_130 = arith.constant 0 : index
    %swap3A_131 = vector.load %arg7[%swap3A_129, %swap3A_130] : memref<80x1024xf32, #tpu.memory_space<vmem>>, vector<80x1000xf32>
    tpu.vector_store %arg7[%swap3A_129, %swap3A_130], %min3A_83 {strides = array<i32>} : memref<80x1024xf32, #tpu.memory_space<vmem>>, vector<80x1000xf32>,
    %swap3A_132 = arith.constant 0 : index
    %swap3A_133 = arith.constant 1000 : index
    %swap3A_134 = vector.load %arg7[%swap3A_132, %swap3A_133] : memref<80x1024xf32, #tpu.memory_space<vmem>>, vector<80x24xf32>
    tpu.vector_store %arg7[%swap3A_132, %swap3A_133], %broadcast_in_dim3A_123 {strides = array<i32>} : memref<80x1024xf32, #tpu.memory_space<vmem>>, vector<80x24xf32>,
    %swap3A_135 = arith.constant 0 : index
    %swap3A_136 = arith.constant 0 : index
    %swap3A_137 = vector.load %arg8[%swap3A_135, %swap3A_136] : memref<80x1024xf32, #tpu.memory_space<vmem>>, vector<80x1000xf32>
    tpu.vector_store %arg8[%swap3A_135, %swap3A_136], %min3A_93 {strides = array<i32>} : memref<80x1024xf32, #tpu.memory_space<vmem>>, vector<80x1000xf32>,
    %swap3A_138 = arith.constant 0 : index
    %swap3A_139 = arith.constant 1000 : index
    %swap3A_140 = vector.load %arg8[%swap3A_138, %swap3A_139] : memref<80x1024xf32, #tpu.memory_space<vmem>>, vector<80x24xf32>
    tpu.vector_store %arg8[%swap3A_138, %swap3A_139], %broadcast_in_dim3A_123 {strides = array<i32>} : memref<80x1024xf32, #tpu.memory_space<vmem>>, vector<80x24xf32>,
    %swap3A_141 = arith.constant 0 : index
    %swap3A_142 = arith.constant 0 : index
    %swap3A_143 = vector.load %arg9[%swap3A_141, %swap3A_142] : memref<80x1024xf32, #tpu.memory_space<vmem>>, vector<80x1000xf32>
    tpu.vector_store %arg9[%swap3A_141, %swap3A_142], %min3A_106 {strides = array<i32>} : memref<80x1024xf32, #tpu.memory_space<vmem>>, vector<80x1000xf32>,
    %swap3A_144 = arith.constant 0 : index
    %swap3A_145 = arith.constant 1000 : index
    %swap3A_146 = vector.load %arg9[%swap3A_144, %swap3A_145] : memref<80x1024xf32, #tpu.memory_space<vmem>>, vector<80x24xf32>
    tpu.vector_store %arg9[%swap3A_144, %swap3A_145], %broadcast_in_dim3A_123 {strides = array<i32>} : memref<80x1024xf32, #tpu.memory_space<vmem>>, vector<80x24xf32>,
    %swap3A_147 = arith.constant 0 : index
    %swap3A_148 = arith.constant 0 : index
    %swap3A_149 = vector.load %arg10[%swap3A_147, %swap3A_148] : memref<80x1024xf32, #tpu.memory_space<vmem>>, vector<80x1000xf32>
    tpu.vector_store %arg10[%swap3A_147, %swap3A_148], %min3A_119 {strides = array<i32>} : memref<80x1024xf32, #tpu.memory_space<vmem>>, vector<80x1000xf32>,
    %swap3A_150 = arith.constant 0 : index
    %swap3A_151 = arith.constant 1000 : index
    %swap3A_152 = vector.load %arg10[%swap3A_150, %swap3A_151] : memref<80x1024xf32, #tpu.memory_space<vmem>>, vector<80x24xf32>
    tpu.vector_store %arg10[%swap3A_150, %swap3A_151], %broadcast_in_dim3A_123 {strides = array<i32>} : memref<80x1024xf32, #tpu.memory_space<vmem>>, vector<80x24xf32>,
    return
  }
}

module attributes {stable_mosaic.version = 14 : i64} {
  func.func @_select_kernel(%arg0: memref<80x128xf32, #tpu.memory_space<vmem>>, %arg1: memref<80x128xf32, #tpu.memory_space<vmem>>, %arg2: memref<80x128xf32, #tpu.memory_space<vmem>>, %arg3: memref<80x128xf32, #tpu.memory_space<vmem>>, %arg4: memref<80x128xf32, #tpu.memory_space<vmem>>, %arg5: memref<80x16xi32, #tpu.memory_space<vmem>>, %arg6: memref<80x1024xf32, #tpu.memory_space<vmem>>, %arg7: memref<80x1024xf32, #tpu.memory_space<vmem>>, %arg8: memref<80x1024xf32, #tpu.memory_space<vmem>>, %arg9: memref<80x1024xf32, #tpu.memory_space<vmem>>, %arg10: memref<80x1024xf32, #tpu.memory_space<vmem>>, %arg11: memref<8x128xf32, #tpu.memory_space<vmem>>) attributes {dimension_semantics = [], scalar_prefetch = 0 : i64, scratch_operands = 0 : i64, tpu.core_type = #tpu.core_type<tc>} {
    %get3A = arith.constant 0 : index
    %get3A_0 = arith.constant 0 : index
    %get3A_1 = vector.load %arg5[%get3A, %get3A_0] : memref<80x16xi32, #tpu.memory_space<vmem>>, vector<80x1xi32>
    %gt3A = arith.constant 128 : i32
    %gt3A_2 = vector.broadcast %gt3A : i32 to vector<80x1xi32>
    %gt3A_3 = arith.cmpi sgt, %get3A_1, %gt3A_2 : vector<80x1xi32>
    %reduce_or3A = arith.constant 1.000000e+00 : f32
    %reduce_or3A_4 = arith.constant 0.000000e+00 : f32
    %reduce_or3A_5 = vector.broadcast %reduce_or3A : f32 to vector<80x1xf32>
    %reduce_or3A_6 = vector.broadcast %reduce_or3A_4 : f32 to vector<80x1xf32>
    %reduce_or3A_7 = arith.select %gt3A_3, %reduce_or3A_5, %reduce_or3A_6 : vector<80x1xi1>, vector<80x1xf32>
    %reduce_or3A_8 = vector.shape_cast %reduce_or3A_7 : vector<80x1xf32> to vector<1x80x1xf32>
    %reduce_or3A_9 = arith.constant dense<0xFF800000> : vector<1xf32>
    %reduce_or3A_10 = vector.multi_reduction <maximumf>, %reduce_or3A_8, %reduce_or3A_9 [1, 2] : vector<1x80x1xf32> to vector<1xf32>
    %reduce_or3A_11 = vector.shape_cast %reduce_or3A_10 : vector<1xf32> to vector<1x1x1xf32>
    %reduce_or3A_12 = vector.extract %reduce_or3A_11[0, 0, 0] : f32 from vector<1x1x1xf32>
    %reduce_or3A_13 = arith.constant 0.000000e+00 : f32
    %reduce_or3A_14 = arith.cmpf ogt, %reduce_or3A_12, %reduce_or3A_13 : f32
    %convert_element_type3A = arith.extui %reduce_or3A_14 : i1 to i32
    %cond3A = arith.constant 0 : i32
    %cond3A_15 = arith.cmpi ne, %convert_element_type3A, %cond3A : i32
    %cond3A_16:6 = scf.if %cond3A_15 -> (vector<1x128xf32>, vector<1x128xf32>, vector<1x128xf32>, vector<1x128xf32>, vector<1x128xf32>, vector<1x128xf32>) {
      %get3A_38 = arith.constant 0 : index
      %get3A_39 = arith.constant 0 : index
      %get3A_40 = vector.load %arg6[%get3A_38, %get3A_39] : memref<80x1024xf32, #tpu.memory_space<vmem>>, vector<80x1024xf32>
      %gt3A_41 = arith.constant 5.000000e-02 : f32
      %gt3A_42 = vector.broadcast %gt3A_41 : f32 to vector<80x1024xf32>
      %gt3A_43 = arith.cmpf ogt, %get3A_40, %gt3A_42 : vector<80x1024xf32>
      %get3A_44 = arith.constant 0 : index
      %get3A_45 = arith.constant 0 : index
      %get3A_46 = vector.load %arg7[%get3A_44, %get3A_45] : memref<80x1024xf32, #tpu.memory_space<vmem>>, vector<80x1024xf32>
      %get3A_47 = arith.constant 0 : index
      %get3A_48 = arith.constant 0 : index
      %get3A_49 = vector.load %arg8[%get3A_47, %get3A_48] : memref<80x1024xf32, #tpu.memory_space<vmem>>, vector<80x1024xf32>
      %get3A_50 = arith.constant 0 : index
      %get3A_51 = arith.constant 0 : index
      %get3A_52 = vector.load %arg9[%get3A_50, %get3A_51] : memref<80x1024xf32, #tpu.memory_space<vmem>>, vector<80x1024xf32>
      %get3A_53 = arith.constant 0 : index
      %get3A_54 = arith.constant 0 : index
      %get3A_55 = vector.load %arg10[%get3A_53, %get3A_54] : memref<80x1024xf32, #tpu.memory_space<vmem>>, vector<80x1024xf32>
      %convert_element_type3A_56 = arith.extui %gt3A_43 : vector<80x1024xi1> to vector<80x1024xi32>
      %convert_element_type3A_57 = arith.sitofp %convert_element_type3A_56 : vector<80x1024xi32> to vector<80x1024xf32>
      %iota3A = tpu.iota {dimensions = array<i32: 0>} : vector<80x80xi32>
      %iota3A_58 = tpu.iota {dimensions = array<i32: 1>} : vector<80x80xi32>
      %eq3A = arith.cmpi eq, %iota3A, %iota3A_58 : vector<80x80xi32>
      %convert_element_type3A_59 = arith.extui %eq3A : vector<80x80xi1> to vector<80x80xi32>
      %convert_element_type3A_60 = arith.sitofp %convert_element_type3A_59 : vector<80x80xi32> to vector<80x80xf32>
      %dot_general3A = arith.constant dense<0.000000e+00> : vector<1024x80xf32>
      %dot_general3A_61 = tpu.matmul %get3A_40, %convert_element_type3A_60, %dot_general3A {dimension_numbers = #tpu.dot_dimension_numbers<[0], [0], [1], [1], [0, 1, 1, 1], [], []>, transpose_lhs_hint = false} : vector<80x1024xf32>, vector<80x80xf32>, vector<1024x80xf32> -> vector<1024x80xf32>
      %dot_general3A_62 = arith.constant dense<0.000000e+00> : vector<1024x80xf32>
      %dot_general3A_63 = tpu.matmul %get3A_46, %convert_element_type3A_60, %dot_general3A_62 {dimension_numbers = #tpu.dot_dimension_numbers<[0], [0], [1], [1], [0, 1, 1, 1], [], []>, transpose_lhs_hint = false} : vector<80x1024xf32>, vector<80x80xf32>, vector<1024x80xf32> -> vector<1024x80xf32>
      %dot_general3A_64 = arith.constant dense<0.000000e+00> : vector<1024x80xf32>
      %dot_general3A_65 = tpu.matmul %get3A_49, %convert_element_type3A_60, %dot_general3A_64 {dimension_numbers = #tpu.dot_dimension_numbers<[0], [0], [1], [1], [0, 1, 1, 1], [], []>, transpose_lhs_hint = false} : vector<80x1024xf32>, vector<80x80xf32>, vector<1024x80xf32> -> vector<1024x80xf32>
      %dot_general3A_66 = arith.constant dense<0.000000e+00> : vector<1024x80xf32>
      %dot_general3A_67 = tpu.matmul %get3A_52, %convert_element_type3A_60, %dot_general3A_66 {dimension_numbers = #tpu.dot_dimension_numbers<[0], [0], [1], [1], [0, 1, 1, 1], [], []>, transpose_lhs_hint = false} : vector<80x1024xf32>, vector<80x80xf32>, vector<1024x80xf32> -> vector<1024x80xf32>
      %dot_general3A_68 = arith.constant dense<0.000000e+00> : vector<1024x80xf32>
      %dot_general3A_69 = tpu.matmul %get3A_55, %convert_element_type3A_60, %dot_general3A_68 {dimension_numbers = #tpu.dot_dimension_numbers<[0], [0], [1], [1], [0, 1, 1, 1], [], []>, transpose_lhs_hint = false} : vector<80x1024xf32>, vector<80x80xf32>, vector<1024x80xf32> -> vector<1024x80xf32>
      %dot_general3A_70 = arith.constant dense<0.000000e+00> : vector<1024x80xf32>
      %dot_general3A_71 = tpu.matmul %convert_element_type3A_57, %convert_element_type3A_60, %dot_general3A_70 {dimension_numbers = #tpu.dot_dimension_numbers<[0], [0], [1], [1], [0, 1, 1, 1], [], []>, transpose_lhs_hint = false} : vector<80x1024xf32>, vector<80x80xf32>, vector<1024x80xf32> -> vector<1024x80xf32>
      %gt3A_72 = arith.constant 5.000000e-01 : f32
      %gt3A_73 = vector.broadcast %gt3A_72 : f32 to vector<1024x80xf32>
      %gt3A_74 = arith.cmpf ogt, %dot_general3A_71, %gt3A_73 : vector<1024x80xf32>
      %jit3A = arith.constant 0xFF800000 : f32
      %broadcast_in_dim3A_75 = vector.broadcast %jit3A : f32 to vector<1024x80xf32>
      %select_n3A = arith.select %gt3A_74, %dot_general3A_61, %broadcast_in_dim3A_75 : vector<1024x80xi1>, vector<1024x80xf32>
      %sub3A = arith.subf %dot_general3A_67, %dot_general3A_63 : vector<1024x80xf32>
      %add3A = arith.constant 1.000000e+00 : f32
      %add3A_76 = vector.broadcast %add3A : f32 to vector<1024x80xf32>
      %add3A_77 = arith.addf %sub3A, %add3A_76 : vector<1024x80xf32>
      %sub3A_78 = arith.subf %dot_general3A_69, %dot_general3A_65 : vector<1024x80xf32>
      %add3A_79 = arith.constant 1.000000e+00 : f32
      %add3A_80 = vector.broadcast %add3A_79 : f32 to vector<1024x80xf32>
      %add3A_81 = arith.addf %sub3A_78, %add3A_80 : vector<1024x80xf32>
      %mul3A = arith.mulf %add3A_77, %add3A_81 : vector<1024x80xf32>
      %iota3A_82 = tpu.iota {dimensions = array<i32: 0>} : vector<1024x80xi32>
      %iota3A_83 = tpu.iota {dimensions = array<i32: 1>} : vector<1024x80xi32>
      %broadcast_in_dim3A_84 = arith.constant -1.000000e+00 : f32
      %broadcast_in_dim3A_85 = vector.broadcast %broadcast_in_dim3A_84 : f32 to vector<1024x80xf32>
      %while3A = arith.constant 0xFF800000 : f32
      %while3A_86 = arith.constant 0xFF800000 : f32
      %while3A_87:2 = scf.while (%while3A_136 = %select_n3A, %while3A_137 = %broadcast_in_dim3A_85) : (vector<1024x80xf32>, vector<1024x80xf32>) -> (vector<1024x80xf32>, vector<1024x80xf32>) {
        %gt3A_138 = vector.broadcast %while3A : f32 to vector<1024x80xf32>
        %gt3A_139 = arith.cmpf ogt, %while3A_136, %gt3A_138 : vector<1024x80xf32>
        %reduce_or3A_140 = arith.constant 1.000000e+00 : f32
        %reduce_or3A_141 = arith.constant 0.000000e+00 : f32
        %reduce_or3A_142 = vector.broadcast %reduce_or3A_140 : f32 to vector<1024x80xf32>
        %reduce_or3A_143 = vector.broadcast %reduce_or3A_141 : f32 to vector<1024x80xf32>
        %reduce_or3A_144 = arith.select %gt3A_139, %reduce_or3A_142, %reduce_or3A_143 : vector<1024x80xi1>, vector<1024x80xf32>
        %reduce_or3A_145 = vector.shape_cast %reduce_or3A_144 : vector<1024x80xf32> to vector<1x1024x80xf32>
        %reduce_or3A_146 = arith.constant dense<0xFF800000> : vector<1xf32>
        %reduce_or3A_147 = vector.multi_reduction <maximumf>, %reduce_or3A_145, %reduce_or3A_146 [1, 2] : vector<1x1024x80xf32> to vector<1xf32>
        %reduce_or3A_148 = vector.shape_cast %reduce_or3A_147 : vector<1xf32> to vector<1x1x1xf32>
        %reduce_or3A_149 = vector.extract %reduce_or3A_148[0, 0, 0] : f32 from vector<1x1x1xf32>
        %reduce_or3A_150 = arith.constant 0.000000e+00 : f32
        %reduce_or3A_151 = arith.cmpf ogt, %reduce_or3A_149, %reduce_or3A_150 : f32
        scf.condition(%reduce_or3A_151) %while3A_136, %while3A_137 : vector<1024x80xf32>, vector<1024x80xf32>
      } do {
      ^bb0(%while3A_136: vector<1024x80xf32>, %while3A_137: vector<1024x80xf32>):
        %reduce_max3A = arith.constant dense<0xFF800000> : vector<80xf32>
        %reduce_max3A_138 = vector.multi_reduction <maximumf>, %while3A_136, %reduce_max3A [0] : vector<1024x80xf32> to vector<80xf32>
        %broadcast_in_dim3A_139 = vector.shape_cast %reduce_max3A_138 : vector<80xf32> to vector<1x80xf32>
        %gt3A_140 = vector.broadcast %while3A_86 : f32 to vector<1024x80xf32>
        %gt3A_141 = arith.cmpf ogt, %while3A_136, %gt3A_140 : vector<1024x80xf32>
        %eq3A_142 = vector.broadcast %broadcast_in_dim3A_139 : vector<1x80xf32> to vector<1024x80xf32>
        %eq3A_143 = arith.cmpf oeq, %while3A_136, %eq3A_142 : vector<1024x80xf32>
        %and3A = arith.andi %gt3A_141, %eq3A_143 : vector<1024x80xi1>
        %jit3A_144 = arith.constant 1024 : i32
        %broadcast_in_dim3A_145 = vector.broadcast %jit3A_144 : i32 to vector<1024x80xi32>
        %select_n3A_146 = arith.select %and3A, %iota3A_82, %broadcast_in_dim3A_145 : vector<1024x80xi1>, vector<1024x80xi32>
        %reduce_min3A = arith.constant dense<2147483647> : vector<80xi32>
        %reduce_min3A_147 = vector.multi_reduction <minsi>, %select_n3A_146, %reduce_min3A [0] : vector<1024x80xi32> to vector<80xi32>
        %broadcast_in_dim3A_148 = vector.shape_cast %reduce_min3A_147 : vector<80xi32> to vector<1x80xi32>
        %eq3A_149 = vector.broadcast %broadcast_in_dim3A_148 : vector<1x80xi32> to vector<1024x80xi32>
        %eq3A_150 = arith.cmpi eq, %iota3A_82, %eq3A_149 : vector<1024x80xi32>
        %convert_element_type3A_151 = arith.extui %eq3A_150 : vector<1024x80xi1> to vector<1024x80xi32>
        %convert_element_type3A_152 = arith.sitofp %convert_element_type3A_151 : vector<1024x80xi32> to vector<1024x80xf32>
        %mul3A_153 = arith.mulf %dot_general3A_63, %convert_element_type3A_152 : vector<1024x80xf32>
        %reduce_sum3A_154 = arith.constant dense<0.000000e+00> : vector<80xf32>
        %reduce_sum3A_155 = vector.multi_reduction <add>, %mul3A_153, %reduce_sum3A_154 [0] : vector<1024x80xf32> to vector<80xf32>
        %broadcast_in_dim3A_156 = vector.shape_cast %reduce_sum3A_155 : vector<80xf32> to vector<1x80xf32>
        %mul3A_157 = arith.mulf %dot_general3A_65, %convert_element_type3A_152 : vector<1024x80xf32>
        %reduce_sum3A_158 = arith.constant dense<0.000000e+00> : vector<80xf32>
        %reduce_sum3A_159 = vector.multi_reduction <add>, %mul3A_157, %reduce_sum3A_158 [0] : vector<1024x80xf32> to vector<80xf32>
        %broadcast_in_dim3A_160 = vector.shape_cast %reduce_sum3A_159 : vector<80xf32> to vector<1x80xf32>
        %mul3A_161 = arith.mulf %dot_general3A_67, %convert_element_type3A_152 : vector<1024x80xf32>
        %reduce_sum3A_162 = arith.constant dense<0.000000e+00> : vector<80xf32>
        %reduce_sum3A_163 = vector.multi_reduction <add>, %mul3A_161, %reduce_sum3A_162 [0] : vector<1024x80xf32> to vector<80xf32>
        %broadcast_in_dim3A_164 = vector.shape_cast %reduce_sum3A_163 : vector<80xf32> to vector<1x80xf32>
        %mul3A_165 = arith.mulf %dot_general3A_69, %convert_element_type3A_152 : vector<1024x80xf32>
        %reduce_sum3A_166 = arith.constant dense<0.000000e+00> : vector<80xf32>
        %reduce_sum3A_167 = vector.multi_reduction <add>, %mul3A_165, %reduce_sum3A_166 [0] : vector<1024x80xf32> to vector<80xf32>
        %broadcast_in_dim3A_168 = vector.shape_cast %reduce_sum3A_167 : vector<80xf32> to vector<1x80xf32>
        %sub3A_169 = arith.subf %broadcast_in_dim3A_164, %broadcast_in_dim3A_156 : vector<1x80xf32>
        %add3A_170 = arith.constant 1.000000e+00 : f32
        %add3A_171 = vector.broadcast %add3A_170 : f32 to vector<1x80xf32>
        %add3A_172 = arith.addf %sub3A_169, %add3A_171 : vector<1x80xf32>
        %sub3A_173 = arith.subf %broadcast_in_dim3A_168, %broadcast_in_dim3A_160 : vector<1x80xf32>
        %add3A_174 = arith.constant 1.000000e+00 : f32
        %add3A_175 = vector.broadcast %add3A_174 : f32 to vector<1x80xf32>
        %add3A_176 = arith.addf %sub3A_173, %add3A_175 : vector<1x80xf32>
        %mul3A_177 = arith.mulf %add3A_172, %add3A_176 : vector<1x80xf32>
        %min3A = vector.broadcast %broadcast_in_dim3A_164 : vector<1x80xf32> to vector<1024x80xf32>
        %min3A_178 = arith.minimumf %dot_general3A_67, %min3A : vector<1024x80xf32>
        %max3A = vector.broadcast %broadcast_in_dim3A_156 : vector<1x80xf32> to vector<1024x80xf32>
        %max3A_179 = arith.maximumf %dot_general3A_63, %max3A : vector<1024x80xf32>
        %sub3A_180 = arith.subf %min3A_178, %max3A_179 : vector<1024x80xf32>
        %add3A_181 = arith.constant 1.000000e+00 : f32
        %add3A_182 = vector.broadcast %add3A_181 : f32 to vector<1024x80xf32>
        %add3A_183 = arith.addf %sub3A_180, %add3A_182 : vector<1024x80xf32>
        %max3A_184 = arith.constant 0.000000e+00 : f32
        %max3A_185 = vector.broadcast %max3A_184 : f32 to vector<1024x80xf32>
        %max3A_186 = arith.maximumf %add3A_183, %max3A_185 : vector<1024x80xf32>
        %min3A_187 = vector.broadcast %broadcast_in_dim3A_168 : vector<1x80xf32> to vector<1024x80xf32>
        %min3A_188 = arith.minimumf %dot_general3A_69, %min3A_187 : vector<1024x80xf32>
        %max3A_189 = vector.broadcast %broadcast_in_dim3A_160 : vector<1x80xf32> to vector<1024x80xf32>
        %max3A_190 = arith.maximumf %dot_general3A_65, %max3A_189 : vector<1024x80xf32>
        %sub3A_191 = arith.subf %min3A_188, %max3A_190 : vector<1024x80xf32>
        %add3A_192 = arith.constant 1.000000e+00 : f32
        %add3A_193 = vector.broadcast %add3A_192 : f32 to vector<1024x80xf32>
        %add3A_194 = arith.addf %sub3A_191, %add3A_193 : vector<1024x80xf32>
        %max3A_195 = arith.constant 0.000000e+00 : f32
        %max3A_196 = vector.broadcast %max3A_195 : f32 to vector<1024x80xf32>
        %max3A_197 = arith.maximumf %add3A_194, %max3A_196 : vector<1024x80xf32>
        %mul3A_198 = arith.mulf %max3A_186, %max3A_197 : vector<1024x80xf32>
        %add3A_199 = vector.broadcast %mul3A_177 : vector<1x80xf32> to vector<1024x80xf32>
        %add3A_200 = arith.addf %mul3A, %add3A_199 : vector<1024x80xf32>
        %sub3A_201 = arith.subf %add3A_200, %mul3A_198 : vector<1024x80xf32>
        %div3A = arith.divf %mul3A_198, %sub3A_201 : vector<1024x80xf32>
        %gt3A_202 = arith.constant 5.000000e-01 : f32
        %gt3A_203 = vector.broadcast %gt3A_202 : f32 to vector<1024x80xf32>
        %gt3A_204 = arith.cmpf ogt, %div3A, %gt3A_203 : vector<1024x80xf32>
        %or3A = arith.ori %gt3A_204, %eq3A_150 : vector<1024x80xi1>
        %select_n3A_205 = arith.select %eq3A_150, %while3A_136, %while3A_137 : vector<1024x80xi1>, vector<1024x80xf32>
        %broadcast_in_dim3A_206 = vector.broadcast %while3A_86 : f32 to vector<1024x80xf32>
        %select_n3A_207 = arith.select %or3A, %broadcast_in_dim3A_206, %while3A_136 : vector<1024x80xi1>, vector<1024x80xf32>
        %reduce_max3A_208 = arith.constant dense<0xFF800000> : vector<80xf32>
        %reduce_max3A_209 = vector.multi_reduction <maximumf>, %select_n3A_207, %reduce_max3A_208 [0] : vector<1024x80xf32> to vector<80xf32>
        %broadcast_in_dim3A_210 = vector.shape_cast %reduce_max3A_209 : vector<80xf32> to vector<1x80xf32>
        %gt3A_211 = vector.broadcast %while3A_86 : f32 to vector<1024x80xf32>
        %gt3A_212 = arith.cmpf ogt, %select_n3A_207, %gt3A_211 : vector<1024x80xf32>
        %eq3A_213 = vector.broadcast %broadcast_in_dim3A_210 : vector<1x80xf32> to vector<1024x80xf32>
        %eq3A_214 = arith.cmpf oeq, %select_n3A_207, %eq3A_213 : vector<1024x80xf32>
        %and3A_215 = arith.andi %gt3A_212, %eq3A_214 : vector<1024x80xi1>
        %jit3A_216 = arith.constant 1024 : i32
        %broadcast_in_dim3A_217 = vector.broadcast %jit3A_216 : i32 to vector<1024x80xi32>
        %select_n3A_218 = arith.select %and3A_215, %iota3A_82, %broadcast_in_dim3A_217 : vector<1024x80xi1>, vector<1024x80xi32>
        %reduce_min3A_219 = arith.constant dense<2147483647> : vector<80xi32>
        %reduce_min3A_220 = vector.multi_reduction <minsi>, %select_n3A_218, %reduce_min3A_219 [0] : vector<1024x80xi32> to vector<80xi32>
        %broadcast_in_dim3A_221 = vector.shape_cast %reduce_min3A_220 : vector<80xi32> to vector<1x80xi32>
        %eq3A_222 = vector.broadcast %broadcast_in_dim3A_221 : vector<1x80xi32> to vector<1024x80xi32>
        %eq3A_223 = arith.cmpi eq, %iota3A_82, %eq3A_222 : vector<1024x80xi32>
        %convert_element_type3A_224 = arith.extui %eq3A_223 : vector<1024x80xi1> to vector<1024x80xi32>
        %convert_element_type3A_225 = arith.sitofp %convert_element_type3A_224 : vector<1024x80xi32> to vector<1024x80xf32>
        %mul3A_226 = arith.mulf %dot_general3A_63, %convert_element_type3A_225 : vector<1024x80xf32>
        %reduce_sum3A_227 = arith.constant dense<0.000000e+00> : vector<80xf32>
        %reduce_sum3A_228 = vector.multi_reduction <add>, %mul3A_226, %reduce_sum3A_227 [0] : vector<1024x80xf32> to vector<80xf32>
        %broadcast_in_dim3A_229 = vector.shape_cast %reduce_sum3A_228 : vector<80xf32> to vector<1x80xf32>
        %mul3A_230 = arith.mulf %dot_general3A_65, %convert_element_type3A_225 : vector<1024x80xf32>
        %reduce_sum3A_231 = arith.constant dense<0.000000e+00> : vector<80xf32>
        %reduce_sum3A_232 = vector.multi_reduction <add>, %mul3A_230, %reduce_sum3A_231 [0] : vector<1024x80xf32> to vector<80xf32>
        %broadcast_in_dim3A_233 = vector.shape_cast %reduce_sum3A_232 : vector<80xf32> to vector<1x80xf32>
        %mul3A_234 = arith.mulf %dot_general3A_67, %convert_element_type3A_225 : vector<1024x80xf32>
        %reduce_sum3A_235 = arith.constant dense<0.000000e+00> : vector<80xf32>
        %reduce_sum3A_236 = vector.multi_reduction <add>, %mul3A_234, %reduce_sum3A_235 [0] : vector<1024x80xf32> to vector<80xf32>
        %broadcast_in_dim3A_237 = vector.shape_cast %reduce_sum3A_236 : vector<80xf32> to vector<1x80xf32>
        %mul3A_238 = arith.mulf %dot_general3A_69, %convert_element_type3A_225 : vector<1024x80xf32>
        %reduce_sum3A_239 = arith.constant dense<0.000000e+00> : vector<80xf32>
        %reduce_sum3A_240 = vector.multi_reduction <add>, %mul3A_238, %reduce_sum3A_239 [0] : vector<1024x80xf32> to vector<80xf32>
        %broadcast_in_dim3A_241 = vector.shape_cast %reduce_sum3A_240 : vector<80xf32> to vector<1x80xf32>
        %sub3A_242 = arith.subf %broadcast_in_dim3A_237, %broadcast_in_dim3A_229 : vector<1x80xf32>
        %add3A_243 = arith.constant 1.000000e+00 : f32
        %add3A_244 = vector.broadcast %add3A_243 : f32 to vector<1x80xf32>
        %add3A_245 = arith.addf %sub3A_242, %add3A_244 : vector<1x80xf32>
        %sub3A_246 = arith.subf %broadcast_in_dim3A_241, %broadcast_in_dim3A_233 : vector<1x80xf32>
        %add3A_247 = arith.constant 1.000000e+00 : f32
        %add3A_248 = vector.broadcast %add3A_247 : f32 to vector<1x80xf32>
        %add3A_249 = arith.addf %sub3A_246, %add3A_248 : vector<1x80xf32>
        %mul3A_250 = arith.mulf %add3A_245, %add3A_249 : vector<1x80xf32>
        %min3A_251 = vector.broadcast %broadcast_in_dim3A_237 : vector<1x80xf32> to vector<1024x80xf32>
        %min3A_252 = arith.minimumf %dot_general3A_67, %min3A_251 : vector<1024x80xf32>
        %max3A_253 = vector.broadcast %broadcast_in_dim3A_229 : vector<1x80xf32> to vector<1024x80xf32>
        %max3A_254 = arith.maximumf %dot_general3A_63, %max3A_253 : vector<1024x80xf32>
        %sub3A_255 = arith.subf %min3A_252, %max3A_254 : vector<1024x80xf32>
        %add3A_256 = arith.constant 1.000000e+00 : f32
        %add3A_257 = vector.broadcast %add3A_256 : f32 to vector<1024x80xf32>
        %add3A_258 = arith.addf %sub3A_255, %add3A_257 : vector<1024x80xf32>
        %max3A_259 = arith.constant 0.000000e+00 : f32
        %max3A_260 = vector.broadcast %max3A_259 : f32 to vector<1024x80xf32>
        %max3A_261 = arith.maximumf %add3A_258, %max3A_260 : vector<1024x80xf32>
        %min3A_262 = vector.broadcast %broadcast_in_dim3A_241 : vector<1x80xf32> to vector<1024x80xf32>
        %min3A_263 = arith.minimumf %dot_general3A_69, %min3A_262 : vector<1024x80xf32>
        %max3A_264 = vector.broadcast %broadcast_in_dim3A_233 : vector<1x80xf32> to vector<1024x80xf32>
        %max3A_265 = arith.maximumf %dot_general3A_65, %max3A_264 : vector<1024x80xf32>
        %sub3A_266 = arith.subf %min3A_263, %max3A_265 : vector<1024x80xf32>
        %add3A_267 = arith.constant 1.000000e+00 : f32
        %add3A_268 = vector.broadcast %add3A_267 : f32 to vector<1024x80xf32>
        %add3A_269 = arith.addf %sub3A_266, %add3A_268 : vector<1024x80xf32>
        %max3A_270 = arith.constant 0.000000e+00 : f32
        %max3A_271 = vector.broadcast %max3A_270 : f32 to vector<1024x80xf32>
        %max3A_272 = arith.maximumf %add3A_269, %max3A_271 : vector<1024x80xf32>
        %mul3A_273 = arith.mulf %max3A_261, %max3A_272 : vector<1024x80xf32>
        %add3A_274 = vector.broadcast %mul3A_250 : vector<1x80xf32> to vector<1024x80xf32>
        %add3A_275 = arith.addf %mul3A, %add3A_274 : vector<1024x80xf32>
        %sub3A_276 = arith.subf %add3A_275, %mul3A_273 : vector<1024x80xf32>
        %div3A_277 = arith.divf %mul3A_273, %sub3A_276 : vector<1024x80xf32>
        %gt3A_278 = arith.constant 5.000000e-01 : f32
        %gt3A_279 = vector.broadcast %gt3A_278 : f32 to vector<1024x80xf32>
        %gt3A_280 = arith.cmpf ogt, %div3A_277, %gt3A_279 : vector<1024x80xf32>
        %or3A_281 = arith.ori %gt3A_280, %eq3A_223 : vector<1024x80xi1>
        %select_n3A_282 = arith.select %eq3A_223, %select_n3A_207, %select_n3A_205 : vector<1024x80xi1>, vector<1024x80xf32>
        %broadcast_in_dim3A_283 = vector.broadcast %while3A_86 : f32 to vector<1024x80xf32>
        %select_n3A_284 = arith.select %or3A_281, %broadcast_in_dim3A_283, %select_n3A_207 : vector<1024x80xi1>, vector<1024x80xf32>
        %reduce_max3A_285 = arith.constant dense<0xFF800000> : vector<80xf32>
        %reduce_max3A_286 = vector.multi_reduction <maximumf>, %select_n3A_284, %reduce_max3A_285 [0] : vector<1024x80xf32> to vector<80xf32>
        %broadcast_in_dim3A_287 = vector.shape_cast %reduce_max3A_286 : vector<80xf32> to vector<1x80xf32>
        %gt3A_288 = vector.broadcast %while3A_86 : f32 to vector<1024x80xf32>
        %gt3A_289 = arith.cmpf ogt, %select_n3A_284, %gt3A_288 : vector<1024x80xf32>
        %eq3A_290 = vector.broadcast %broadcast_in_dim3A_287 : vector<1x80xf32> to vector<1024x80xf32>
        %eq3A_291 = arith.cmpf oeq, %select_n3A_284, %eq3A_290 : vector<1024x80xf32>
        %and3A_292 = arith.andi %gt3A_289, %eq3A_291 : vector<1024x80xi1>
        %jit3A_293 = arith.constant 1024 : i32
        %broadcast_in_dim3A_294 = vector.broadcast %jit3A_293 : i32 to vector<1024x80xi32>
        %select_n3A_295 = arith.select %and3A_292, %iota3A_82, %broadcast_in_dim3A_294 : vector<1024x80xi1>, vector<1024x80xi32>
        %reduce_min3A_296 = arith.constant dense<2147483647> : vector<80xi32>
        %reduce_min3A_297 = vector.multi_reduction <minsi>, %select_n3A_295, %reduce_min3A_296 [0] : vector<1024x80xi32> to vector<80xi32>
        %broadcast_in_dim3A_298 = vector.shape_cast %reduce_min3A_297 : vector<80xi32> to vector<1x80xi32>
        %eq3A_299 = vector.broadcast %broadcast_in_dim3A_298 : vector<1x80xi32> to vector<1024x80xi32>
        %eq3A_300 = arith.cmpi eq, %iota3A_82, %eq3A_299 : vector<1024x80xi32>
        %convert_element_type3A_301 = arith.extui %eq3A_300 : vector<1024x80xi1> to vector<1024x80xi32>
        %convert_element_type3A_302 = arith.sitofp %convert_element_type3A_301 : vector<1024x80xi32> to vector<1024x80xf32>
        %mul3A_303 = arith.mulf %dot_general3A_63, %convert_element_type3A_302 : vector<1024x80xf32>
        %reduce_sum3A_304 = arith.constant dense<0.000000e+00> : vector<80xf32>
        %reduce_sum3A_305 = vector.multi_reduction <add>, %mul3A_303, %reduce_sum3A_304 [0] : vector<1024x80xf32> to vector<80xf32>
        %broadcast_in_dim3A_306 = vector.shape_cast %reduce_sum3A_305 : vector<80xf32> to vector<1x80xf32>
        %mul3A_307 = arith.mulf %dot_general3A_65, %convert_element_type3A_302 : vector<1024x80xf32>
        %reduce_sum3A_308 = arith.constant dense<0.000000e+00> : vector<80xf32>
        %reduce_sum3A_309 = vector.multi_reduction <add>, %mul3A_307, %reduce_sum3A_308 [0] : vector<1024x80xf32> to vector<80xf32>
        %broadcast_in_dim3A_310 = vector.shape_cast %reduce_sum3A_309 : vector<80xf32> to vector<1x80xf32>
        %mul3A_311 = arith.mulf %dot_general3A_67, %convert_element_type3A_302 : vector<1024x80xf32>
        %reduce_sum3A_312 = arith.constant dense<0.000000e+00> : vector<80xf32>
        %reduce_sum3A_313 = vector.multi_reduction <add>, %mul3A_311, %reduce_sum3A_312 [0] : vector<1024x80xf32> to vector<80xf32>
        %broadcast_in_dim3A_314 = vector.shape_cast %reduce_sum3A_313 : vector<80xf32> to vector<1x80xf32>
        %mul3A_315 = arith.mulf %dot_general3A_69, %convert_element_type3A_302 : vector<1024x80xf32>
        %reduce_sum3A_316 = arith.constant dense<0.000000e+00> : vector<80xf32>
        %reduce_sum3A_317 = vector.multi_reduction <add>, %mul3A_315, %reduce_sum3A_316 [0] : vector<1024x80xf32> to vector<80xf32>
        %broadcast_in_dim3A_318 = vector.shape_cast %reduce_sum3A_317 : vector<80xf32> to vector<1x80xf32>
        %sub3A_319 = arith.subf %broadcast_in_dim3A_314, %broadcast_in_dim3A_306 : vector<1x80xf32>
        %add3A_320 = arith.constant 1.000000e+00 : f32
        %add3A_321 = vector.broadcast %add3A_320 : f32 to vector<1x80xf32>
        %add3A_322 = arith.addf %sub3A_319, %add3A_321 : vector<1x80xf32>
        %sub3A_323 = arith.subf %broadcast_in_dim3A_318, %broadcast_in_dim3A_310 : vector<1x80xf32>
        %add3A_324 = arith.constant 1.000000e+00 : f32
        %add3A_325 = vector.broadcast %add3A_324 : f32 to vector<1x80xf32>
        %add3A_326 = arith.addf %sub3A_323, %add3A_325 : vector<1x80xf32>
        %mul3A_327 = arith.mulf %add3A_322, %add3A_326 : vector<1x80xf32>
        %min3A_328 = vector.broadcast %broadcast_in_dim3A_314 : vector<1x80xf32> to vector<1024x80xf32>
        %min3A_329 = arith.minimumf %dot_general3A_67, %min3A_328 : vector<1024x80xf32>
        %max3A_330 = vector.broadcast %broadcast_in_dim3A_306 : vector<1x80xf32> to vector<1024x80xf32>
        %max3A_331 = arith.maximumf %dot_general3A_63, %max3A_330 : vector<1024x80xf32>
        %sub3A_332 = arith.subf %min3A_329, %max3A_331 : vector<1024x80xf32>
        %add3A_333 = arith.constant 1.000000e+00 : f32
        %add3A_334 = vector.broadcast %add3A_333 : f32 to vector<1024x80xf32>
        %add3A_335 = arith.addf %sub3A_332, %add3A_334 : vector<1024x80xf32>
        %max3A_336 = arith.constant 0.000000e+00 : f32
        %max3A_337 = vector.broadcast %max3A_336 : f32 to vector<1024x80xf32>
        %max3A_338 = arith.maximumf %add3A_335, %max3A_337 : vector<1024x80xf32>
        %min3A_339 = vector.broadcast %broadcast_in_dim3A_318 : vector<1x80xf32> to vector<1024x80xf32>
        %min3A_340 = arith.minimumf %dot_general3A_69, %min3A_339 : vector<1024x80xf32>
        %max3A_341 = vector.broadcast %broadcast_in_dim3A_310 : vector<1x80xf32> to vector<1024x80xf32>
        %max3A_342 = arith.maximumf %dot_general3A_65, %max3A_341 : vector<1024x80xf32>
        %sub3A_343 = arith.subf %min3A_340, %max3A_342 : vector<1024x80xf32>
        %add3A_344 = arith.constant 1.000000e+00 : f32
        %add3A_345 = vector.broadcast %add3A_344 : f32 to vector<1024x80xf32>
        %add3A_346 = arith.addf %sub3A_343, %add3A_345 : vector<1024x80xf32>
        %max3A_347 = arith.constant 0.000000e+00 : f32
        %max3A_348 = vector.broadcast %max3A_347 : f32 to vector<1024x80xf32>
        %max3A_349 = arith.maximumf %add3A_346, %max3A_348 : vector<1024x80xf32>
        %mul3A_350 = arith.mulf %max3A_338, %max3A_349 : vector<1024x80xf32>
        %add3A_351 = vector.broadcast %mul3A_327 : vector<1x80xf32> to vector<1024x80xf32>
        %add3A_352 = arith.addf %mul3A, %add3A_351 : vector<1024x80xf32>
        %sub3A_353 = arith.subf %add3A_352, %mul3A_350 : vector<1024x80xf32>
        %div3A_354 = arith.divf %mul3A_350, %sub3A_353 : vector<1024x80xf32>
        %gt3A_355 = arith.constant 5.000000e-01 : f32
        %gt3A_356 = vector.broadcast %gt3A_355 : f32 to vector<1024x80xf32>
        %gt3A_357 = arith.cmpf ogt, %div3A_354, %gt3A_356 : vector<1024x80xf32>
        %or3A_358 = arith.ori %gt3A_357, %eq3A_300 : vector<1024x80xi1>
        %select_n3A_359 = arith.select %eq3A_300, %select_n3A_284, %select_n3A_282 : vector<1024x80xi1>, vector<1024x80xf32>
        %broadcast_in_dim3A_360 = vector.broadcast %while3A_86 : f32 to vector<1024x80xf32>
        %select_n3A_361 = arith.select %or3A_358, %broadcast_in_dim3A_360, %select_n3A_284 : vector<1024x80xi1>, vector<1024x80xf32>
        %reduce_max3A_362 = arith.constant dense<0xFF800000> : vector<80xf32>
        %reduce_max3A_363 = vector.multi_reduction <maximumf>, %select_n3A_361, %reduce_max3A_362 [0] : vector<1024x80xf32> to vector<80xf32>
        %broadcast_in_dim3A_364 = vector.shape_cast %reduce_max3A_363 : vector<80xf32> to vector<1x80xf32>
        %gt3A_365 = vector.broadcast %while3A_86 : f32 to vector<1024x80xf32>
        %gt3A_366 = arith.cmpf ogt, %select_n3A_361, %gt3A_365 : vector<1024x80xf32>
        %eq3A_367 = vector.broadcast %broadcast_in_dim3A_364 : vector<1x80xf32> to vector<1024x80xf32>
        %eq3A_368 = arith.cmpf oeq, %select_n3A_361, %eq3A_367 : vector<1024x80xf32>
        %and3A_369 = arith.andi %gt3A_366, %eq3A_368 : vector<1024x80xi1>
        %jit3A_370 = arith.constant 1024 : i32
        %broadcast_in_dim3A_371 = vector.broadcast %jit3A_370 : i32 to vector<1024x80xi32>
        %select_n3A_372 = arith.select %and3A_369, %iota3A_82, %broadcast_in_dim3A_371 : vector<1024x80xi1>, vector<1024x80xi32>
        %reduce_min3A_373 = arith.constant dense<2147483647> : vector<80xi32>
        %reduce_min3A_374 = vector.multi_reduction <minsi>, %select_n3A_372, %reduce_min3A_373 [0] : vector<1024x80xi32> to vector<80xi32>
        %broadcast_in_dim3A_375 = vector.shape_cast %reduce_min3A_374 : vector<80xi32> to vector<1x80xi32>
        %eq3A_376 = vector.broadcast %broadcast_in_dim3A_375 : vector<1x80xi32> to vector<1024x80xi32>
        %eq3A_377 = arith.cmpi eq, %iota3A_82, %eq3A_376 : vector<1024x80xi32>
        %convert_element_type3A_378 = arith.extui %eq3A_377 : vector<1024x80xi1> to vector<1024x80xi32>
        %convert_element_type3A_379 = arith.sitofp %convert_element_type3A_378 : vector<1024x80xi32> to vector<1024x80xf32>
        %mul3A_380 = arith.mulf %dot_general3A_63, %convert_element_type3A_379 : vector<1024x80xf32>
        %reduce_sum3A_381 = arith.constant dense<0.000000e+00> : vector<80xf32>
        %reduce_sum3A_382 = vector.multi_reduction <add>, %mul3A_380, %reduce_sum3A_381 [0] : vector<1024x80xf32> to vector<80xf32>
        %broadcast_in_dim3A_383 = vector.shape_cast %reduce_sum3A_382 : vector<80xf32> to vector<1x80xf32>
        %mul3A_384 = arith.mulf %dot_general3A_65, %convert_element_type3A_379 : vector<1024x80xf32>
        %reduce_sum3A_385 = arith.constant dense<0.000000e+00> : vector<80xf32>
        %reduce_sum3A_386 = vector.multi_reduction <add>, %mul3A_384, %reduce_sum3A_385 [0] : vector<1024x80xf32> to vector<80xf32>
        %broadcast_in_dim3A_387 = vector.shape_cast %reduce_sum3A_386 : vector<80xf32> to vector<1x80xf32>
        %mul3A_388 = arith.mulf %dot_general3A_67, %convert_element_type3A_379 : vector<1024x80xf32>
        %reduce_sum3A_389 = arith.constant dense<0.000000e+00> : vector<80xf32>
        %reduce_sum3A_390 = vector.multi_reduction <add>, %mul3A_388, %reduce_sum3A_389 [0] : vector<1024x80xf32> to vector<80xf32>
        %broadcast_in_dim3A_391 = vector.shape_cast %reduce_sum3A_390 : vector<80xf32> to vector<1x80xf32>
        %mul3A_392 = arith.mulf %dot_general3A_69, %convert_element_type3A_379 : vector<1024x80xf32>
        %reduce_sum3A_393 = arith.constant dense<0.000000e+00> : vector<80xf32>
        %reduce_sum3A_394 = vector.multi_reduction <add>, %mul3A_392, %reduce_sum3A_393 [0] : vector<1024x80xf32> to vector<80xf32>
        %broadcast_in_dim3A_395 = vector.shape_cast %reduce_sum3A_394 : vector<80xf32> to vector<1x80xf32>
        %sub3A_396 = arith.subf %broadcast_in_dim3A_391, %broadcast_in_dim3A_383 : vector<1x80xf32>
        %add3A_397 = arith.constant 1.000000e+00 : f32
        %add3A_398 = vector.broadcast %add3A_397 : f32 to vector<1x80xf32>
        %add3A_399 = arith.addf %sub3A_396, %add3A_398 : vector<1x80xf32>
        %sub3A_400 = arith.subf %broadcast_in_dim3A_395, %broadcast_in_dim3A_387 : vector<1x80xf32>
        %add3A_401 = arith.constant 1.000000e+00 : f32
        %add3A_402 = vector.broadcast %add3A_401 : f32 to vector<1x80xf32>
        %add3A_403 = arith.addf %sub3A_400, %add3A_402 : vector<1x80xf32>
        %mul3A_404 = arith.mulf %add3A_399, %add3A_403 : vector<1x80xf32>
        %min3A_405 = vector.broadcast %broadcast_in_dim3A_391 : vector<1x80xf32> to vector<1024x80xf32>
        %min3A_406 = arith.minimumf %dot_general3A_67, %min3A_405 : vector<1024x80xf32>
        %max3A_407 = vector.broadcast %broadcast_in_dim3A_383 : vector<1x80xf32> to vector<1024x80xf32>
        %max3A_408 = arith.maximumf %dot_general3A_63, %max3A_407 : vector<1024x80xf32>
        %sub3A_409 = arith.subf %min3A_406, %max3A_408 : vector<1024x80xf32>
        %add3A_410 = arith.constant 1.000000e+00 : f32
        %add3A_411 = vector.broadcast %add3A_410 : f32 to vector<1024x80xf32>
        %add3A_412 = arith.addf %sub3A_409, %add3A_411 : vector<1024x80xf32>
        %max3A_413 = arith.constant 0.000000e+00 : f32
        %max3A_414 = vector.broadcast %max3A_413 : f32 to vector<1024x80xf32>
        %max3A_415 = arith.maximumf %add3A_412, %max3A_414 : vector<1024x80xf32>
        %min3A_416 = vector.broadcast %broadcast_in_dim3A_395 : vector<1x80xf32> to vector<1024x80xf32>
        %min3A_417 = arith.minimumf %dot_general3A_69, %min3A_416 : vector<1024x80xf32>
        %max3A_418 = vector.broadcast %broadcast_in_dim3A_387 : vector<1x80xf32> to vector<1024x80xf32>
        %max3A_419 = arith.maximumf %dot_general3A_65, %max3A_418 : vector<1024x80xf32>
        %sub3A_420 = arith.subf %min3A_417, %max3A_419 : vector<1024x80xf32>
        %add3A_421 = arith.constant 1.000000e+00 : f32
        %add3A_422 = vector.broadcast %add3A_421 : f32 to vector<1024x80xf32>
        %add3A_423 = arith.addf %sub3A_420, %add3A_422 : vector<1024x80xf32>
        %max3A_424 = arith.constant 0.000000e+00 : f32
        %max3A_425 = vector.broadcast %max3A_424 : f32 to vector<1024x80xf32>
        %max3A_426 = arith.maximumf %add3A_423, %max3A_425 : vector<1024x80xf32>
        %mul3A_427 = arith.mulf %max3A_415, %max3A_426 : vector<1024x80xf32>
        %add3A_428 = vector.broadcast %mul3A_404 : vector<1x80xf32> to vector<1024x80xf32>
        %add3A_429 = arith.addf %mul3A, %add3A_428 : vector<1024x80xf32>
        %sub3A_430 = arith.subf %add3A_429, %mul3A_427 : vector<1024x80xf32>
        %div3A_431 = arith.divf %mul3A_427, %sub3A_430 : vector<1024x80xf32>
        %gt3A_432 = arith.constant 5.000000e-01 : f32
        %gt3A_433 = vector.broadcast %gt3A_432 : f32 to vector<1024x80xf32>
        %gt3A_434 = arith.cmpf ogt, %div3A_431, %gt3A_433 : vector<1024x80xf32>
        %or3A_435 = arith.ori %gt3A_434, %eq3A_377 : vector<1024x80xi1>
        %select_n3A_436 = arith.select %eq3A_377, %select_n3A_361, %select_n3A_359 : vector<1024x80xi1>, vector<1024x80xf32>
        %broadcast_in_dim3A_437 = vector.broadcast %while3A_86 : f32 to vector<1024x80xf32>
        %select_n3A_438 = arith.select %or3A_435, %broadcast_in_dim3A_437, %select_n3A_361 : vector<1024x80xi1>, vector<1024x80xf32>
        scf.yield %select_n3A_438, %select_n3A_436 : vector<1024x80xf32>, vector<1024x80xf32>
      }
      %iota3A_88 = tpu.iota {dimensions = array<i32: 1>} : vector<1x128xi32>
      %iota3A_89 = tpu.iota {dimensions = array<i32: 1>} : vector<1x80xi32>
      %iota3A_90 = tpu.iota {dimensions = array<i32: 0>} : vector<80x1xi32>
      %broadcast_in_dim3A_91 = arith.constant 0.000000e+00 : f32
      %broadcast_in_dim3A_92 = vector.broadcast %broadcast_in_dim3A_91 : f32 to vector<1x128xf32>
      %scan3A = arith.constant 0 : i32
      %scan3A_93 = arith.constant 100 : i32
      %scan3A_94 = arith.addi %scan3A, %scan3A_93 : i32
      %scan3A_95 = arith.constant 1 : i32
      %scan3A_96:4 = scf.for %scan3A_136 = %scan3A to %scan3A_94 step %scan3A_95 iter_args(%scan3A_137 = %while3A_87#1, %scan3A_138 = %broadcast_in_dim3A_92, %scan3A_139 = %broadcast_in_dim3A_92, %scan3A_140 = %broadcast_in_dim3A_92) -> (vector<1024x80xf32>, vector<1x128xf32>, vector<1x128xf32>, vector<1x128xf32>)  : i32 {
        %reduce_max3A = arith.constant dense<0xFF800000> : vector<80xf32>
        %reduce_max3A_141 = vector.multi_reduction <maximumf>, %scan3A_137, %reduce_max3A [0] : vector<1024x80xf32> to vector<80xf32>
        %broadcast_in_dim3A_142 = vector.shape_cast %reduce_max3A_141 : vector<80xf32> to vector<1x80xf32>
        %reduce_max3A_143 = arith.constant dense<0xFF800000> : vector<1xf32>
        %reduce_max3A_144 = vector.multi_reduction <maximumf>, %broadcast_in_dim3A_142, %reduce_max3A_143 [1] : vector<1x80xf32> to vector<1xf32>
        %broadcast_in_dim3A_145 = vector.shape_cast %reduce_max3A_144 : vector<1xf32> to vector<1x1xf32>
        %eq3A_146 = vector.broadcast %broadcast_in_dim3A_145 : vector<1x1xf32> to vector<1x80xf32>
        %eq3A_147 = arith.cmpf oeq, %broadcast_in_dim3A_142, %eq3A_146 : vector<1x80xf32>
        %jit3A_148 = arith.constant 80 : i32
        %broadcast_in_dim3A_149 = vector.broadcast %jit3A_148 : i32 to vector<1x80xi32>
        %select_n3A_150 = arith.select %eq3A_147, %iota3A_89, %broadcast_in_dim3A_149 : vector<1x80xi1>, vector<1x80xi32>
        %reduce_min3A = arith.constant dense<2147483647> : vector<1xi32>
        %reduce_min3A_151 = vector.multi_reduction <minsi>, %select_n3A_150, %reduce_min3A [1] : vector<1x80xi32> to vector<1xi32>
        %broadcast_in_dim3A_152 = vector.shape_cast %reduce_min3A_151 : vector<1xi32> to vector<1x1xi32>
        %eq3A_153 = vector.broadcast %broadcast_in_dim3A_152 : vector<1x1xi32> to vector<1024x80xi32>
        %eq3A_154 = arith.cmpi eq, %iota3A_83, %eq3A_153 : vector<1024x80xi32>
        %eq3A_155 = vector.broadcast %broadcast_in_dim3A_145 : vector<1x1xf32> to vector<1024x80xf32>
        %eq3A_156 = arith.cmpf oeq, %scan3A_137, %eq3A_155 : vector<1024x80xf32>
        %and3A = arith.andi %eq3A_154, %eq3A_156 : vector<1024x80xi1>
        %jit3A_157 = arith.constant 1024 : i32
        %broadcast_in_dim3A_158 = vector.broadcast %jit3A_157 : i32 to vector<1024x80xi32>
        %select_n3A_159 = arith.select %and3A, %iota3A_82, %broadcast_in_dim3A_158 : vector<1024x80xi1>, vector<1024x80xi32>
        %reduce_min3A_160 = vector.shape_cast %select_n3A_159 : vector<1024x80xi32> to vector<1x1024x80xi32>
        %reduce_min3A_161 = arith.constant dense<2147483647> : vector<1xi32>
        %reduce_min3A_162 = vector.multi_reduction <minsi>, %reduce_min3A_160, %reduce_min3A_161 [1, 2] : vector<1x1024x80xi32> to vector<1xi32>
        %reduce_min3A_163 = vector.shape_cast %reduce_min3A_162 : vector<1xi32> to vector<1x1x1xi32>
        %reduce_min3A_164 = vector.extract %reduce_min3A_163[0, 0, 0] : i32 from vector<1x1x1xi32>
        %eq3A_165 = vector.broadcast %reduce_min3A_164 : i32 to vector<1024x80xi32>
        %eq3A_166 = arith.cmpi eq, %iota3A_82, %eq3A_165 : vector<1024x80xi32>
        %and3A_167 = arith.andi %eq3A_154, %eq3A_166 : vector<1024x80xi1>
        %eq3A_168 = vector.broadcast %scan3A_136 : i32 to vector<1x128xi32>
        %eq3A_169 = arith.cmpi eq, %iota3A_88, %eq3A_168 : vector<1x128xi32>
        %convert_element_type3A_170 = arith.extui %eq3A_169 : vector<1x128xi1> to vector<1x128xi32>
        %convert_element_type3A_171 = arith.sitofp %convert_element_type3A_170 : vector<1x128xi32> to vector<1x128xf32>
        %mul3A_172 = vector.broadcast %broadcast_in_dim3A_145 : vector<1x1xf32> to vector<1x128xf32>
        %mul3A_173 = arith.mulf %mul3A_172, %convert_element_type3A_171 : vector<1x128xf32>
        %add3A_174 = arith.addf %scan3A_138, %mul3A_173 : vector<1x128xf32>
        %add3A_175 = arith.constant 1 : i32
        %add3A_176 = vector.broadcast %add3A_175 : i32 to vector<1x1xi32>
        %add3A_177 = arith.addi %broadcast_in_dim3A_152, %add3A_176 : vector<1x1xi32>
        %convert_element_type3A_178 = arith.sitofp %add3A_177 : vector<1x1xi32> to vector<1x1xf32>
        %mul3A_179 = vector.broadcast %convert_element_type3A_178 : vector<1x1xf32> to vector<1x128xf32>
        %mul3A_180 = arith.mulf %mul3A_179, %convert_element_type3A_171 : vector<1x128xf32>
        %add3A_181 = arith.addf %scan3A_139, %mul3A_180 : vector<1x128xf32>
        %convert_element_type3A_182 = arith.sitofp %reduce_min3A_164 : i32 to f32
        %mul3A_183 = vector.broadcast %convert_element_type3A_182 : f32 to vector<1x128xf32>
        %mul3A_184 = arith.mulf %mul3A_183, %convert_element_type3A_171 : vector<1x128xf32>
        %add3A_185 = arith.addf %scan3A_140, %mul3A_184 : vector<1x128xf32>
        %jit3A_186 = arith.constant -3.000000e+00 : f32
        %broadcast_in_dim3A_187 = vector.broadcast %jit3A_186 : f32 to vector<1024x80xf32>
        %select_n3A_188 = arith.select %and3A_167, %broadcast_in_dim3A_187, %scan3A_137 : vector<1024x80xi1>, vector<1024x80xf32>
        scf.yield %select_n3A_188, %add3A_174, %add3A_181, %add3A_185 : vector<1024x80xf32>, vector<1x128xf32>, vector<1x128xf32>, vector<1x128xf32>
      }
      %scan3A_97 = arith.constant 100 : i32
      %convert_element_type3A_98 = arith.sitofp %iota3A_90 : vector<80x1xi32> to vector<80x1xf32>
      %sub3A_99 = arith.constant 1.000000e+00 : f32
      %sub3A_100 = vector.broadcast %sub3A_99 : f32 to vector<1x128xf32>
      %sub3A_101 = arith.subf %scan3A_96#2, %sub3A_100 : vector<1x128xf32>
      %eq3A_102 = vector.broadcast %convert_element_type3A_98 : vector<80x1xf32> to vector<80x128xf32>
      %eq3A_103 = vector.broadcast %sub3A_101 : vector<1x128xf32> to vector<80x128xf32>
      %eq3A_104 = arith.cmpf oeq, %eq3A_102, %eq3A_103 : vector<80x128xf32>
      %convert_element_type3A_105 = arith.extui %eq3A_104 : vector<80x128xi1> to vector<80x128xi32>
      %convert_element_type3A_106 = arith.sitofp %convert_element_type3A_105 : vector<80x128xi32> to vector<80x128xf32>
      %iota3A_107 = tpu.iota {dimensions = array<i32: 0>} : vector<1024x128xi32>
      %convert_element_type3A_108 = arith.sitofp %iota3A_107 : vector<1024x128xi32> to vector<1024x128xf32>
      %eq3A_109 = vector.broadcast %scan3A_96#3 : vector<1x128xf32> to vector<1024x128xf32>
      %eq3A_110 = arith.cmpf oeq, %convert_element_type3A_108, %eq3A_109 : vector<1024x128xf32>
      %convert_element_type3A_111 = arith.extui %eq3A_110 : vector<1024x128xi1> to vector<1024x128xi32>
      %convert_element_type3A_112 = arith.sitofp %convert_element_type3A_111 : vector<1024x128xi32> to vector<1024x128xf32>
      %dot_general3A_113 = arith.constant dense<0.000000e+00> : vector<1024x128xf32>
      %dot_general3A_114 = tpu.matmul %get3A_46, %convert_element_type3A_106, %dot_general3A_113 {dimension_numbers = #tpu.dot_dimension_numbers<[0], [0], [1], [1], [0, 1, 1, 1], [], []>, transpose_lhs_hint = false} : vector<80x1024xf32>, vector<80x128xf32>, vector<1024x128xf32> -> vector<1024x128xf32>
      %mul3A_115 = arith.mulf %dot_general3A_114, %convert_element_type3A_112 : vector<1024x128xf32>
      %reduce_sum3A = arith.constant dense<0.000000e+00> : vector<128xf32>
      %reduce_sum3A_116 = vector.multi_reduction <add>, %mul3A_115, %reduce_sum3A [0] : vector<1024x128xf32> to vector<128xf32>
      %broadcast_in_dim3A_117 = vector.shape_cast %reduce_sum3A_116 : vector<128xf32> to vector<1x128xf32>
      %dot_general3A_118 = arith.constant dense<0.000000e+00> : vector<1024x128xf32>
      %dot_general3A_119 = tpu.matmul %get3A_49, %convert_element_type3A_106, %dot_general3A_118 {dimension_numbers = #tpu.dot_dimension_numbers<[0], [0], [1], [1], [0, 1, 1, 1], [], []>, transpose_lhs_hint = false} : vector<80x1024xf32>, vector<80x128xf32>, vector<1024x128xf32> -> vector<1024x128xf32>
      %mul3A_120 = arith.mulf %dot_general3A_119, %convert_element_type3A_112 : vector<1024x128xf32>
      %reduce_sum3A_121 = arith.constant dense<0.000000e+00> : vector<128xf32>
      %reduce_sum3A_122 = vector.multi_reduction <add>, %mul3A_120, %reduce_sum3A_121 [0] : vector<1024x128xf32> to vector<128xf32>
      %broadcast_in_dim3A_123 = vector.shape_cast %reduce_sum3A_122 : vector<128xf32> to vector<1x128xf32>
      %dot_general3A_124 = arith.constant dense<0.000000e+00> : vector<1024x128xf32>
      %dot_general3A_125 = tpu.matmul %get3A_52, %convert_element_type3A_106, %dot_general3A_124 {dimension_numbers = #tpu.dot_dimension_numbers<[0], [0], [1], [1], [0, 1, 1, 1], [], []>, transpose_lhs_hint = false} : vector<80x1024xf32>, vector<80x128xf32>, vector<1024x128xf32> -> vector<1024x128xf32>
      %mul3A_126 = arith.mulf %dot_general3A_125, %convert_element_type3A_112 : vector<1024x128xf32>
      %reduce_sum3A_127 = arith.constant dense<0.000000e+00> : vector<128xf32>
      %reduce_sum3A_128 = vector.multi_reduction <add>, %mul3A_126, %reduce_sum3A_127 [0] : vector<1024x128xf32> to vector<128xf32>
      %broadcast_in_dim3A_129 = vector.shape_cast %reduce_sum3A_128 : vector<128xf32> to vector<1x128xf32>
      %dot_general3A_130 = arith.constant dense<0.000000e+00> : vector<1024x128xf32>
      %dot_general3A_131 = tpu.matmul %get3A_55, %convert_element_type3A_106, %dot_general3A_130 {dimension_numbers = #tpu.dot_dimension_numbers<[0], [0], [1], [1], [0, 1, 1, 1], [], []>, transpose_lhs_hint = false} : vector<80x1024xf32>, vector<80x128xf32>, vector<1024x128xf32> -> vector<1024x128xf32>
      %mul3A_132 = arith.mulf %dot_general3A_131, %convert_element_type3A_112 : vector<1024x128xf32>
      %reduce_sum3A_133 = arith.constant dense<0.000000e+00> : vector<128xf32>
      %reduce_sum3A_134 = vector.multi_reduction <add>, %mul3A_132, %reduce_sum3A_133 [0] : vector<1024x128xf32> to vector<128xf32>
      %broadcast_in_dim3A_135 = vector.shape_cast %reduce_sum3A_134 : vector<128xf32> to vector<1x128xf32>
      scf.yield %broadcast_in_dim3A_117, %broadcast_in_dim3A_123, %broadcast_in_dim3A_129, %broadcast_in_dim3A_135, %scan3A_96#1, %scan3A_96#2 : vector<1x128xf32>, vector<1x128xf32>, vector<1x128xf32>, vector<1x128xf32>, vector<1x128xf32>, vector<1x128xf32>
    } else {
      %iota3A = tpu.iota {dimensions = array<i32: 1>} : vector<80x128xi32>
      %lt3A = vector.broadcast %get3A_1 : vector<80x1xi32> to vector<80x128xi32>
      %lt3A_38 = arith.cmpi slt, %iota3A, %lt3A : vector<80x128xi32>
      %get3A_39 = arith.constant 0 : index
      %get3A_40 = arith.constant 0 : index
      %get3A_41 = vector.load %arg0[%get3A_39, %get3A_40] : memref<80x128xf32, #tpu.memory_space<vmem>>, vector<80x128xf32>
      %jit3A = arith.constant -1.000000e+00 : f32
      %broadcast_in_dim3A_42 = vector.broadcast %jit3A : f32 to vector<80x128xf32>
      %select_n3A = arith.select %lt3A_38, %get3A_41, %broadcast_in_dim3A_42 : vector<80x128xi1>, vector<80x128xf32>
      %get3A_43 = arith.constant 0 : index
      %get3A_44 = arith.constant 0 : index
      %get3A_45 = vector.load %arg1[%get3A_43, %get3A_44] : memref<80x128xf32, #tpu.memory_space<vmem>>, vector<80x128xf32>
      %jit3A_46 = arith.constant 0.000000e+00 : f32
      %broadcast_in_dim3A_47 = vector.broadcast %jit3A_46 : f32 to vector<80x128xf32>
      %select_n3A_48 = arith.select %lt3A_38, %get3A_45, %broadcast_in_dim3A_47 : vector<80x128xi1>, vector<80x128xf32>
      %get3A_49 = arith.constant 0 : index
      %get3A_50 = arith.constant 0 : index
      %get3A_51 = vector.load %arg2[%get3A_49, %get3A_50] : memref<80x128xf32, #tpu.memory_space<vmem>>, vector<80x128xf32>
      %jit3A_52 = arith.constant 0.000000e+00 : f32
      %broadcast_in_dim3A_53 = vector.broadcast %jit3A_52 : f32 to vector<80x128xf32>
      %select_n3A_54 = arith.select %lt3A_38, %get3A_51, %broadcast_in_dim3A_53 : vector<80x128xi1>, vector<80x128xf32>
      %get3A_55 = arith.constant 0 : index
      %get3A_56 = arith.constant 0 : index
      %get3A_57 = vector.load %arg3[%get3A_55, %get3A_56] : memref<80x128xf32, #tpu.memory_space<vmem>>, vector<80x128xf32>
      %jit3A_58 = arith.constant 0.000000e+00 : f32
      %broadcast_in_dim3A_59 = vector.broadcast %jit3A_58 : f32 to vector<80x128xf32>
      %select_n3A_60 = arith.select %lt3A_38, %get3A_57, %broadcast_in_dim3A_59 : vector<80x128xi1>, vector<80x128xf32>
      %get3A_61 = arith.constant 0 : index
      %get3A_62 = arith.constant 0 : index
      %get3A_63 = vector.load %arg4[%get3A_61, %get3A_62] : memref<80x128xf32, #tpu.memory_space<vmem>>, vector<80x128xf32>
      %jit3A_64 = arith.constant 0.000000e+00 : f32
      %broadcast_in_dim3A_65 = vector.broadcast %jit3A_64 : f32 to vector<80x128xf32>
      %select_n3A_66 = arith.select %lt3A_38, %get3A_63, %broadcast_in_dim3A_65 : vector<80x128xi1>, vector<80x128xf32>
      %convert_element_type3A_67 = arith.extui %lt3A_38 : vector<80x128xi1> to vector<80x128xi32>
      %convert_element_type3A_68 = arith.sitofp %convert_element_type3A_67 : vector<80x128xi32> to vector<80x128xf32>
      %iota3A_69 = tpu.iota {dimensions = array<i32: 0>} : vector<80x80xi32>
      %iota3A_70 = tpu.iota {dimensions = array<i32: 1>} : vector<80x80xi32>
      %eq3A = arith.cmpi eq, %iota3A_69, %iota3A_70 : vector<80x80xi32>
      %convert_element_type3A_71 = arith.extui %eq3A : vector<80x80xi1> to vector<80x80xi32>
      %convert_element_type3A_72 = arith.sitofp %convert_element_type3A_71 : vector<80x80xi32> to vector<80x80xf32>
      %dot_general3A = arith.constant dense<0.000000e+00> : vector<128x80xf32>
      %dot_general3A_73 = tpu.matmul %select_n3A, %convert_element_type3A_72, %dot_general3A {dimension_numbers = #tpu.dot_dimension_numbers<[0], [0], [1], [1], [0, 1, 1, 1], [], []>, transpose_lhs_hint = false} : vector<80x128xf32>, vector<80x80xf32>, vector<128x80xf32> -> vector<128x80xf32>
      %dot_general3A_74 = arith.constant dense<0.000000e+00> : vector<128x80xf32>
      %dot_general3A_75 = tpu.matmul %select_n3A_48, %convert_element_type3A_72, %dot_general3A_74 {dimension_numbers = #tpu.dot_dimension_numbers<[0], [0], [1], [1], [0, 1, 1, 1], [], []>, transpose_lhs_hint = false} : vector<80x128xf32>, vector<80x80xf32>, vector<128x80xf32> -> vector<128x80xf32>
      %dot_general3A_76 = arith.constant dense<0.000000e+00> : vector<128x80xf32>
      %dot_general3A_77 = tpu.matmul %select_n3A_54, %convert_element_type3A_72, %dot_general3A_76 {dimension_numbers = #tpu.dot_dimension_numbers<[0], [0], [1], [1], [0, 1, 1, 1], [], []>, transpose_lhs_hint = false} : vector<80x128xf32>, vector<80x80xf32>, vector<128x80xf32> -> vector<128x80xf32>
      %dot_general3A_78 = arith.constant dense<0.000000e+00> : vector<128x80xf32>
      %dot_general3A_79 = tpu.matmul %select_n3A_60, %convert_element_type3A_72, %dot_general3A_78 {dimension_numbers = #tpu.dot_dimension_numbers<[0], [0], [1], [1], [0, 1, 1, 1], [], []>, transpose_lhs_hint = false} : vector<80x128xf32>, vector<80x80xf32>, vector<128x80xf32> -> vector<128x80xf32>
      %dot_general3A_80 = arith.constant dense<0.000000e+00> : vector<128x80xf32>
      %dot_general3A_81 = tpu.matmul %select_n3A_66, %convert_element_type3A_72, %dot_general3A_80 {dimension_numbers = #tpu.dot_dimension_numbers<[0], [0], [1], [1], [0, 1, 1, 1], [], []>, transpose_lhs_hint = false} : vector<80x128xf32>, vector<80x80xf32>, vector<128x80xf32> -> vector<128x80xf32>
      %dot_general3A_82 = arith.constant dense<0.000000e+00> : vector<128x80xf32>
      %dot_general3A_83 = tpu.matmul %convert_element_type3A_68, %convert_element_type3A_72, %dot_general3A_82 {dimension_numbers = #tpu.dot_dimension_numbers<[0], [0], [1], [1], [0, 1, 1, 1], [], []>, transpose_lhs_hint = false} : vector<80x128xf32>, vector<80x80xf32>, vector<128x80xf32> -> vector<128x80xf32>
      %gt3A_84 = arith.constant 5.000000e-01 : f32
      %gt3A_85 = vector.broadcast %gt3A_84 : f32 to vector<128x80xf32>
      %gt3A_86 = arith.cmpf ogt, %dot_general3A_83, %gt3A_85 : vector<128x80xf32>
      %jit3A_87 = arith.constant 0xFF800000 : f32
      %broadcast_in_dim3A_88 = vector.broadcast %jit3A_87 : f32 to vector<128x80xf32>
      %select_n3A_89 = arith.select %gt3A_86, %dot_general3A_73, %broadcast_in_dim3A_88 : vector<128x80xi1>, vector<128x80xf32>
      %sub3A = arith.subf %dot_general3A_79, %dot_general3A_75 : vector<128x80xf32>
      %add3A = arith.constant 1.000000e+00 : f32
      %add3A_90 = vector.broadcast %add3A : f32 to vector<128x80xf32>
      %add3A_91 = arith.addf %sub3A, %add3A_90 : vector<128x80xf32>
      %sub3A_92 = arith.subf %dot_general3A_81, %dot_general3A_77 : vector<128x80xf32>
      %add3A_93 = arith.constant 1.000000e+00 : f32
      %add3A_94 = vector.broadcast %add3A_93 : f32 to vector<128x80xf32>
      %add3A_95 = arith.addf %sub3A_92, %add3A_94 : vector<128x80xf32>
      %mul3A = arith.mulf %add3A_91, %add3A_95 : vector<128x80xf32>
      %iota3A_96 = tpu.iota {dimensions = array<i32: 0>} : vector<128x80xi32>
      %iota3A_97 = tpu.iota {dimensions = array<i32: 1>} : vector<128x80xi32>
      %broadcast_in_dim3A_98 = arith.constant -1.000000e+00 : f32
      %broadcast_in_dim3A_99 = vector.broadcast %broadcast_in_dim3A_98 : f32 to vector<128x80xf32>
      %while3A = arith.constant 0xFF800000 : f32
      %while3A_100 = arith.constant 0xFF800000 : f32
      %while3A_101:2 = scf.while (%while3A_150 = %select_n3A_89, %while3A_151 = %broadcast_in_dim3A_99) : (vector<128x80xf32>, vector<128x80xf32>) -> (vector<128x80xf32>, vector<128x80xf32>) {
        %gt3A_152 = vector.broadcast %while3A : f32 to vector<128x80xf32>
        %gt3A_153 = arith.cmpf ogt, %while3A_150, %gt3A_152 : vector<128x80xf32>
        %reduce_or3A_154 = arith.constant 1.000000e+00 : f32
        %reduce_or3A_155 = arith.constant 0.000000e+00 : f32
        %reduce_or3A_156 = vector.broadcast %reduce_or3A_154 : f32 to vector<128x80xf32>
        %reduce_or3A_157 = vector.broadcast %reduce_or3A_155 : f32 to vector<128x80xf32>
        %reduce_or3A_158 = arith.select %gt3A_153, %reduce_or3A_156, %reduce_or3A_157 : vector<128x80xi1>, vector<128x80xf32>
        %reduce_or3A_159 = vector.shape_cast %reduce_or3A_158 : vector<128x80xf32> to vector<1x128x80xf32>
        %reduce_or3A_160 = arith.constant dense<0xFF800000> : vector<1xf32>
        %reduce_or3A_161 = vector.multi_reduction <maximumf>, %reduce_or3A_159, %reduce_or3A_160 [1, 2] : vector<1x128x80xf32> to vector<1xf32>
        %reduce_or3A_162 = vector.shape_cast %reduce_or3A_161 : vector<1xf32> to vector<1x1x1xf32>
        %reduce_or3A_163 = vector.extract %reduce_or3A_162[0, 0, 0] : f32 from vector<1x1x1xf32>
        %reduce_or3A_164 = arith.constant 0.000000e+00 : f32
        %reduce_or3A_165 = arith.cmpf ogt, %reduce_or3A_163, %reduce_or3A_164 : f32
        scf.condition(%reduce_or3A_165) %while3A_150, %while3A_151 : vector<128x80xf32>, vector<128x80xf32>
      } do {
      ^bb0(%while3A_150: vector<128x80xf32>, %while3A_151: vector<128x80xf32>):
        %reduce_max3A = arith.constant dense<0xFF800000> : vector<80xf32>
        %reduce_max3A_152 = vector.multi_reduction <maximumf>, %while3A_150, %reduce_max3A [0] : vector<128x80xf32> to vector<80xf32>
        %broadcast_in_dim3A_153 = vector.shape_cast %reduce_max3A_152 : vector<80xf32> to vector<1x80xf32>
        %gt3A_154 = vector.broadcast %while3A_100 : f32 to vector<128x80xf32>
        %gt3A_155 = arith.cmpf ogt, %while3A_150, %gt3A_154 : vector<128x80xf32>
        %eq3A_156 = vector.broadcast %broadcast_in_dim3A_153 : vector<1x80xf32> to vector<128x80xf32>
        %eq3A_157 = arith.cmpf oeq, %while3A_150, %eq3A_156 : vector<128x80xf32>
        %and3A = arith.andi %gt3A_155, %eq3A_157 : vector<128x80xi1>
        %jit3A_158 = arith.constant 128 : i32
        %broadcast_in_dim3A_159 = vector.broadcast %jit3A_158 : i32 to vector<128x80xi32>
        %select_n3A_160 = arith.select %and3A, %iota3A_96, %broadcast_in_dim3A_159 : vector<128x80xi1>, vector<128x80xi32>
        %reduce_min3A = arith.constant dense<2147483647> : vector<80xi32>
        %reduce_min3A_161 = vector.multi_reduction <minsi>, %select_n3A_160, %reduce_min3A [0] : vector<128x80xi32> to vector<80xi32>
        %broadcast_in_dim3A_162 = vector.shape_cast %reduce_min3A_161 : vector<80xi32> to vector<1x80xi32>
        %eq3A_163 = vector.broadcast %broadcast_in_dim3A_162 : vector<1x80xi32> to vector<128x80xi32>
        %eq3A_164 = arith.cmpi eq, %iota3A_96, %eq3A_163 : vector<128x80xi32>
        %convert_element_type3A_165 = arith.extui %eq3A_164 : vector<128x80xi1> to vector<128x80xi32>
        %convert_element_type3A_166 = arith.sitofp %convert_element_type3A_165 : vector<128x80xi32> to vector<128x80xf32>
        %mul3A_167 = arith.mulf %dot_general3A_75, %convert_element_type3A_166 : vector<128x80xf32>
        %reduce_sum3A_168 = arith.constant dense<0.000000e+00> : vector<80xf32>
        %reduce_sum3A_169 = vector.multi_reduction <add>, %mul3A_167, %reduce_sum3A_168 [0] : vector<128x80xf32> to vector<80xf32>
        %broadcast_in_dim3A_170 = vector.shape_cast %reduce_sum3A_169 : vector<80xf32> to vector<1x80xf32>
        %mul3A_171 = arith.mulf %dot_general3A_77, %convert_element_type3A_166 : vector<128x80xf32>
        %reduce_sum3A_172 = arith.constant dense<0.000000e+00> : vector<80xf32>
        %reduce_sum3A_173 = vector.multi_reduction <add>, %mul3A_171, %reduce_sum3A_172 [0] : vector<128x80xf32> to vector<80xf32>
        %broadcast_in_dim3A_174 = vector.shape_cast %reduce_sum3A_173 : vector<80xf32> to vector<1x80xf32>
        %mul3A_175 = arith.mulf %dot_general3A_79, %convert_element_type3A_166 : vector<128x80xf32>
        %reduce_sum3A_176 = arith.constant dense<0.000000e+00> : vector<80xf32>
        %reduce_sum3A_177 = vector.multi_reduction <add>, %mul3A_175, %reduce_sum3A_176 [0] : vector<128x80xf32> to vector<80xf32>
        %broadcast_in_dim3A_178 = vector.shape_cast %reduce_sum3A_177 : vector<80xf32> to vector<1x80xf32>
        %mul3A_179 = arith.mulf %dot_general3A_81, %convert_element_type3A_166 : vector<128x80xf32>
        %reduce_sum3A_180 = arith.constant dense<0.000000e+00> : vector<80xf32>
        %reduce_sum3A_181 = vector.multi_reduction <add>, %mul3A_179, %reduce_sum3A_180 [0] : vector<128x80xf32> to vector<80xf32>
        %broadcast_in_dim3A_182 = vector.shape_cast %reduce_sum3A_181 : vector<80xf32> to vector<1x80xf32>
        %sub3A_183 = arith.subf %broadcast_in_dim3A_178, %broadcast_in_dim3A_170 : vector<1x80xf32>
        %add3A_184 = arith.constant 1.000000e+00 : f32
        %add3A_185 = vector.broadcast %add3A_184 : f32 to vector<1x80xf32>
        %add3A_186 = arith.addf %sub3A_183, %add3A_185 : vector<1x80xf32>
        %sub3A_187 = arith.subf %broadcast_in_dim3A_182, %broadcast_in_dim3A_174 : vector<1x80xf32>
        %add3A_188 = arith.constant 1.000000e+00 : f32
        %add3A_189 = vector.broadcast %add3A_188 : f32 to vector<1x80xf32>
        %add3A_190 = arith.addf %sub3A_187, %add3A_189 : vector<1x80xf32>
        %mul3A_191 = arith.mulf %add3A_186, %add3A_190 : vector<1x80xf32>
        %min3A = vector.broadcast %broadcast_in_dim3A_178 : vector<1x80xf32> to vector<128x80xf32>
        %min3A_192 = arith.minimumf %dot_general3A_79, %min3A : vector<128x80xf32>
        %max3A = vector.broadcast %broadcast_in_dim3A_170 : vector<1x80xf32> to vector<128x80xf32>
        %max3A_193 = arith.maximumf %dot_general3A_75, %max3A : vector<128x80xf32>
        %sub3A_194 = arith.subf %min3A_192, %max3A_193 : vector<128x80xf32>
        %add3A_195 = arith.constant 1.000000e+00 : f32
        %add3A_196 = vector.broadcast %add3A_195 : f32 to vector<128x80xf32>
        %add3A_197 = arith.addf %sub3A_194, %add3A_196 : vector<128x80xf32>
        %max3A_198 = arith.constant 0.000000e+00 : f32
        %max3A_199 = vector.broadcast %max3A_198 : f32 to vector<128x80xf32>
        %max3A_200 = arith.maximumf %add3A_197, %max3A_199 : vector<128x80xf32>
        %min3A_201 = vector.broadcast %broadcast_in_dim3A_182 : vector<1x80xf32> to vector<128x80xf32>
        %min3A_202 = arith.minimumf %dot_general3A_81, %min3A_201 : vector<128x80xf32>
        %max3A_203 = vector.broadcast %broadcast_in_dim3A_174 : vector<1x80xf32> to vector<128x80xf32>
        %max3A_204 = arith.maximumf %dot_general3A_77, %max3A_203 : vector<128x80xf32>
        %sub3A_205 = arith.subf %min3A_202, %max3A_204 : vector<128x80xf32>
        %add3A_206 = arith.constant 1.000000e+00 : f32
        %add3A_207 = vector.broadcast %add3A_206 : f32 to vector<128x80xf32>
        %add3A_208 = arith.addf %sub3A_205, %add3A_207 : vector<128x80xf32>
        %max3A_209 = arith.constant 0.000000e+00 : f32
        %max3A_210 = vector.broadcast %max3A_209 : f32 to vector<128x80xf32>
        %max3A_211 = arith.maximumf %add3A_208, %max3A_210 : vector<128x80xf32>
        %mul3A_212 = arith.mulf %max3A_200, %max3A_211 : vector<128x80xf32>
        %add3A_213 = vector.broadcast %mul3A_191 : vector<1x80xf32> to vector<128x80xf32>
        %add3A_214 = arith.addf %mul3A, %add3A_213 : vector<128x80xf32>
        %sub3A_215 = arith.subf %add3A_214, %mul3A_212 : vector<128x80xf32>
        %div3A = arith.divf %mul3A_212, %sub3A_215 : vector<128x80xf32>
        %gt3A_216 = arith.constant 5.000000e-01 : f32
        %gt3A_217 = vector.broadcast %gt3A_216 : f32 to vector<128x80xf32>
        %gt3A_218 = arith.cmpf ogt, %div3A, %gt3A_217 : vector<128x80xf32>
        %or3A = arith.ori %gt3A_218, %eq3A_164 : vector<128x80xi1>
        %select_n3A_219 = arith.select %eq3A_164, %while3A_150, %while3A_151 : vector<128x80xi1>, vector<128x80xf32>
        %broadcast_in_dim3A_220 = vector.broadcast %while3A_100 : f32 to vector<128x80xf32>
        %select_n3A_221 = arith.select %or3A, %broadcast_in_dim3A_220, %while3A_150 : vector<128x80xi1>, vector<128x80xf32>
        %reduce_max3A_222 = arith.constant dense<0xFF800000> : vector<80xf32>
        %reduce_max3A_223 = vector.multi_reduction <maximumf>, %select_n3A_221, %reduce_max3A_222 [0] : vector<128x80xf32> to vector<80xf32>
        %broadcast_in_dim3A_224 = vector.shape_cast %reduce_max3A_223 : vector<80xf32> to vector<1x80xf32>
        %gt3A_225 = vector.broadcast %while3A_100 : f32 to vector<128x80xf32>
        %gt3A_226 = arith.cmpf ogt, %select_n3A_221, %gt3A_225 : vector<128x80xf32>
        %eq3A_227 = vector.broadcast %broadcast_in_dim3A_224 : vector<1x80xf32> to vector<128x80xf32>
        %eq3A_228 = arith.cmpf oeq, %select_n3A_221, %eq3A_227 : vector<128x80xf32>
        %and3A_229 = arith.andi %gt3A_226, %eq3A_228 : vector<128x80xi1>
        %jit3A_230 = arith.constant 128 : i32
        %broadcast_in_dim3A_231 = vector.broadcast %jit3A_230 : i32 to vector<128x80xi32>
        %select_n3A_232 = arith.select %and3A_229, %iota3A_96, %broadcast_in_dim3A_231 : vector<128x80xi1>, vector<128x80xi32>
        %reduce_min3A_233 = arith.constant dense<2147483647> : vector<80xi32>
        %reduce_min3A_234 = vector.multi_reduction <minsi>, %select_n3A_232, %reduce_min3A_233 [0] : vector<128x80xi32> to vector<80xi32>
        %broadcast_in_dim3A_235 = vector.shape_cast %reduce_min3A_234 : vector<80xi32> to vector<1x80xi32>
        %eq3A_236 = vector.broadcast %broadcast_in_dim3A_235 : vector<1x80xi32> to vector<128x80xi32>
        %eq3A_237 = arith.cmpi eq, %iota3A_96, %eq3A_236 : vector<128x80xi32>
        %convert_element_type3A_238 = arith.extui %eq3A_237 : vector<128x80xi1> to vector<128x80xi32>
        %convert_element_type3A_239 = arith.sitofp %convert_element_type3A_238 : vector<128x80xi32> to vector<128x80xf32>
        %mul3A_240 = arith.mulf %dot_general3A_75, %convert_element_type3A_239 : vector<128x80xf32>
        %reduce_sum3A_241 = arith.constant dense<0.000000e+00> : vector<80xf32>
        %reduce_sum3A_242 = vector.multi_reduction <add>, %mul3A_240, %reduce_sum3A_241 [0] : vector<128x80xf32> to vector<80xf32>
        %broadcast_in_dim3A_243 = vector.shape_cast %reduce_sum3A_242 : vector<80xf32> to vector<1x80xf32>
        %mul3A_244 = arith.mulf %dot_general3A_77, %convert_element_type3A_239 : vector<128x80xf32>
        %reduce_sum3A_245 = arith.constant dense<0.000000e+00> : vector<80xf32>
        %reduce_sum3A_246 = vector.multi_reduction <add>, %mul3A_244, %reduce_sum3A_245 [0] : vector<128x80xf32> to vector<80xf32>
        %broadcast_in_dim3A_247 = vector.shape_cast %reduce_sum3A_246 : vector<80xf32> to vector<1x80xf32>
        %mul3A_248 = arith.mulf %dot_general3A_79, %convert_element_type3A_239 : vector<128x80xf32>
        %reduce_sum3A_249 = arith.constant dense<0.000000e+00> : vector<80xf32>
        %reduce_sum3A_250 = vector.multi_reduction <add>, %mul3A_248, %reduce_sum3A_249 [0] : vector<128x80xf32> to vector<80xf32>
        %broadcast_in_dim3A_251 = vector.shape_cast %reduce_sum3A_250 : vector<80xf32> to vector<1x80xf32>
        %mul3A_252 = arith.mulf %dot_general3A_81, %convert_element_type3A_239 : vector<128x80xf32>
        %reduce_sum3A_253 = arith.constant dense<0.000000e+00> : vector<80xf32>
        %reduce_sum3A_254 = vector.multi_reduction <add>, %mul3A_252, %reduce_sum3A_253 [0] : vector<128x80xf32> to vector<80xf32>
        %broadcast_in_dim3A_255 = vector.shape_cast %reduce_sum3A_254 : vector<80xf32> to vector<1x80xf32>
        %sub3A_256 = arith.subf %broadcast_in_dim3A_251, %broadcast_in_dim3A_243 : vector<1x80xf32>
        %add3A_257 = arith.constant 1.000000e+00 : f32
        %add3A_258 = vector.broadcast %add3A_257 : f32 to vector<1x80xf32>
        %add3A_259 = arith.addf %sub3A_256, %add3A_258 : vector<1x80xf32>
        %sub3A_260 = arith.subf %broadcast_in_dim3A_255, %broadcast_in_dim3A_247 : vector<1x80xf32>
        %add3A_261 = arith.constant 1.000000e+00 : f32
        %add3A_262 = vector.broadcast %add3A_261 : f32 to vector<1x80xf32>
        %add3A_263 = arith.addf %sub3A_260, %add3A_262 : vector<1x80xf32>
        %mul3A_264 = arith.mulf %add3A_259, %add3A_263 : vector<1x80xf32>
        %min3A_265 = vector.broadcast %broadcast_in_dim3A_251 : vector<1x80xf32> to vector<128x80xf32>
        %min3A_266 = arith.minimumf %dot_general3A_79, %min3A_265 : vector<128x80xf32>
        %max3A_267 = vector.broadcast %broadcast_in_dim3A_243 : vector<1x80xf32> to vector<128x80xf32>
        %max3A_268 = arith.maximumf %dot_general3A_75, %max3A_267 : vector<128x80xf32>
        %sub3A_269 = arith.subf %min3A_266, %max3A_268 : vector<128x80xf32>
        %add3A_270 = arith.constant 1.000000e+00 : f32
        %add3A_271 = vector.broadcast %add3A_270 : f32 to vector<128x80xf32>
        %add3A_272 = arith.addf %sub3A_269, %add3A_271 : vector<128x80xf32>
        %max3A_273 = arith.constant 0.000000e+00 : f32
        %max3A_274 = vector.broadcast %max3A_273 : f32 to vector<128x80xf32>
        %max3A_275 = arith.maximumf %add3A_272, %max3A_274 : vector<128x80xf32>
        %min3A_276 = vector.broadcast %broadcast_in_dim3A_255 : vector<1x80xf32> to vector<128x80xf32>
        %min3A_277 = arith.minimumf %dot_general3A_81, %min3A_276 : vector<128x80xf32>
        %max3A_278 = vector.broadcast %broadcast_in_dim3A_247 : vector<1x80xf32> to vector<128x80xf32>
        %max3A_279 = arith.maximumf %dot_general3A_77, %max3A_278 : vector<128x80xf32>
        %sub3A_280 = arith.subf %min3A_277, %max3A_279 : vector<128x80xf32>
        %add3A_281 = arith.constant 1.000000e+00 : f32
        %add3A_282 = vector.broadcast %add3A_281 : f32 to vector<128x80xf32>
        %add3A_283 = arith.addf %sub3A_280, %add3A_282 : vector<128x80xf32>
        %max3A_284 = arith.constant 0.000000e+00 : f32
        %max3A_285 = vector.broadcast %max3A_284 : f32 to vector<128x80xf32>
        %max3A_286 = arith.maximumf %add3A_283, %max3A_285 : vector<128x80xf32>
        %mul3A_287 = arith.mulf %max3A_275, %max3A_286 : vector<128x80xf32>
        %add3A_288 = vector.broadcast %mul3A_264 : vector<1x80xf32> to vector<128x80xf32>
        %add3A_289 = arith.addf %mul3A, %add3A_288 : vector<128x80xf32>
        %sub3A_290 = arith.subf %add3A_289, %mul3A_287 : vector<128x80xf32>
        %div3A_291 = arith.divf %mul3A_287, %sub3A_290 : vector<128x80xf32>
        %gt3A_292 = arith.constant 5.000000e-01 : f32
        %gt3A_293 = vector.broadcast %gt3A_292 : f32 to vector<128x80xf32>
        %gt3A_294 = arith.cmpf ogt, %div3A_291, %gt3A_293 : vector<128x80xf32>
        %or3A_295 = arith.ori %gt3A_294, %eq3A_237 : vector<128x80xi1>
        %select_n3A_296 = arith.select %eq3A_237, %select_n3A_221, %select_n3A_219 : vector<128x80xi1>, vector<128x80xf32>
        %broadcast_in_dim3A_297 = vector.broadcast %while3A_100 : f32 to vector<128x80xf32>
        %select_n3A_298 = arith.select %or3A_295, %broadcast_in_dim3A_297, %select_n3A_221 : vector<128x80xi1>, vector<128x80xf32>
        %reduce_max3A_299 = arith.constant dense<0xFF800000> : vector<80xf32>
        %reduce_max3A_300 = vector.multi_reduction <maximumf>, %select_n3A_298, %reduce_max3A_299 [0] : vector<128x80xf32> to vector<80xf32>
        %broadcast_in_dim3A_301 = vector.shape_cast %reduce_max3A_300 : vector<80xf32> to vector<1x80xf32>
        %gt3A_302 = vector.broadcast %while3A_100 : f32 to vector<128x80xf32>
        %gt3A_303 = arith.cmpf ogt, %select_n3A_298, %gt3A_302 : vector<128x80xf32>
        %eq3A_304 = vector.broadcast %broadcast_in_dim3A_301 : vector<1x80xf32> to vector<128x80xf32>
        %eq3A_305 = arith.cmpf oeq, %select_n3A_298, %eq3A_304 : vector<128x80xf32>
        %and3A_306 = arith.andi %gt3A_303, %eq3A_305 : vector<128x80xi1>
        %jit3A_307 = arith.constant 128 : i32
        %broadcast_in_dim3A_308 = vector.broadcast %jit3A_307 : i32 to vector<128x80xi32>
        %select_n3A_309 = arith.select %and3A_306, %iota3A_96, %broadcast_in_dim3A_308 : vector<128x80xi1>, vector<128x80xi32>
        %reduce_min3A_310 = arith.constant dense<2147483647> : vector<80xi32>
        %reduce_min3A_311 = vector.multi_reduction <minsi>, %select_n3A_309, %reduce_min3A_310 [0] : vector<128x80xi32> to vector<80xi32>
        %broadcast_in_dim3A_312 = vector.shape_cast %reduce_min3A_311 : vector<80xi32> to vector<1x80xi32>
        %eq3A_313 = vector.broadcast %broadcast_in_dim3A_312 : vector<1x80xi32> to vector<128x80xi32>
        %eq3A_314 = arith.cmpi eq, %iota3A_96, %eq3A_313 : vector<128x80xi32>
        %convert_element_type3A_315 = arith.extui %eq3A_314 : vector<128x80xi1> to vector<128x80xi32>
        %convert_element_type3A_316 = arith.sitofp %convert_element_type3A_315 : vector<128x80xi32> to vector<128x80xf32>
        %mul3A_317 = arith.mulf %dot_general3A_75, %convert_element_type3A_316 : vector<128x80xf32>
        %reduce_sum3A_318 = arith.constant dense<0.000000e+00> : vector<80xf32>
        %reduce_sum3A_319 = vector.multi_reduction <add>, %mul3A_317, %reduce_sum3A_318 [0] : vector<128x80xf32> to vector<80xf32>
        %broadcast_in_dim3A_320 = vector.shape_cast %reduce_sum3A_319 : vector<80xf32> to vector<1x80xf32>
        %mul3A_321 = arith.mulf %dot_general3A_77, %convert_element_type3A_316 : vector<128x80xf32>
        %reduce_sum3A_322 = arith.constant dense<0.000000e+00> : vector<80xf32>
        %reduce_sum3A_323 = vector.multi_reduction <add>, %mul3A_321, %reduce_sum3A_322 [0] : vector<128x80xf32> to vector<80xf32>
        %broadcast_in_dim3A_324 = vector.shape_cast %reduce_sum3A_323 : vector<80xf32> to vector<1x80xf32>
        %mul3A_325 = arith.mulf %dot_general3A_79, %convert_element_type3A_316 : vector<128x80xf32>
        %reduce_sum3A_326 = arith.constant dense<0.000000e+00> : vector<80xf32>
        %reduce_sum3A_327 = vector.multi_reduction <add>, %mul3A_325, %reduce_sum3A_326 [0] : vector<128x80xf32> to vector<80xf32>
        %broadcast_in_dim3A_328 = vector.shape_cast %reduce_sum3A_327 : vector<80xf32> to vector<1x80xf32>
        %mul3A_329 = arith.mulf %dot_general3A_81, %convert_element_type3A_316 : vector<128x80xf32>
        %reduce_sum3A_330 = arith.constant dense<0.000000e+00> : vector<80xf32>
        %reduce_sum3A_331 = vector.multi_reduction <add>, %mul3A_329, %reduce_sum3A_330 [0] : vector<128x80xf32> to vector<80xf32>
        %broadcast_in_dim3A_332 = vector.shape_cast %reduce_sum3A_331 : vector<80xf32> to vector<1x80xf32>
        %sub3A_333 = arith.subf %broadcast_in_dim3A_328, %broadcast_in_dim3A_320 : vector<1x80xf32>
        %add3A_334 = arith.constant 1.000000e+00 : f32
        %add3A_335 = vector.broadcast %add3A_334 : f32 to vector<1x80xf32>
        %add3A_336 = arith.addf %sub3A_333, %add3A_335 : vector<1x80xf32>
        %sub3A_337 = arith.subf %broadcast_in_dim3A_332, %broadcast_in_dim3A_324 : vector<1x80xf32>
        %add3A_338 = arith.constant 1.000000e+00 : f32
        %add3A_339 = vector.broadcast %add3A_338 : f32 to vector<1x80xf32>
        %add3A_340 = arith.addf %sub3A_337, %add3A_339 : vector<1x80xf32>
        %mul3A_341 = arith.mulf %add3A_336, %add3A_340 : vector<1x80xf32>
        %min3A_342 = vector.broadcast %broadcast_in_dim3A_328 : vector<1x80xf32> to vector<128x80xf32>
        %min3A_343 = arith.minimumf %dot_general3A_79, %min3A_342 : vector<128x80xf32>
        %max3A_344 = vector.broadcast %broadcast_in_dim3A_320 : vector<1x80xf32> to vector<128x80xf32>
        %max3A_345 = arith.maximumf %dot_general3A_75, %max3A_344 : vector<128x80xf32>
        %sub3A_346 = arith.subf %min3A_343, %max3A_345 : vector<128x80xf32>
        %add3A_347 = arith.constant 1.000000e+00 : f32
        %add3A_348 = vector.broadcast %add3A_347 : f32 to vector<128x80xf32>
        %add3A_349 = arith.addf %sub3A_346, %add3A_348 : vector<128x80xf32>
        %max3A_350 = arith.constant 0.000000e+00 : f32
        %max3A_351 = vector.broadcast %max3A_350 : f32 to vector<128x80xf32>
        %max3A_352 = arith.maximumf %add3A_349, %max3A_351 : vector<128x80xf32>
        %min3A_353 = vector.broadcast %broadcast_in_dim3A_332 : vector<1x80xf32> to vector<128x80xf32>
        %min3A_354 = arith.minimumf %dot_general3A_81, %min3A_353 : vector<128x80xf32>
        %max3A_355 = vector.broadcast %broadcast_in_dim3A_324 : vector<1x80xf32> to vector<128x80xf32>
        %max3A_356 = arith.maximumf %dot_general3A_77, %max3A_355 : vector<128x80xf32>
        %sub3A_357 = arith.subf %min3A_354, %max3A_356 : vector<128x80xf32>
        %add3A_358 = arith.constant 1.000000e+00 : f32
        %add3A_359 = vector.broadcast %add3A_358 : f32 to vector<128x80xf32>
        %add3A_360 = arith.addf %sub3A_357, %add3A_359 : vector<128x80xf32>
        %max3A_361 = arith.constant 0.000000e+00 : f32
        %max3A_362 = vector.broadcast %max3A_361 : f32 to vector<128x80xf32>
        %max3A_363 = arith.maximumf %add3A_360, %max3A_362 : vector<128x80xf32>
        %mul3A_364 = arith.mulf %max3A_352, %max3A_363 : vector<128x80xf32>
        %add3A_365 = vector.broadcast %mul3A_341 : vector<1x80xf32> to vector<128x80xf32>
        %add3A_366 = arith.addf %mul3A, %add3A_365 : vector<128x80xf32>
        %sub3A_367 = arith.subf %add3A_366, %mul3A_364 : vector<128x80xf32>
        %div3A_368 = arith.divf %mul3A_364, %sub3A_367 : vector<128x80xf32>
        %gt3A_369 = arith.constant 5.000000e-01 : f32
        %gt3A_370 = vector.broadcast %gt3A_369 : f32 to vector<128x80xf32>
        %gt3A_371 = arith.cmpf ogt, %div3A_368, %gt3A_370 : vector<128x80xf32>
        %or3A_372 = arith.ori %gt3A_371, %eq3A_314 : vector<128x80xi1>
        %select_n3A_373 = arith.select %eq3A_314, %select_n3A_298, %select_n3A_296 : vector<128x80xi1>, vector<128x80xf32>
        %broadcast_in_dim3A_374 = vector.broadcast %while3A_100 : f32 to vector<128x80xf32>
        %select_n3A_375 = arith.select %or3A_372, %broadcast_in_dim3A_374, %select_n3A_298 : vector<128x80xi1>, vector<128x80xf32>
        %reduce_max3A_376 = arith.constant dense<0xFF800000> : vector<80xf32>
        %reduce_max3A_377 = vector.multi_reduction <maximumf>, %select_n3A_375, %reduce_max3A_376 [0] : vector<128x80xf32> to vector<80xf32>
        %broadcast_in_dim3A_378 = vector.shape_cast %reduce_max3A_377 : vector<80xf32> to vector<1x80xf32>
        %gt3A_379 = vector.broadcast %while3A_100 : f32 to vector<128x80xf32>
        %gt3A_380 = arith.cmpf ogt, %select_n3A_375, %gt3A_379 : vector<128x80xf32>
        %eq3A_381 = vector.broadcast %broadcast_in_dim3A_378 : vector<1x80xf32> to vector<128x80xf32>
        %eq3A_382 = arith.cmpf oeq, %select_n3A_375, %eq3A_381 : vector<128x80xf32>
        %and3A_383 = arith.andi %gt3A_380, %eq3A_382 : vector<128x80xi1>
        %jit3A_384 = arith.constant 128 : i32
        %broadcast_in_dim3A_385 = vector.broadcast %jit3A_384 : i32 to vector<128x80xi32>
        %select_n3A_386 = arith.select %and3A_383, %iota3A_96, %broadcast_in_dim3A_385 : vector<128x80xi1>, vector<128x80xi32>
        %reduce_min3A_387 = arith.constant dense<2147483647> : vector<80xi32>
        %reduce_min3A_388 = vector.multi_reduction <minsi>, %select_n3A_386, %reduce_min3A_387 [0] : vector<128x80xi32> to vector<80xi32>
        %broadcast_in_dim3A_389 = vector.shape_cast %reduce_min3A_388 : vector<80xi32> to vector<1x80xi32>
        %eq3A_390 = vector.broadcast %broadcast_in_dim3A_389 : vector<1x80xi32> to vector<128x80xi32>
        %eq3A_391 = arith.cmpi eq, %iota3A_96, %eq3A_390 : vector<128x80xi32>
        %convert_element_type3A_392 = arith.extui %eq3A_391 : vector<128x80xi1> to vector<128x80xi32>
        %convert_element_type3A_393 = arith.sitofp %convert_element_type3A_392 : vector<128x80xi32> to vector<128x80xf32>
        %mul3A_394 = arith.mulf %dot_general3A_75, %convert_element_type3A_393 : vector<128x80xf32>
        %reduce_sum3A_395 = arith.constant dense<0.000000e+00> : vector<80xf32>
        %reduce_sum3A_396 = vector.multi_reduction <add>, %mul3A_394, %reduce_sum3A_395 [0] : vector<128x80xf32> to vector<80xf32>
        %broadcast_in_dim3A_397 = vector.shape_cast %reduce_sum3A_396 : vector<80xf32> to vector<1x80xf32>
        %mul3A_398 = arith.mulf %dot_general3A_77, %convert_element_type3A_393 : vector<128x80xf32>
        %reduce_sum3A_399 = arith.constant dense<0.000000e+00> : vector<80xf32>
        %reduce_sum3A_400 = vector.multi_reduction <add>, %mul3A_398, %reduce_sum3A_399 [0] : vector<128x80xf32> to vector<80xf32>
        %broadcast_in_dim3A_401 = vector.shape_cast %reduce_sum3A_400 : vector<80xf32> to vector<1x80xf32>
        %mul3A_402 = arith.mulf %dot_general3A_79, %convert_element_type3A_393 : vector<128x80xf32>
        %reduce_sum3A_403 = arith.constant dense<0.000000e+00> : vector<80xf32>
        %reduce_sum3A_404 = vector.multi_reduction <add>, %mul3A_402, %reduce_sum3A_403 [0] : vector<128x80xf32> to vector<80xf32>
        %broadcast_in_dim3A_405 = vector.shape_cast %reduce_sum3A_404 : vector<80xf32> to vector<1x80xf32>
        %mul3A_406 = arith.mulf %dot_general3A_81, %convert_element_type3A_393 : vector<128x80xf32>
        %reduce_sum3A_407 = arith.constant dense<0.000000e+00> : vector<80xf32>
        %reduce_sum3A_408 = vector.multi_reduction <add>, %mul3A_406, %reduce_sum3A_407 [0] : vector<128x80xf32> to vector<80xf32>
        %broadcast_in_dim3A_409 = vector.shape_cast %reduce_sum3A_408 : vector<80xf32> to vector<1x80xf32>
        %sub3A_410 = arith.subf %broadcast_in_dim3A_405, %broadcast_in_dim3A_397 : vector<1x80xf32>
        %add3A_411 = arith.constant 1.000000e+00 : f32
        %add3A_412 = vector.broadcast %add3A_411 : f32 to vector<1x80xf32>
        %add3A_413 = arith.addf %sub3A_410, %add3A_412 : vector<1x80xf32>
        %sub3A_414 = arith.subf %broadcast_in_dim3A_409, %broadcast_in_dim3A_401 : vector<1x80xf32>
        %add3A_415 = arith.constant 1.000000e+00 : f32
        %add3A_416 = vector.broadcast %add3A_415 : f32 to vector<1x80xf32>
        %add3A_417 = arith.addf %sub3A_414, %add3A_416 : vector<1x80xf32>
        %mul3A_418 = arith.mulf %add3A_413, %add3A_417 : vector<1x80xf32>
        %min3A_419 = vector.broadcast %broadcast_in_dim3A_405 : vector<1x80xf32> to vector<128x80xf32>
        %min3A_420 = arith.minimumf %dot_general3A_79, %min3A_419 : vector<128x80xf32>
        %max3A_421 = vector.broadcast %broadcast_in_dim3A_397 : vector<1x80xf32> to vector<128x80xf32>
        %max3A_422 = arith.maximumf %dot_general3A_75, %max3A_421 : vector<128x80xf32>
        %sub3A_423 = arith.subf %min3A_420, %max3A_422 : vector<128x80xf32>
        %add3A_424 = arith.constant 1.000000e+00 : f32
        %add3A_425 = vector.broadcast %add3A_424 : f32 to vector<128x80xf32>
        %add3A_426 = arith.addf %sub3A_423, %add3A_425 : vector<128x80xf32>
        %max3A_427 = arith.constant 0.000000e+00 : f32
        %max3A_428 = vector.broadcast %max3A_427 : f32 to vector<128x80xf32>
        %max3A_429 = arith.maximumf %add3A_426, %max3A_428 : vector<128x80xf32>
        %min3A_430 = vector.broadcast %broadcast_in_dim3A_409 : vector<1x80xf32> to vector<128x80xf32>
        %min3A_431 = arith.minimumf %dot_general3A_81, %min3A_430 : vector<128x80xf32>
        %max3A_432 = vector.broadcast %broadcast_in_dim3A_401 : vector<1x80xf32> to vector<128x80xf32>
        %max3A_433 = arith.maximumf %dot_general3A_77, %max3A_432 : vector<128x80xf32>
        %sub3A_434 = arith.subf %min3A_431, %max3A_433 : vector<128x80xf32>
        %add3A_435 = arith.constant 1.000000e+00 : f32
        %add3A_436 = vector.broadcast %add3A_435 : f32 to vector<128x80xf32>
        %add3A_437 = arith.addf %sub3A_434, %add3A_436 : vector<128x80xf32>
        %max3A_438 = arith.constant 0.000000e+00 : f32
        %max3A_439 = vector.broadcast %max3A_438 : f32 to vector<128x80xf32>
        %max3A_440 = arith.maximumf %add3A_437, %max3A_439 : vector<128x80xf32>
        %mul3A_441 = arith.mulf %max3A_429, %max3A_440 : vector<128x80xf32>
        %add3A_442 = vector.broadcast %mul3A_418 : vector<1x80xf32> to vector<128x80xf32>
        %add3A_443 = arith.addf %mul3A, %add3A_442 : vector<128x80xf32>
        %sub3A_444 = arith.subf %add3A_443, %mul3A_441 : vector<128x80xf32>
        %div3A_445 = arith.divf %mul3A_441, %sub3A_444 : vector<128x80xf32>
        %gt3A_446 = arith.constant 5.000000e-01 : f32
        %gt3A_447 = vector.broadcast %gt3A_446 : f32 to vector<128x80xf32>
        %gt3A_448 = arith.cmpf ogt, %div3A_445, %gt3A_447 : vector<128x80xf32>
        %or3A_449 = arith.ori %gt3A_448, %eq3A_391 : vector<128x80xi1>
        %select_n3A_450 = arith.select %eq3A_391, %select_n3A_375, %select_n3A_373 : vector<128x80xi1>, vector<128x80xf32>
        %broadcast_in_dim3A_451 = vector.broadcast %while3A_100 : f32 to vector<128x80xf32>
        %select_n3A_452 = arith.select %or3A_449, %broadcast_in_dim3A_451, %select_n3A_375 : vector<128x80xi1>, vector<128x80xf32>
        scf.yield %select_n3A_452, %select_n3A_450 : vector<128x80xf32>, vector<128x80xf32>
      }
      %iota3A_102 = tpu.iota {dimensions = array<i32: 1>} : vector<1x128xi32>
      %iota3A_103 = tpu.iota {dimensions = array<i32: 1>} : vector<1x80xi32>
      %iota3A_104 = tpu.iota {dimensions = array<i32: 0>} : vector<80x1xi32>
      %broadcast_in_dim3A_105 = arith.constant 0.000000e+00 : f32
      %broadcast_in_dim3A_106 = vector.broadcast %broadcast_in_dim3A_105 : f32 to vector<1x128xf32>
      %scan3A = arith.constant 0 : i32
      %scan3A_107 = arith.constant 100 : i32
      %scan3A_108 = arith.addi %scan3A, %scan3A_107 : i32
      %scan3A_109 = arith.constant 1 : i32
      %scan3A_110:4 = scf.for %scan3A_150 = %scan3A to %scan3A_108 step %scan3A_109 iter_args(%scan3A_151 = %while3A_101#1, %scan3A_152 = %broadcast_in_dim3A_106, %scan3A_153 = %broadcast_in_dim3A_106, %scan3A_154 = %broadcast_in_dim3A_106) -> (vector<128x80xf32>, vector<1x128xf32>, vector<1x128xf32>, vector<1x128xf32>)  : i32 {
        %reduce_max3A = arith.constant dense<0xFF800000> : vector<80xf32>
        %reduce_max3A_155 = vector.multi_reduction <maximumf>, %scan3A_151, %reduce_max3A [0] : vector<128x80xf32> to vector<80xf32>
        %broadcast_in_dim3A_156 = vector.shape_cast %reduce_max3A_155 : vector<80xf32> to vector<1x80xf32>
        %reduce_max3A_157 = arith.constant dense<0xFF800000> : vector<1xf32>
        %reduce_max3A_158 = vector.multi_reduction <maximumf>, %broadcast_in_dim3A_156, %reduce_max3A_157 [1] : vector<1x80xf32> to vector<1xf32>
        %broadcast_in_dim3A_159 = vector.shape_cast %reduce_max3A_158 : vector<1xf32> to vector<1x1xf32>
        %eq3A_160 = vector.broadcast %broadcast_in_dim3A_159 : vector<1x1xf32> to vector<1x80xf32>
        %eq3A_161 = arith.cmpf oeq, %broadcast_in_dim3A_156, %eq3A_160 : vector<1x80xf32>
        %jit3A_162 = arith.constant 80 : i32
        %broadcast_in_dim3A_163 = vector.broadcast %jit3A_162 : i32 to vector<1x80xi32>
        %select_n3A_164 = arith.select %eq3A_161, %iota3A_103, %broadcast_in_dim3A_163 : vector<1x80xi1>, vector<1x80xi32>
        %reduce_min3A = arith.constant dense<2147483647> : vector<1xi32>
        %reduce_min3A_165 = vector.multi_reduction <minsi>, %select_n3A_164, %reduce_min3A [1] : vector<1x80xi32> to vector<1xi32>
        %broadcast_in_dim3A_166 = vector.shape_cast %reduce_min3A_165 : vector<1xi32> to vector<1x1xi32>
        %eq3A_167 = vector.broadcast %broadcast_in_dim3A_166 : vector<1x1xi32> to vector<128x80xi32>
        %eq3A_168 = arith.cmpi eq, %iota3A_97, %eq3A_167 : vector<128x80xi32>
        %eq3A_169 = vector.broadcast %broadcast_in_dim3A_159 : vector<1x1xf32> to vector<128x80xf32>
        %eq3A_170 = arith.cmpf oeq, %scan3A_151, %eq3A_169 : vector<128x80xf32>
        %and3A = arith.andi %eq3A_168, %eq3A_170 : vector<128x80xi1>
        %jit3A_171 = arith.constant 128 : i32
        %broadcast_in_dim3A_172 = vector.broadcast %jit3A_171 : i32 to vector<128x80xi32>
        %select_n3A_173 = arith.select %and3A, %iota3A_96, %broadcast_in_dim3A_172 : vector<128x80xi1>, vector<128x80xi32>
        %reduce_min3A_174 = vector.shape_cast %select_n3A_173 : vector<128x80xi32> to vector<1x128x80xi32>
        %reduce_min3A_175 = arith.constant dense<2147483647> : vector<1xi32>
        %reduce_min3A_176 = vector.multi_reduction <minsi>, %reduce_min3A_174, %reduce_min3A_175 [1, 2] : vector<1x128x80xi32> to vector<1xi32>
        %reduce_min3A_177 = vector.shape_cast %reduce_min3A_176 : vector<1xi32> to vector<1x1x1xi32>
        %reduce_min3A_178 = vector.extract %reduce_min3A_177[0, 0, 0] : i32 from vector<1x1x1xi32>
        %eq3A_179 = vector.broadcast %reduce_min3A_178 : i32 to vector<128x80xi32>
        %eq3A_180 = arith.cmpi eq, %iota3A_96, %eq3A_179 : vector<128x80xi32>
        %and3A_181 = arith.andi %eq3A_168, %eq3A_180 : vector<128x80xi1>
        %eq3A_182 = vector.broadcast %scan3A_150 : i32 to vector<1x128xi32>
        %eq3A_183 = arith.cmpi eq, %iota3A_102, %eq3A_182 : vector<1x128xi32>
        %convert_element_type3A_184 = arith.extui %eq3A_183 : vector<1x128xi1> to vector<1x128xi32>
        %convert_element_type3A_185 = arith.sitofp %convert_element_type3A_184 : vector<1x128xi32> to vector<1x128xf32>
        %mul3A_186 = vector.broadcast %broadcast_in_dim3A_159 : vector<1x1xf32> to vector<1x128xf32>
        %mul3A_187 = arith.mulf %mul3A_186, %convert_element_type3A_185 : vector<1x128xf32>
        %add3A_188 = arith.addf %scan3A_152, %mul3A_187 : vector<1x128xf32>
        %add3A_189 = arith.constant 1 : i32
        %add3A_190 = vector.broadcast %add3A_189 : i32 to vector<1x1xi32>
        %add3A_191 = arith.addi %broadcast_in_dim3A_166, %add3A_190 : vector<1x1xi32>
        %convert_element_type3A_192 = arith.sitofp %add3A_191 : vector<1x1xi32> to vector<1x1xf32>
        %mul3A_193 = vector.broadcast %convert_element_type3A_192 : vector<1x1xf32> to vector<1x128xf32>
        %mul3A_194 = arith.mulf %mul3A_193, %convert_element_type3A_185 : vector<1x128xf32>
        %add3A_195 = arith.addf %scan3A_153, %mul3A_194 : vector<1x128xf32>
        %convert_element_type3A_196 = arith.sitofp %reduce_min3A_178 : i32 to f32
        %mul3A_197 = vector.broadcast %convert_element_type3A_196 : f32 to vector<1x128xf32>
        %mul3A_198 = arith.mulf %mul3A_197, %convert_element_type3A_185 : vector<1x128xf32>
        %add3A_199 = arith.addf %scan3A_154, %mul3A_198 : vector<1x128xf32>
        %jit3A_200 = arith.constant -3.000000e+00 : f32
        %broadcast_in_dim3A_201 = vector.broadcast %jit3A_200 : f32 to vector<128x80xf32>
        %select_n3A_202 = arith.select %and3A_181, %broadcast_in_dim3A_201, %scan3A_151 : vector<128x80xi1>, vector<128x80xf32>
        scf.yield %select_n3A_202, %add3A_188, %add3A_195, %add3A_199 : vector<128x80xf32>, vector<1x128xf32>, vector<1x128xf32>, vector<1x128xf32>
      }
      %scan3A_111 = arith.constant 100 : i32
      %convert_element_type3A_112 = arith.sitofp %iota3A_104 : vector<80x1xi32> to vector<80x1xf32>
      %sub3A_113 = arith.constant 1.000000e+00 : f32
      %sub3A_114 = vector.broadcast %sub3A_113 : f32 to vector<1x128xf32>
      %sub3A_115 = arith.subf %scan3A_110#2, %sub3A_114 : vector<1x128xf32>
      %eq3A_116 = vector.broadcast %convert_element_type3A_112 : vector<80x1xf32> to vector<80x128xf32>
      %eq3A_117 = vector.broadcast %sub3A_115 : vector<1x128xf32> to vector<80x128xf32>
      %eq3A_118 = arith.cmpf oeq, %eq3A_116, %eq3A_117 : vector<80x128xf32>
      %convert_element_type3A_119 = arith.extui %eq3A_118 : vector<80x128xi1> to vector<80x128xi32>
      %convert_element_type3A_120 = arith.sitofp %convert_element_type3A_119 : vector<80x128xi32> to vector<80x128xf32>
      %iota3A_121 = tpu.iota {dimensions = array<i32: 0>} : vector<128x128xi32>
      %convert_element_type3A_122 = arith.sitofp %iota3A_121 : vector<128x128xi32> to vector<128x128xf32>
      %eq3A_123 = vector.broadcast %scan3A_110#3 : vector<1x128xf32> to vector<128x128xf32>
      %eq3A_124 = arith.cmpf oeq, %convert_element_type3A_122, %eq3A_123 : vector<128x128xf32>
      %convert_element_type3A_125 = arith.extui %eq3A_124 : vector<128x128xi1> to vector<128x128xi32>
      %convert_element_type3A_126 = arith.sitofp %convert_element_type3A_125 : vector<128x128xi32> to vector<128x128xf32>
      %dot_general3A_127 = arith.constant dense<0.000000e+00> : vector<128x128xf32>
      %dot_general3A_128 = tpu.matmul %select_n3A_48, %convert_element_type3A_120, %dot_general3A_127 {dimension_numbers = #tpu.dot_dimension_numbers<[0], [0], [1], [1], [0, 1, 1, 1], [], []>, transpose_lhs_hint = false} : vector<80x128xf32>, vector<80x128xf32>, vector<128x128xf32> -> vector<128x128xf32>
      %mul3A_129 = arith.mulf %dot_general3A_128, %convert_element_type3A_126 : vector<128x128xf32>
      %reduce_sum3A = arith.constant dense<0.000000e+00> : vector<128xf32>
      %reduce_sum3A_130 = vector.multi_reduction <add>, %mul3A_129, %reduce_sum3A [0] : vector<128x128xf32> to vector<128xf32>
      %broadcast_in_dim3A_131 = vector.shape_cast %reduce_sum3A_130 : vector<128xf32> to vector<1x128xf32>
      %dot_general3A_132 = arith.constant dense<0.000000e+00> : vector<128x128xf32>
      %dot_general3A_133 = tpu.matmul %select_n3A_54, %convert_element_type3A_120, %dot_general3A_132 {dimension_numbers = #tpu.dot_dimension_numbers<[0], [0], [1], [1], [0, 1, 1, 1], [], []>, transpose_lhs_hint = false} : vector<80x128xf32>, vector<80x128xf32>, vector<128x128xf32> -> vector<128x128xf32>
      %mul3A_134 = arith.mulf %dot_general3A_133, %convert_element_type3A_126 : vector<128x128xf32>
      %reduce_sum3A_135 = arith.constant dense<0.000000e+00> : vector<128xf32>
      %reduce_sum3A_136 = vector.multi_reduction <add>, %mul3A_134, %reduce_sum3A_135 [0] : vector<128x128xf32> to vector<128xf32>
      %broadcast_in_dim3A_137 = vector.shape_cast %reduce_sum3A_136 : vector<128xf32> to vector<1x128xf32>
      %dot_general3A_138 = arith.constant dense<0.000000e+00> : vector<128x128xf32>
      %dot_general3A_139 = tpu.matmul %select_n3A_60, %convert_element_type3A_120, %dot_general3A_138 {dimension_numbers = #tpu.dot_dimension_numbers<[0], [0], [1], [1], [0, 1, 1, 1], [], []>, transpose_lhs_hint = false} : vector<80x128xf32>, vector<80x128xf32>, vector<128x128xf32> -> vector<128x128xf32>
      %mul3A_140 = arith.mulf %dot_general3A_139, %convert_element_type3A_126 : vector<128x128xf32>
      %reduce_sum3A_141 = arith.constant dense<0.000000e+00> : vector<128xf32>
      %reduce_sum3A_142 = vector.multi_reduction <add>, %mul3A_140, %reduce_sum3A_141 [0] : vector<128x128xf32> to vector<128xf32>
      %broadcast_in_dim3A_143 = vector.shape_cast %reduce_sum3A_142 : vector<128xf32> to vector<1x128xf32>
      %dot_general3A_144 = arith.constant dense<0.000000e+00> : vector<128x128xf32>
      %dot_general3A_145 = tpu.matmul %select_n3A_66, %convert_element_type3A_120, %dot_general3A_144 {dimension_numbers = #tpu.dot_dimension_numbers<[0], [0], [1], [1], [0, 1, 1, 1], [], []>, transpose_lhs_hint = false} : vector<80x128xf32>, vector<80x128xf32>, vector<128x128xf32> -> vector<128x128xf32>
      %mul3A_146 = arith.mulf %dot_general3A_145, %convert_element_type3A_126 : vector<128x128xf32>
      %reduce_sum3A_147 = arith.constant dense<0.000000e+00> : vector<128xf32>
      %reduce_sum3A_148 = vector.multi_reduction <add>, %mul3A_146, %reduce_sum3A_147 [0] : vector<128x128xf32> to vector<128xf32>
      %broadcast_in_dim3A_149 = vector.shape_cast %reduce_sum3A_148 : vector<128xf32> to vector<1x128xf32>
      scf.yield %broadcast_in_dim3A_131, %broadcast_in_dim3A_137, %broadcast_in_dim3A_143, %broadcast_in_dim3A_149, %scan3A_110#1, %scan3A_110#2 : vector<1x128xf32>, vector<1x128xf32>, vector<1x128xf32>, vector<1x128xf32>, vector<1x128xf32>, vector<1x128xf32>
    }
    %swap3A = arith.constant 0 : index
    %swap3A_17 = arith.constant 0 : index
    %swap3A_18 = vector.load %arg11[%swap3A, %swap3A_17] : memref<8x128xf32, #tpu.memory_space<vmem>>, vector<1x128xf32>
    tpu.vector_store %arg11[%swap3A, %swap3A_17], %cond3A_16#0 {strides = array<i32>} : memref<8x128xf32, #tpu.memory_space<vmem>>, vector<1x128xf32>,
    %swap3A_19 = arith.constant 1 : index
    %swap3A_20 = arith.constant 0 : index
    %swap3A_21 = vector.load %arg11[%swap3A_19, %swap3A_20] : memref<8x128xf32, #tpu.memory_space<vmem>>, vector<1x128xf32>
    tpu.vector_store %arg11[%swap3A_19, %swap3A_20], %cond3A_16#1 {strides = array<i32>} : memref<8x128xf32, #tpu.memory_space<vmem>>, vector<1x128xf32>,
    %swap3A_22 = arith.constant 2 : index
    %swap3A_23 = arith.constant 0 : index
    %swap3A_24 = vector.load %arg11[%swap3A_22, %swap3A_23] : memref<8x128xf32, #tpu.memory_space<vmem>>, vector<1x128xf32>
    tpu.vector_store %arg11[%swap3A_22, %swap3A_23], %cond3A_16#2 {strides = array<i32>} : memref<8x128xf32, #tpu.memory_space<vmem>>, vector<1x128xf32>,
    %swap3A_25 = arith.constant 3 : index
    %swap3A_26 = arith.constant 0 : index
    %swap3A_27 = vector.load %arg11[%swap3A_25, %swap3A_26] : memref<8x128xf32, #tpu.memory_space<vmem>>, vector<1x128xf32>
    tpu.vector_store %arg11[%swap3A_25, %swap3A_26], %cond3A_16#3 {strides = array<i32>} : memref<8x128xf32, #tpu.memory_space<vmem>>, vector<1x128xf32>,
    %swap3A_28 = arith.constant 4 : index
    %swap3A_29 = arith.constant 0 : index
    %swap3A_30 = vector.load %arg11[%swap3A_28, %swap3A_29] : memref<8x128xf32, #tpu.memory_space<vmem>>, vector<1x128xf32>
    tpu.vector_store %arg11[%swap3A_28, %swap3A_29], %cond3A_16#4 {strides = array<i32>} : memref<8x128xf32, #tpu.memory_space<vmem>>, vector<1x128xf32>,
    %swap3A_31 = arith.constant 5 : index
    %swap3A_32 = arith.constant 0 : index
    %swap3A_33 = vector.load %arg11[%swap3A_31, %swap3A_32] : memref<8x128xf32, #tpu.memory_space<vmem>>, vector<1x128xf32>
    tpu.vector_store %arg11[%swap3A_31, %swap3A_32], %cond3A_16#5 {strides = array<i32>} : memref<8x128xf32, #tpu.memory_space<vmem>>, vector<1x128xf32>,
    %broadcast_in_dim3A = arith.constant 0.000000e+00 : f32
    %broadcast_in_dim3A_34 = vector.broadcast %broadcast_in_dim3A : f32 to vector<2x128xf32>
    %swap3A_35 = arith.constant 6 : index
    %swap3A_36 = arith.constant 0 : index
    %swap3A_37 = vector.load %arg11[%swap3A_35, %swap3A_36] : memref<8x128xf32, #tpu.memory_space<vmem>>, vector<2x128xf32>
    tpu.vector_store %arg11[%swap3A_35, %swap3A_36], %broadcast_in_dim3A_34 {strides = array<i32>} : memref<8x128xf32, #tpu.memory_space<vmem>>, vector<2x128xf32>,
    return
  }
}

</mosaic_0001>

<sc_bundles>
// kernel: kernel.5.cloned.1.call-start
scs
__scs_entry_jumppad:
0x0: {  	(pc) =	sbr.rel $0x88, $3  }
0x1: {  	(tag) =	ssettag $0x0;
	lr =	simm.s32 $0x1  }
0x2: {  	[smem:$0x3F9E] =	sst lr;
	_ =	strace $0xD0000000  }
0x3: {  	_ = 	snop  }
0x4: {  	_ = 	snop  }
0x5: {  	_ = 	snop  }
0x6: {  	_ = 	snop  }
0x7: {  	_ = 	snop  }
__scs_overlays_trampoline_lowered:
0x8: {  	[smem:$0x3FAD] =	sst s0  }
0x9: {  	[smem:$0x3FAE] =	sst s1  }
0xa: {  	[smem:$0x3FAF] =	sst s2  }
0xb: {  	[smem:$0x3FB0] =	sst s3  }
0xc: {  	[smem:$0x3FB1] =	sst s4  }
0xd: {  	[smem:$0x3FB2] =	sst s5  }
0xe: {  	[smem:$0x3FB3] =	sst s6  }
0xf: {  	[smem:$0x3FB4] =	sst s7  }
0x10: {  	[smem:$0x3FB5] =	sst s8  }
0x11: {  	[smem:$0x3FB6] =	sst s9;
	s0 =	simm.s32 @!p0 $0x0  }
0x12: {  	s1 =	sld [smem:$0x3F9C];
	s0 =	simm.s32 @p0 $0x1  }
0x13: {  	[smem:$0x3FB7] =	sst s0;
	s0 =	simm.s32 @!p1 $0x0  }
0x14: {  	s2 =	sld [smem:$0x3F9B];
	s0 =	simm.s32 @p1 $0x1  }
0x15: {  	[smem:$0x3FB8] =	sst s0;
	s0 =	simm.s32 @!p2 $0x0  }
0x16: {  	s3 =	sld [smem:$0x3FDB];
	s0 =	simm.s32 @p2 $0x1  }
0x17: {  	s4 =	simm.s32 $0x1BF5;
	[smem:$0x3FBA] =	sst s0  }
0x18: {  	s0 =	sld [smem:$0x3F9D];
	_ =	swait.ge [sflag:s4], $0x0  }
0x19: {  	s7 =	sld [smem:$0x3F9E]  }
0x1a: {  	s8 =	sadd.s32 $0xFFFFE003, lr  }
0x1b: {  	s9 =	sadd.s32 $0xFFFFFEF7, lr;
	s5 =	simm.s32 $0xFFFFFFFF;
	p2 =	slt.u32 s8, $0xFFFFF086  }
0x1c: {  	p1 =	slt.u32 s9, $0xF7A;
	s5 =	simm.s32 @!p2 $0x0  }
0x1d: {  	s5 =	simm.s32 @p1 $0x1;
	p0 =	seq.s32 s7, s2  }
0x1e: {  	s7 =	smul.u32 @!p0 $0xF7A, s2;
	p2 =	seq.s32 @!p0 s5, $0x0  }
0x1f: {  	s9 =	smul.u32 $0xF7A, s1;
	s8 =	simm.s32 @!p0 $0x1BF5;
	p2 =	por !p2, p0  }
0x20: {  	[sflag:s8] =	ssyncset.s32 @!p0 $0xFFFFF086;
	s6 =	sadd.s32 @!p0 s3, s7;
	s7 =	simm.s32 @!p0 $0x108  }
0x21: {  	s3 =	sadd.s32 s3, s9;
	s6 =	sadd.s32 @!p0 $0x88, s6;
	s7 =	simm.s32 @p2 $0x1082  }
0x22: {  	[simem:s7], [sflag:s8] =	dma.local @!p0 [hbm:s6], $0xF7A  }
0x23: {  	s9 =	sor.u32 $0xD0000000, s2;
	s6 =	simm.s32 $0x108;
	_ =	swait.ge @!p0 [sflag:s8], $0x0  }
0x24: {  	s3 =	sadd.s32 $0x88, s3;
	s6 =	simm.s32 @!p1 $0x1082;
	[sflag:s4] =	ssyncset.s32 $0xFFFFF086  }
0x25: {  	[simem:s6], [sflag:s4] =	dma.local [hbm:s3], $0xF7A  }
0x26: {  	[smem:$0x3F9E] =	sst s1;
	(tag) =	ssettag s2;
	_ =	strace s9  }
0x27: {  	s1 =	sld [smem:$0x3FAE]  }
0x28: {  	s2 =	sld [smem:$0x3FAF]  }
0x29: {  	s4 =	sld [smem:$0x3FB1]  }
0x2a: {  	p0 =	seq.s32 s5, $0x0;
	s5 =	sld [smem:$0x3FB2]  }
0x2b: {  	s6 =	sld [smem:$0x3FB3]  }
0x2c: {  	s7 =	sld [smem:$0x3FB4]  }
0x2d: {  	s3 =	simm.s32 $0x108;
	s8 =	sld [smem:$0x3FB5]  }
0x2e: {  	s3 =	simm.s32 @!p0 $0x1082;
	s9 =	sld [smem:$0x3FB6]  }
0x2f: {  	lr =	sadd.s32 s0, s3;
	s0 =	sld [smem:$0x3FAD]  }
0x30: {  	s3 =	sld [smem:$0x3FB0]  }
0x31: {  	[smem:$0x3FB9] =	sst s10  }
0x32: {  	s10 =	sld [smem:$0x3FB7];
	_ =	sdelay $0x3  }
0x33: {  	p0 =	seq.s32 s10, $0x1;
	s10 =	sld [smem:$0x3FB9];
	_ =	sdelay $0x3  }
0x34: {  	[smem:$0x3FB9] =	sst s10  }
0x35: {  	s10 =	sld [smem:$0x3FB8];
	_ =	sdelay $0x3  }
0x36: {  	p1 =	seq.s32 s10, $0x1;
	s10 =	sld [smem:$0x3FB9];
	_ =	sdelay $0x3  }
0x37: {  	[smem:$0x3FB9] =	sst s10  }
0x38: {  	s10 =	sld [smem:$0x3FBA]  }
0x39: {  	_ = 	snop;
	(pc) =	sbr.ind lr, $3  }
0x3a: {  	_ = 	snop  }
0x3b: {  	_ = 	snop  }
0x3c: {  	p2 =	seq.s32 s10, $0x1;
	s10 =	sld [smem:$0x3FB9]  }
0x3d: {  	_ =	shalt  }
0x3e: {  	_ =	shalt  }
0x3f: {  	_ =	shalt  }
0x40: {  	_ =	shalt  }
0x41: {  	_ =	shalt  }
0x42: {  	_ =	shalt  }
0x43: {  	_ =	shalt  }
0x44: {  	_ =	shalt  }
0x45: {  	_ =	shalt  }
0x46: {  	_ =	shalt  }
0x47: {  	_ =	shalt  }
0x48: {  	_ =	shalt  }
0x49: {  	_ =	shalt  }
0x4a: {  	_ =	shalt  }
0x4b: {  	_ =	shalt  }
0x4c: {  	_ =	shalt  }
0x4d: {  	_ =	shalt  }
0x4e: {  	_ =	shalt  }
0x4f: {  	_ =	shalt  }
0x50: {  	_ =	shalt  }
0x51: {  	_ =	shalt  }
0x52: {  	_ =	shalt  }
0x53: {  	_ =	shalt  }
0x54: {  	_ =	shalt  }
0x55: {  	_ =	shalt  }
0x56: {  	_ =	shalt  }
0x57: {  	_ =	shalt  }
0x58: {  	_ =	shalt  }
0x59: {  	_ =	shalt  }
0x5a: {  	_ =	shalt  }
0x5b: {  	_ =	shalt  }
0x5c: {  	_ =	shalt  }
0x5d: {  	_ =	shalt  }
0x5e: {  	_ =	shalt  }
0x5f: {  	_ =	shalt  }
0x60: {  	_ =	shalt  }
0x61: {  	_ =	shalt  }
0x62: {  	_ =	shalt  }
0x63: {  	_ =	shalt  }
0x64: {  	_ =	shalt  }
0x65: {  	_ =	shalt  }
0x66: {  	_ =	shalt  }
0x67: {  	_ =	shalt  }
0x68: {  	_ =	shalt  }
0x69: {  	_ =	shalt  }
0x6a: {  	_ =	shalt  }
0x6b: {  	_ =	shalt  }
0x6c: {  	_ =	shalt  }
0x6d: {  	_ =	shalt  }
0x6e: {  	_ =	shalt  }
0x6f: {  	_ =	shalt  }
0x70: {  	_ =	shalt  }
0x71: {  	_ =	shalt  }
0x72: {  	_ =	shalt  }
0x73: {  	_ =	shalt  }
0x74: {  	_ =	shalt  }
0x75: {  	_ =	shalt  }
0x76: {  	_ =	shalt  }
0x77: {  	_ =	shalt  }
0x78: {  	_ =	shalt  }
0x79: {  	_ =	shalt  }
0x7a: {  	_ =	shalt  }
0x7b: {  	_ =	shalt  }
0x7c: {  	_ =	shalt  }
0x7d: {  	_ =	shalt  }
0x7e: {  	_ =	shalt  }
0x7f: {  	_ =	shalt  }
0x80: {  	_ =	shalt  }
0x81: {  	_ =	shalt  }
0x82: {  	_ =	shalt  }
0x83: {  	_ =	shalt  }
0x84: {  	_ =	shalt  }
0x85: {  	_ =	shalt  }
0x86: {  	_ =	shalt  }
0x87: {  	_ =	shalt  }
.Lfunc_end0:
.L_simem_size_0:
called_computation_lowered:
.L_overlay_start_0:
0x88: {  	s2 =	sld [smem:$0x3FD9]  }
0x89: {  	s3 =	sld [smem:$0x3FFE];
	_ =	sdelay $0x1  }
0x8a: {  	s1 =	srdreg.scid  }
0x8b: {  	s0 =	sand.u32 $0x1, s1  }
0x8c: {  	s16 =	sshll.u32 s0, $0xA;
	s2 =	sadd.s32 s3, s2  }
0x8d: {  	s2 =	sadd.s32 s2, s16  }
0x8e: {  	[smem:$0x3FC5] =	sst s2  }
0x8f: {  	_ = 	snop  }
0x90: {  	(tm) =	ssettm $0x1  }
0x91: {  	s17 =	sld [smem:$0x3FFB];
	_ =	sdelay $0x3  }
0x92: {  	_ =	strace s17  }
0x93: {  	s2 =	sld [smem:$0x3FFC];
	_ =	sdelay $0x3  }
0x94: {  	_ =	strace s2  }
0x95: {  	s2 =	sld [smem:$0x3FFD];
	_ =	sdelay $0x3  }
0x96: {  	_ =	strace s2  }
0x97: {  	_ =	strace $0x8FFFFFFF  }
0x98: {  	s18 =	sld [smem:$0x3FDB];
	_ =	sdelay $0x1  }
0x99: {  	s19 =	simm.s32 $_scs_section_size  }
0x9a: {  	s4 =	simm.s32 $_size__tile_overlayer_lowered;
	s5 =	simm.s32 $_tile_overlayer_lowered  }
0x9b: {  	s22 =	simm.s32 $0x1BFF;
	s21 =	sshll.u32 s5, $0x1;
	s2 =	sadd.s32 s19, s18  }
0x9c: {  	s6 =	simm.s32 $0x0;
	s20 =	sshll.u32 s4, $0x1;
	s4 =	sadd.s32 s21, s2  }
0x9d: {  	[timem:s6], [sflag:s22] =	dma.local [hbm:s4], s20  }
0x9e: {  	_ =	swait.ge [sflag:s22], s20  }
0x9f: {  	s3 =	ssub.s32 $0x0, s20;
	[sflag:s22] =	ssyncset.done $0x0  }
0xa0: {  	[sflag:s22] =	ssyncadd.s32 s3;
	_ =	sdelay $0x1  }
0xa1: {  	s23 =	simm.s32 $0x1B8B  }
0xa2: {  	_ =	swait.ge [sflag:s23], $0x1  }
0xa3: {  	[sflag:s23] =	ssyncset.done $0x0  }
0xa4: {  	s25 =	simm.s32 $0x1B8E;
	s24 =	sld [smem:$0x3FFE];
	[sflag:s23] =	ssyncadd.s32 $0xFFFFFFFF  }
0xa5: {  	s26 =	simm.s32 $execute0_lowered;
	[smem:$0x3FD2] =	sst s25  }
0xa6: {  	s4 =	sshll.u32 s26, $0x1;
	_ =	strace $0x80000046;
	[dreg:$0x1] =	wrdreg $0xFFFFFFFF  }
0xa7: {  	s28 =	simm.s32 $_size_execute0_lowered;
	s2 =	sadd.s32 s2, s4;
	[dreg:$0x0] =	wrdreg $0x0  }
0xa8: {  	s4 =	sshll.u32 s28, $0x1;
	[dreg:$0x2] =	wrdreg s2  }
0xa9: {  	[dreg:$0x3] =	wrdreg s4  }
0xaa: {  	[dreg:$0x4] =	wrdreg $0xC0  }
0xab: {  	_ =	task [dreg:s6], $0x5FFFF  }
0xac: {  	[dreg:$0x1] =	wrdreg $0xFFFFFFFF  }
0xad: {  	[dreg:$0x0] =	wrdreg $0x60  }
0xae: {  	[dreg:$0x2] =	wrdreg s24  }
0xaf: {  	[dreg:$0x3] =	wrdreg $0x9  }
0xb0: {  	_ =	task.clear_ibuf [dreg:s6], $0x4FFFF;
	_ =	strace $0x90000046  }
0xb1: {  	s29 =	simm.s32 $0x9;
	_ =	strace $0x80000048  }
0xb2: {  	_ =	swait.ge [sflag:s29], $0x1  }
0xb3: {  	[sflag:s29] =	ssyncadd.s32 $0xFFFFFFFF  }
0xb4: {  	_ =	strace $0x90000048  }
0xb5: {  	_ =	sfence  }
0xb6: {  	s30 =	sld [smem:$0x0];
	_ =	sdelay $0x2  }
0xb7: {  	s31 =	sshll.u32 s1, $0xD;
	s1 =	sshrl.u32 s1, $0x2  }
0xb8: {  	s3 =	sand.u32 $0x4000, s31;
	s1 =	sadd.s32 s1, s30  }
0xb9: {  	s0 =	sor.u32 s3, s0;
	s1 =	sshll.u32 s1, $0x11  }
0xba: {  	s0 =	sor.u32 s1, s0  }
0xbb: {  	s0 =	sadd.s32 $0x8F2B, s0  }
0xbc: {  	[sflag:s0] =	ssyncadd.remote.s32 $0x1  }
0xbd: {  	_ =	sfence.sel $0xFFFF  }
0xbe: {  	[dreg:$0x0] =	wrdreg $0xFFFFFFFF;
	(pc) =	sbr.abs _section_cstart, $3  }
0xbf: {  	[dreg:$0x1] =	wrdreg $0xFFFFFFFF  }
0xc0: {  	_ =	task.clear_ibuf [dreg:s6], $0x2FFFF;
	_ =	strace $0x9FFFFFFF  }
0xc1: {  	(tm) =	ssettm $0x7FFFFFFF  }
tec
execute0_lowered:
.L_overlay_start_1:
0x0: {  	(tag) =	ssettag $0x1  }
0x1: {  	s1 =	rddreg [dreg:$0x0]  }
0x2: {  	s0 =	simm.s32 $0x0;
	s5 =	srdreg.scid;
	s28 =	stileid.u32  }
0x3: {  	s31 =	simm.s32 $0x400;
	[smem:$0x7FF] =	sst s0;
	s2 =	sadd.s32 $0x3600, s1  }
0x4: {  	s3 =	sadd.s32 $0x5E00, s1;
	s4 =	sadd.s32 $0x8600, s1;
	s6 =	sadd.s32 $0xAE00, s1  }
0x5: {  	s5 =	sand.u32 $0x1, s5;
	s7 =	sshll.u32 s28, $0x8;
	s8 =	sshrl.u32 s28, $0x2  }
0x6: {  	s12 =	sadd.s32 $0xD600, s1;
	s9 =	sshll.u32 s5, $0x7;
	s7 =	sand.u32 $0x300, s7  }
0x7: {  	s13 =	sadd.s32 $0xFE00, s1;
	s14 =	sshll.u32 s8, $0xD;
	s7 =	sor.u32 s9, s7  }
0x8: {  	p0 =	sgt.u32 s28, $0x7;
	s5 =	ssub.s32 $0x2, s5;
	s9 =	sor.u32 s14, s7  }
0x9: {  	s28 =	simm.s32 $0x1;
	s10 =	sshrl.u32 s5, $0x1;
	s9 =	sshrl.u32 s9, $0x3  }
0xa: {  	s14 =	sadd.s32 $0x10400, s1;
	s5 =	ssub.s32 s5, s10;
	s15 =	sadd.s32 s2, s9  }
0xb: {  	s16 =	sadd.s32 s3, s9;
	[dreg:$0x2] =	wrdreg s15;
	s15 =	sor.u32 $0x4, s8  }
0xc: {  	s17 =	sadd.s32 s4, s9;
	[dreg:$0x3] =	wrdreg s16;
	s18 =	sshll.u32 s15, $0xD  }
0xd: {  	s11 =	sadd.s32 s6, s9;
	[dreg:$0x4] =	wrdreg s17;
	s10 =	sor.u32 s7, s18  }
0xe: {  	s9 =	sadd.s32 s12, s9;
	[dreg:$0x5] =	wrdreg s11;
	s19 =	sshrl.u32 s10, $0x3  }
0xf: {  	s16 =	sor.u32 $0x8, s8;
	[dreg:$0x6] =	wrdreg s9;
	s21 =	sadd.s32 s2, s19  }
0x10: {  	s20 =	sshll.u32 s16, $0xD;
	s22 =	sadd.s32 s3, s19;
	[dreg:$0x7] =	wrdreg s21  }
0x11: {  	s23 =	sor.u32 s7, s20;
	s24 =	sadd.s32 s4, s19;
	[dreg:$0x8] =	wrdreg s22  }
0x12: {  	s17 =	sshrl.u32 s23, $0x3;
	s25 =	sadd.s32 s6, s19;
	[dreg:$0x9] =	wrdreg s24  }
0x13: {  	s9 =	sshll.u32 s8, $0xA;
	s2 =	sadd.s32 s2, s17;
	[dreg:$0xa] =	wrdreg s25  }
0x14: {  	s10 =	sshll.u32 s15, $0xA;
	s26 =	sadd.s32 s3, s17;
	[dreg:$0xb] =	wrdreg s2  }
0x15: {  	s15 =	sadd.s32 $0x11C00, s1;
	s3 =	sadd.s32 s4, s17;
	[dreg:$0xc] =	wrdreg s26  }
0x16: {  	s11 =	sadd.s32 s12, s19;
	s4 =	sadd.s32 s6, s17;
	[dreg:$0xd] =	wrdreg s3  }
0x17: {  	s6 =	sadd.s32 s12, s17;
	s12 =	sshll.u32 s16, $0xA;
	[dreg:$0xe] =	wrdreg s4  }
0x18: {  	s16 =	sadd.s32 $0x11000, s1;
	[dreg:$0xf] =	wrdreg s6;
	s2 =	sadd.s32 $0x10A00, s1  }
0x19: {  	s3 =	sor.u32 s9, s7;
	s4 =	sor.u32 s7, s10;
	s6 =	sor.u32 s7, s12  }
0x1a: {  	s1 =	sadd.s32 $0x11600, s1;
	s7 =	simm.s32 $0x0;
	s3 =	sshrl.u32 s3, $0x3  }
0x1b: {  	s9 =	sshrl.u32 s4, $0x3;
	s10 =	sshrl.u32 s6, $0x3;
	s4 =	simm.s32 $0x2180  }
0x1c: {  	s6 =	simm.s32 $0x2A80;
	s17 =	sadd.s32 s15, s3;
	s18 =	sadd.s32 s13, s3  }
0x1d: {  	s19 =	sadd.s32 s14, s3;
	s20 =	sadd.s32 s2, s3;
	s21 =	sadd.s32 s16, s3  }
0x1e: {  	s22 =	sadd.s32 s1, s3;
	s23 =	sadd.s32 s15, s9;
	s24 =	sadd.s32 s13, s9  }
0x1f: {  	s25 =	sadd.s32 s14, s9;
	s26 =	sadd.s32 s2, s9;
	s12 =	sadd.s32 s15, s10  }
0x20: {  	s29 =	sadd.s32 s16, s9;
	s13 =	sadd.s32 s13, s10;
	[dreg:$0x10] =	wrdreg s12  }
0x21: {  	s30 =	sadd.s32 s1, s9;
	s15 =	sadd.s32 s14, s10;
	[dreg:$0x11] =	wrdreg s13  }
0x22: {  	s2 =	sadd.s32 s2, s10;
	s16 =	sadd.s32 s16, s10;
	[dreg:$0x12] =	wrdreg s15  }
.Ltmp0:
0x23: {  	s1 =	sadd.s32 s1, s10;
	[dreg:$0x13] =	wrdreg s2;
	(pc) =	sbr.rel .LBB2_1-.Ltmp0, $4  }
0x24: {  	s14 =	simm.s32 $0x1400;
	s3 =	simm.s32 $0x1D00;
	[dreg:$0x14] =	wrdreg s16  }
0x25: {  	[dreg:$0x15] =	wrdreg s1;
	s15 =	smax.u32 s5, $0x1;
	s16 =	simm.s32 $0x80  }
0x26: {  	s1 =	simm.s32 $0x800;
	s12 =	simm.s32 $0xC00;
	s13 =	simm.s32 $0x1000  }
0x27: {  	v0 =	vimm.s32 $0x0;
	s2 =	simm.s32 $0x1880;
	s5 =	simm.s32 $0x2600;
	_ =	strace $0x80000047  }
.LBB2_8:
0x28: {  	_ =	sdelay $0x4  }
0x29: {  	s8 =	sshra.s32 s8, $0x2;
	[tilespmem:v3+s5+$0x0] =	vst.idx.msk vm0, v4  }
0x2a: {  	v3 =	vld [tilespmem:s8+$0x0];
	_ =	sdelay $0x4  }
0x2b: {  	vm15 =	vgt.f32 v3, $5.000000070e-02  }
0x2c: {  	v62 =	vsel vm15, $0x1, v0  }
0x2d: {  	(xrf0) =	vadd.scan.msk.s32 $0xffff, v62;
	_ =	sdelay $0x5  }
0x2e: {  	v4, _, _ =	vpop (xrf0)  }
0x2f: {  	v2 =	vadd.s32 v4, v2  }
0x30: {  	v2 =	vadd.s32 $0xFFFFFFFF, v2;
	_ =	sdelay $0x4  }
0x31: {  	[tilespmem:v2+s14+$0x0] =	vst.idx.msk vm15, v3  }
0x32: {  	v3 =	vld [tilespmem:s8+$0x400];
	_ =	sdelay $0x4  }
0x33: {  	[tilespmem:v2+s2+$0x0] =	vst.idx.msk vm15, v3  }
0x34: {  	v3 =	vld [tilespmem:s8+$0x800];
	_ =	sdelay $0x4  }
0x35: {  	[tilespmem:v2+s3+$0x0] =	vst.idx.msk vm15, v3  }
0x36: {  	v3 =	vld [tilespmem:s8+$0xC00];
	_ =	sdelay $0x4  }
0x37: {  	[tilespmem:v2+s4+$0x0] =	vst.idx.msk vm15, v3  }
0x38: {  	v3 =	vld [tilespmem:s8+$0x1000];
	_ =	sdelay $0x2  }
0x39: {  	v63 =	vmpcnt.ones.xlane vm15;
	_ =	sdelay $0x1  }
0x3a: {  	v1 =	vadd.s32 v1, v63;
	[tilespmem:v2+s5+$0x0] =	vst.idx.msk vm15, v3  }
0x3b: {  	s9 =	rddreg [dreg:$0x10];
	[tilespmem:$0x2A80] =	vst v1  }
0x3c: {  	[hbm4b:s9+s0] =	stream.linear.scatter [tilespmem:s6], [sflag:$0x1], $0x80, $0x38;
	[tilespmem:$0x2B00] =	vst v63  }
0x3d: {  	_ =	swait.ge [sflag:s28], $0x80  }
0x3e: {  	[sflag:s28] =	ssyncset.done $0x0  }
0x3f: {  	s10 =	rddreg [dreg:$0x11];
	[sflag:s28] =	ssyncadd.s32 $0xFFFFFF80  }
0x40: {  	[hbm4b:s10+s0] =	stream.linear.scatter [tilespmem:s14], [sflag:$0x1], $0x80, $0x38;
	[tilespmem:$0x2B00] =	vst v63  }
0x41: {  	_ =	swait.ge [sflag:s28], $0x80  }
0x42: {  	[sflag:s28] =	ssyncset.done $0x0  }
0x43: {  	s9 =	rddreg [dreg:$0x12];
	[sflag:s28] =	ssyncadd.s32 $0xFFFFFF80  }
0x44: {  	[hbm4b:s9+s0] =	stream.linear.scatter [tilespmem:s2], [sflag:$0x1], $0x80, $0x38;
	[tilespmem:$0x2B00] =	vst v63  }
0x45: {  	_ =	swait.ge [sflag:s28], $0x80  }
0x46: {  	[sflag:s28] =	ssyncset.done $0x0  }
0x47: {  	s10 =	rddreg [dreg:$0x13];
	[sflag:s28] =	ssyncadd.s32 $0xFFFFFF80  }
0x48: {  	[hbm4b:s10+s0] =	stream.linear.scatter [tilespmem:s3], [sflag:$0x1], $0x80, $0x38;
	[tilespmem:$0x2B00] =	vst v63  }
0x49: {  	_ =	swait.ge [sflag:s28], $0x80  }
0x4a: {  	[sflag:s28] =	ssyncset.done $0x0  }
0x4b: {  	s9 =	rddreg [dreg:$0x14];
	[sflag:s28] =	ssyncadd.s32 $0xFFFFFF80  }
0x4c: {  	[hbm4b:s9+s0] =	stream.linear.scatter [tilespmem:s4], [sflag:$0x1], $0x80, $0x38;
	[tilespmem:$0x2B00] =	vst v63  }
0x4d: {  	_ =	swait.ge [sflag:s28], $0x80  }
0x4e: {  	[sflag:s28] =	ssyncset.done $0x0  }
0x4f: {  	s10 =	rddreg [dreg:$0x15];
	[sflag:s28] =	ssyncadd.s32 $0xFFFFFF80  }
0x50: {  	[hbm4b:s10+s0] =	stream.linear.scatter [tilespmem:s5], [sflag:$0x1], $0x80, $0x38;
	[tilespmem:$0x2B00] =	vst v63  }
0x51: {  	_ =	swait.ge [sflag:s28], $0x80  }
0x52: {  	[sflag:s28] =	ssyncset.done $0x0  }
0x53: {  	[sflag:s28] =	ssyncadd.s32 $0xFFFFFF80  }
.LBB2_9:
0x54: {  	s7 =	sadd.s32 $0x1, s7  }
0x55: {  	p1 =	sne.s32 s7, s15  }
.Ltmp1:
0x56: {  	_ = 	snop;
	(pc) =	sbr.rel @!p1 .LBB2_10-.Ltmp1, $1  }
0x57: {  	_ =	sdelay $0x3  }
.LBB2_1:
0x58: {  	s8 =	rddreg [dreg:$0x2]  }
0x59: {  	[tilespmem:s0], [sflag:$0x1] =	stream.strided.gather [hbm4b:s8+s16], $0x400, s31, s16, $0x38;
	[tilespmem:$0x2B00] =	vst v63  }
0x5a: {  	_ =	swait.ge [sflag:s28], $0x400  }
0x5b: {  	[sflag:s28] =	ssyncset.done $0x0  }
0x5c: {  	s9 =	rddreg [dreg:$0x3];
	[sflag:s28] =	ssyncadd.s32 $0xFFFFFC00  }
0x5d: {  	[tilespmem:s31], [sflag:$0x1] =	stream.strided.gather [hbm4b:s9+s16], $0x400, s31, s16, $0x38;
	[tilespmem:$0x2B00] =	vst v63  }
0x5e: {  	_ =	swait.ge [sflag:s28], $0x400  }
0x5f: {  	[sflag:s28] =	ssyncset.done $0x0  }
0x60: {  	s10 =	rddreg [dreg:$0x4];
	[sflag:s28] =	ssyncadd.s32 $0xFFFFFC00  }
0x61: {  	[tilespmem:s1], [sflag:$0x1] =	stream.strided.gather [hbm4b:s10+s16], $0x400, s31, s16, $0x38;
	[tilespmem:$0x2B00] =	vst v63  }
0x62: {  	_ =	swait.ge [sflag:s28], $0x400  }
0x63: {  	[sflag:s28] =	ssyncset.done $0x0  }
0x64: {  	s9 =	rddreg [dreg:$0x5];
	[sflag:s28] =	ssyncadd.s32 $0xFFFFFC00  }
0x65: {  	[tilespmem:s12], [sflag:$0x1] =	stream.strided.gather [hbm4b:s9+s16], $0x400, s31, s16, $0x38;
	[tilespmem:$0x2B00] =	vst v63  }
0x66: {  	_ =	swait.ge [sflag:s28], $0x400  }
0x67: {  	[sflag:s28] =	ssyncset.done $0x0  }
0x68: {  	s10 =	rddreg [dreg:$0x6];
	[sflag:s28] =	ssyncadd.s32 $0xFFFFFC00  }
0x69: {  	[tilespmem:s13], [sflag:$0x1] =	stream.strided.gather [hbm4b:s10+s16], $0x400, s31, s16, $0x38;
	[tilespmem:$0x2B00] =	vst v63  }
0x6a: {  	_ =	swait.ge [sflag:s28], $0x400  }
0x6b: {  	[sflag:s28] =	ssyncset.done $0x0  }
0x6c: {  	s10 =	simm.s32 $0x0;
	[sflag:s28] =	ssyncadd.s32 $0xFFFFFC00  }
0x6d: {  	v1 =	vld [tilespmem:s10+$0x0];
	_ =	sdelay $0x4  }
0x6e: {  	vm0 =	vgt.f32 v1, $5.000000070e-02  }
0x6f: {  	v2 =	vsel vm0, $0x1, v0  }
0x70: {  	(xrf0) =	vadd.scan.msk.s32 $0xffff, v2;
	_ =	sdelay $0x5  }
0x71: {  	v2, _, _ =	vpop (xrf0)  }
0x72: {  	v2 =	vadd.s32 v2, v0  }
0x73: {  	v3 =	vadd.s32 $0xFFFFFFFF, v2;
	_ =	sdelay $0x4  }
0x74: {  	[tilespmem:v3+s14+$0x0] =	vst.idx.msk vm0, v1  }
0x75: {  	v1 =	vld [tilespmem:s10+$0x400];
	_ =	sdelay $0x4  }
0x76: {  	[tilespmem:v3+s2+$0x0] =	vst.idx.msk vm0, v1  }
0x77: {  	v1 =	vld [tilespmem:s10+$0x800];
	_ =	sdelay $0x4  }
0x78: {  	[tilespmem:v3+s3+$0x0] =	vst.idx.msk vm0, v1  }
0x79: {  	v2 =	vld [tilespmem:s10+$0xC00];
	_ =	sdelay $0x2  }
0x7a: {  	v1 =	vmpcnt.ones.xlane vm0;
	_ =	sdelay $0x1  }
0x7b: {  	v1 =	vadd.s32 v0, v1;
	[tilespmem:v3+s4+$0x0] =	vst.idx.msk vm0, v2  }
0x7c: {  	s8 =	simm.s32 $0x40;
	s9 =	simm.s32 $0x80;
	v2 =	vmov v1;
	v4 =	vld [tilespmem:s10+$0x1000]  }
.LBB2_2:
0x7d: {  	_ =	sdelay $0x2  }
0x7e: {  	p1 =	sne.s32 s9, $0xFC0  }
0x7f: {  	s10 =	sshra.s32 s8, $0x2;
	s8 =	smov.u32 s9;
	s9 =	sadd.s32 $0x40, s9;
	[tilespmem:v3+s5+$0x0] =	vst.idx.msk vm0, v4  }
0x80: {  	v4 =	vld [tilespmem:s10+$0x0];
	_ =	sdelay $0x4  }
0x81: {  	vm0 =	vgt.f32 v4, $5.000000070e-02  }
0x82: {  	v3 =	vsel vm0, $0x1, v0;
	v5 =	vmpcnt.ones.xlane vm0  }
0x83: {  	(xrf0) =	vadd.scan.msk.s32 $0xffff, v3  }
0x84: {  	v1 =	vadd.s32 v1, v5;
	_ =	sdelay $0x4  }
0x85: {  	v3, _, _ =	vpop (xrf0)  }
0x86: {  	v3 =	vadd.s32 v3, v2;
	v2 =	vmov v1  }
0x87: {  	v3 =	vadd.s32 $0xFFFFFFFF, v3;
	_ =	sdelay $0x4  }
0x88: {  	[tilespmem:v3+s14+$0x0] =	vst.idx.msk vm0, v4  }
0x89: {  	v4 =	vld [tilespmem:s10+$0x400];
	_ =	sdelay $0x4  }
0x8a: {  	[tilespmem:v3+s2+$0x0] =	vst.idx.msk vm0, v4  }
0x8b: {  	v4 =	vld [tilespmem:s10+$0x800];
	_ =	sdelay $0x4  }
0x8c: {  	[tilespmem:v3+s3+$0x0] =	vst.idx.msk vm0, v4  }
0x8d: {  	v4 =	vld [tilespmem:s10+$0xC00];
	_ =	sdelay $0x1  }
.Ltmp2:
0x8e: {  	(pc) =	sbr.rel @p1 .LBB2_2-.Ltmp2, $3  }
0x8f: {  	_ =	sdelay $0x1  }
0x90: {  	[tilespmem:v3+s4+$0x0] =	vst.idx.msk vm0, v4  }
0x91: {  	v4 =	vld [tilespmem:s10+$0x1000]  }
0x92: {  	_ =	sdelay $0x4  }
0x93: {  	s8 =	sshra.s32 s8, $0x2;
	[tilespmem:v3+s5+$0x0] =	vst.idx.msk vm0, v4  }
0x94: {  	v3 =	vld [tilespmem:s8+$0x0];
	_ =	sdelay $0x4  }
0x95: {  	vm0 =	vgt.f32 v3, $5.000000070e-02  }
0x96: {  	v4 =	vsel vm0, $0x1, v0  }
0x97: {  	(xrf0) =	vadd.scan.msk.s32 $0xffff, v4;
	_ =	sdelay $0x5  }
0x98: {  	v4, _, _ =	vpop (xrf0)  }
0x99: {  	v2 =	vadd.s32 v4, v2  }
0x9a: {  	v2 =	vadd.s32 $0xFFFFFFFF, v2;
	_ =	sdelay $0x4  }
0x9b: {  	[tilespmem:v2+s14+$0x0] =	vst.idx.msk vm0, v3  }
0x9c: {  	v3 =	vld [tilespmem:s8+$0x400];
	_ =	sdelay $0x4  }
0x9d: {  	[tilespmem:v2+s2+$0x0] =	vst.idx.msk vm0, v3  }
0x9e: {  	v3 =	vld [tilespmem:s8+$0x800];
	_ =	sdelay $0x4  }
0x9f: {  	[tilespmem:v2+s3+$0x0] =	vst.idx.msk vm0, v3  }
0xa0: {  	v3 =	vld [tilespmem:s8+$0xC00];
	_ =	sdelay $0x4  }
0xa1: {  	[tilespmem:v2+s4+$0x0] =	vst.idx.msk vm0, v3  }
0xa2: {  	v3 =	vld [tilespmem:s8+$0x1000];
	_ =	sdelay $0x2  }
0xa3: {  	v4 =	vmpcnt.ones.xlane vm0;
	_ =	sdelay $0x1  }
0xa4: {  	v1 =	vadd.s32 v1, v4;
	[tilespmem:v2+s5+$0x0] =	vst.idx.msk vm0, v3  }
0xa5: {  	s10 =	simm.s32 $0x0;
	[tilespmem:$0x2A80] =	vst v1  }
0xa6: {  	[hbm4b:s17+s10] =	stream.linear.scatter [tilespmem:s6], [sflag:$0x1], $0x80, $0x38;
	[tilespmem:$0x2B00] =	vst v63  }
0xa7: {  	_ =	swait.ge [sflag:s28], $0x80  }
0xa8: {  	[sflag:s28] =	ssyncset.done $0x0  }
0xa9: {  	[sflag:s28] =	ssyncadd.s32 $0xFFFFFF80  }
0xaa: {  	[hbm4b:s18+s10] =	stream.linear.scatter [tilespmem:s14], [sflag:$0x1], $0x80, $0x38;
	[tilespmem:$0x2B00] =	vst v63  }
0xab: {  	_ =	swait.ge [sflag:s28], $0x80  }
0xac: {  	[sflag:s28] =	ssyncset.done $0x0  }
0xad: {  	[sflag:s28] =	ssyncadd.s32 $0xFFFFFF80  }
0xae: {  	[hbm4b:s19+s10] =	stream.linear.scatter [tilespmem:s2], [sflag:$0x1], $0x80, $0x38;
	[tilespmem:$0x2B00] =	vst v63  }
0xaf: {  	_ =	swait.ge [sflag:s28], $0x80  }
0xb0: {  	[sflag:s28] =	ssyncset.done $0x0  }
0xb1: {  	[sflag:s28] =	ssyncadd.s32 $0xFFFFFF80  }
0xb2: {  	[hbm4b:s20+s10] =	stream.linear.scatter [tilespmem:s3], [sflag:$0x1], $0x80, $0x38;
	[tilespmem:$0x2B00] =	vst v63  }
0xb3: {  	_ =	swait.ge [sflag:s28], $0x80  }
0xb4: {  	[sflag:s28] =	ssyncset.done $0x0  }
0xb5: {  	[sflag:s28] =	ssyncadd.s32 $0xFFFFFF80  }
0xb6: {  	[hbm4b:s21+s10] =	stream.linear.scatter [tilespmem:s4], [sflag:$0x1], $0x80, $0x38;
	[tilespmem:$0x2B00] =	vst v63  }
0xb7: {  	_ =	swait.ge [sflag:s28], $0x80  }
0xb8: {  	[sflag:s28] =	ssyncset.done $0x0  }
0xb9: {  	[sflag:s28] =	ssyncadd.s32 $0xFFFFFF80  }
0xba: {  	[hbm4b:s22+s10] =	stream.linear.scatter [tilespmem:s5], [sflag:$0x1], $0x80, $0x38;
	[tilespmem:$0x2B00] =	vst v63  }
0xbb: {  	_ =	swait.ge [sflag:s28], $0x80  }
0xbc: {  	[sflag:s28] =	ssyncset.done $0x0  }
0xbd: {  	s9 =	rddreg [dreg:$0x7];
	[sflag:s28] =	ssyncadd.s32 $0xFFFFFF80  }
0xbe: {  	[tilespmem:s10], [sflag:$0x1] =	stream.strided.gather [hbm4b:s9+s16], $0x400, s31, s16, $0x38;
	[tilespmem:$0x2B00] =	vst v63  }
0xbf: {  	_ =	swait.ge [sflag:s28], $0x400  }
0xc0: {  	[sflag:s28] =	ssyncset.done $0x0  }
0xc1: {  	s10 =	rddreg [dreg:$0x8];
	[sflag:s28] =	ssyncadd.s32 $0xFFFFFC00  }
0xc2: {  	[tilespmem:s31], [sflag:$0x1] =	stream.strided.gather [hbm4b:s10+s16], $0x400, s31, s16, $0x38;
	[tilespmem:$0x2B00] =	vst v63  }
0xc3: {  	_ =	swait.ge [sflag:s28], $0x400  }
0xc4: {  	[sflag:s28] =	ssyncset.done $0x0  }
0xc5: {  	s9 =	rddreg [dreg:$0x9];
	[sflag:s28] =	ssyncadd.s32 $0xFFFFFC00  }
0xc6: {  	[tilespmem:s1], [sflag:$0x1] =	stream.strided.gather [hbm4b:s9+s16], $0x400, s31, s16, $0x38;
	[tilespmem:$0x2B00] =	vst v63  }
0xc7: {  	_ =	swait.ge [sflag:s28], $0x400  }
0xc8: {  	[sflag:s28] =	ssyncset.done $0x0  }
0xc9: {  	s10 =	rddreg [dreg:$0xa];
	[sflag:s28] =	ssyncadd.s32 $0xFFFFFC00  }
0xca: {  	[tilespmem:s12], [sflag:$0x1] =	stream.strided.gather [hbm4b:s10+s16], $0x400, s31, s16, $0x38;
	[tilespmem:$0x2B00] =	vst v63  }
0xcb: {  	_ =	swait.ge [sflag:s28], $0x400  }
0xcc: {  	[sflag:s28] =	ssyncset.done $0x0  }
0xcd: {  	[sflag:s28] =	ssyncadd.s32 $0xFFFFFC00  }
0xce: {  	[tilespmem:s13], [sflag:$0x1] =	stream.strided.gather [hbm4b:s11+s16], $0x400, s31, s16, $0x38;
	[tilespmem:$0x2B00] =	vst v63  }
0xcf: {  	_ =	swait.ge [sflag:s28], $0x400  }
0xd0: {  	[sflag:s28] =	ssyncset.done $0x0  }
0xd1: {  	s10 =	simm.s32 $0x0;
	[sflag:s28] =	ssyncadd.s32 $0xFFFFFC00  }
0xd2: {  	v1 =	vld [tilespmem:s10+$0x0];
	_ =	sdelay $0x4  }
0xd3: {  	vm0 =	vgt.f32 v1, $5.000000070e-02  }
0xd4: {  	v2 =	vsel vm0, $0x1, v0  }
0xd5: {  	(xrf0) =	vadd.scan.msk.s32 $0xffff, v2;
	_ =	sdelay $0x5  }
0xd6: {  	v2 =	vimm.s32 $0x0;
	v3, _, _ =	vpop (xrf0)  }
0xd7: {  	v3 =	vadd.s32 v3, v2  }
0xd8: {  	v3 =	vadd.s32 $0xFFFFFFFF, v3;
	_ =	sdelay $0x4  }
0xd9: {  	[tilespmem:v3+s14+$0x0] =	vst.idx.msk vm0, v1  }
0xda: {  	v1 =	vld [tilespmem:s10+$0x400];
	_ =	sdelay $0x4  }
0xdb: {  	[tilespmem:v3+s2+$0x0] =	vst.idx.msk vm0, v1  }
0xdc: {  	v1 =	vld [tilespmem:s10+$0x800];
	_ =	sdelay $0x4  }
0xdd: {  	[tilespmem:v3+s3+$0x0] =	vst.idx.msk vm0, v1  }
0xde: {  	v4 =	vld [tilespmem:s10+$0xC00];
	_ =	sdelay $0x2  }
0xdf: {  	v1 =	vmpcnt.ones.xlane vm0;
	_ =	sdelay $0x1  }
0xe0: {  	v1 =	vadd.s32 v2, v1;
	[tilespmem:v3+s4+$0x0] =	vst.idx.msk vm0, v4  }
0xe1: {  	s8 =	simm.s32 $0x40;
	s9 =	simm.s32 $0x80;
	v2 =	vmov v1;
	v4 =	vld [tilespmem:s10+$0x1000]  }
.LBB2_4:
0xe2: {  	_ =	sdelay $0x2  }
0xe3: {  	p1 =	sne.s32 s9, $0xFC0  }
0xe4: {  	s10 =	sshra.s32 s8, $0x2;
	s8 =	smov.u32 s9;
	s9 =	sadd.s32 $0x40, s9;
	[tilespmem:v3+s5+$0x0] =	vst.idx.msk vm0, v4  }
0xe5: {  	v4 =	vld [tilespmem:s10+$0x0];
	_ =	sdelay $0x4  }
0xe6: {  	vm0 =	vgt.f32 v4, $5.000000070e-02  }
0xe7: {  	v3 =	vsel vm0, $0x1, v0;
	v5 =	vmpcnt.ones.xlane vm0  }
0xe8: {  	(xrf0) =	vadd.scan.msk.s32 $0xffff, v3  }
0xe9: {  	v1 =	vadd.s32 v1, v5;
	_ =	sdelay $0x4  }
0xea: {  	v3, _, _ =	vpop (xrf0)  }
0xeb: {  	v3 =	vadd.s32 v3, v2;
	v2 =	vmov v1  }
0xec: {  	v3 =	vadd.s32 $0xFFFFFFFF, v3;
	_ =	sdelay $0x4  }
0xed: {  	[tilespmem:v3+s14+$0x0] =	vst.idx.msk vm0, v4  }
0xee: {  	v4 =	vld [tilespmem:s10+$0x400];
	_ =	sdelay $0x4  }
0xef: {  	[tilespmem:v3+s2+$0x0] =	vst.idx.msk vm0, v4  }
0xf0: {  	v4 =	vld [tilespmem:s10+$0x800];
	_ =	sdelay $0x4  }
0xf1: {  	[tilespmem:v3+s3+$0x0] =	vst.idx.msk vm0, v4  }
0xf2: {  	v4 =	vld [tilespmem:s10+$0xC00];
	_ =	sdelay $0x1  }
.Ltmp3:
0xf3: {  	(pc) =	sbr.rel @p1 .LBB2_4-.Ltmp3, $3  }
0xf4: {  	_ =	sdelay $0x1  }
0xf5: {  	[tilespmem:v3+s4+$0x0] =	vst.idx.msk vm0, v4  }
0xf6: {  	v4 =	vld [tilespmem:s10+$0x1000]  }
0xf7: {  	_ =	sdelay $0x4  }
0xf8: {  	s8 =	sshra.s32 s8, $0x2;
	[tilespmem:v3+s5+$0x0] =	vst.idx.msk vm0, v4  }
0xf9: {  	v3 =	vld [tilespmem:s8+$0x0];
	_ =	sdelay $0x4  }
0xfa: {  	vm15 =	vgt.f32 v3, $5.000000070e-02  }
0xfb: {  	v62 =	vsel vm15, $0x1, v0  }
0xfc: {  	(xrf0) =	vadd.scan.msk.s32 $0xffff, v62;
	_ =	sdelay $0x5  }
0xfd: {  	v4, _, _ =	vpop (xrf0)  }
0xfe: {  	v2 =	vadd.s32 v4, v2  }
0xff: {  	v2 =	vadd.s32 $0xFFFFFFFF, v2;
	_ =	sdelay $0x4  }
0x100: {  	[tilespmem:v2+s14+$0x0] =	vst.idx.msk vm15, v3  }
0x101: {  	v3 =	vld [tilespmem:s8+$0x400];
	_ =	sdelay $0x4  }
0x102: {  	[tilespmem:v2+s2+$0x0] =	vst.idx.msk vm15, v3  }
0x103: {  	v3 =	vld [tilespmem:s8+$0x800];
	_ =	sdelay $0x4  }
0x104: {  	[tilespmem:v2+s3+$0x0] =	vst.idx.msk vm15, v3  }
0x105: {  	v3 =	vld [tilespmem:s8+$0xC00];
	_ =	sdelay $0x4  }
0x106: {  	[tilespmem:v2+s4+$0x0] =	vst.idx.msk vm15, v3  }
0x107: {  	v3 =	vld [tilespmem:s8+$0x1000];
	_ =	sdelay $0x2  }
0x108: {  	v63 =	vmpcnt.ones.xlane vm15;
	_ =	sdelay $0x1  }
0x109: {  	v1 =	vadd.s32 v1, v63;
	[tilespmem:v2+s5+$0x0] =	vst.idx.msk vm15, v3  }
0x10a: {  	[tilespmem:$0x2A80] =	vst v1  }
0x10b: {  	[hbm4b:s23+s0] =	stream.linear.scatter [tilespmem:s6], [sflag:$0x1], $0x80, $0x38;
	[tilespmem:$0x2B00] =	vst v63  }
0x10c: {  	_ =	swait.ge [sflag:s28], $0x80  }
0x10d: {  	[sflag:s28] =	ssyncset.done $0x0  }
0x10e: {  	[sflag:s28] =	ssyncadd.s32 $0xFFFFFF80  }
0x10f: {  	[hbm4b:s24+s0] =	stream.linear.scatter [tilespmem:s14], [sflag:$0x1], $0x80, $0x38;
	[tilespmem:$0x2B00] =	vst v63  }
0x110: {  	_ =	swait.ge [sflag:s28], $0x80  }
0x111: {  	[sflag:s28] =	ssyncset.done $0x0  }
0x112: {  	[sflag:s28] =	ssyncadd.s32 $0xFFFFFF80  }
0x113: {  	[hbm4b:s25+s0] =	stream.linear.scatter [tilespmem:s2], [sflag:$0x1], $0x80, $0x38;
	[tilespmem:$0x2B00] =	vst v63  }
0x114: {  	_ =	swait.ge [sflag:s28], $0x80  }
0x115: {  	[sflag:s28] =	ssyncset.done $0x0  }
0x116: {  	[sflag:s28] =	ssyncadd.s32 $0xFFFFFF80  }
0x117: {  	[hbm4b:s26+s0] =	stream.linear.scatter [tilespmem:s3], [sflag:$0x1], $0x80, $0x38;
	[tilespmem:$0x2B00] =	vst v63  }
0x118: {  	_ =	swait.ge [sflag:s28], $0x80  }
0x119: {  	[sflag:s28] =	ssyncset.done $0x0  }
0x11a: {  	[sflag:s28] =	ssyncadd.s32 $0xFFFFFF80  }
0x11b: {  	[hbm4b:s29+s0] =	stream.linear.scatter [tilespmem:s4], [sflag:$0x1], $0x80, $0x38;
	[tilespmem:$0x2B00] =	vst v63  }
0x11c: {  	_ =	swait.ge [sflag:s28], $0x80  }
0x11d: {  	[sflag:s28] =	ssyncset.done $0x0  }
.Ltmp4:
0x11e: {  	[sflag:s28] =	ssyncadd.s32 $0xFFFFFF80;
	(pc) =	sbr.rel @p0 .LBB2_9-.Ltmp4, $4  }
0x11f: {  	[hbm4b:s30+s0] =	stream.linear.scatter [tilespmem:s5], [sflag:$0x1], $0x80, $0x38;
	[tilespmem:$0x2B00] =	vst v63  }
0x120: {  	_ =	swait.ge [sflag:s28], $0x80  }
0x121: {  	[sflag:s28] =	ssyncset.done $0x0  }
0x122: {  	[sflag:s28] =	ssyncadd.s32 $0xFFFFFF80  }
0x123: {  	s8 =	simm.s32 $0x0;
	s9 =	rddreg [dreg:$0xb]  }
0x124: {  	[tilespmem:s8], [sflag:$0x1] =	stream.strided.gather [hbm4b:s9+s16], $0x400, s31, s16, $0x38;
	[tilespmem:$0x2B00] =	vst v63  }
0x125: {  	_ =	swait.ge [sflag:s28], $0x400  }
0x126: {  	[sflag:s28] =	ssyncset.done $0x0  }
0x127: {  	s9 =	rddreg [dreg:$0xc];
	[sflag:s28] =	ssyncadd.s32 $0xFFFFFC00  }
0x128: {  	[tilespmem:s31], [sflag:$0x1] =	stream.strided.gather [hbm4b:s9+s16], $0x400, s31, s16, $0x38;
	[tilespmem:$0x2B00] =	vst v63  }
0x129: {  	_ =	swait.ge [sflag:s28], $0x400  }
0x12a: {  	[sflag:s28] =	ssyncset.done $0x0  }
0x12b: {  	s10 =	rddreg [dreg:$0xd];
	[sflag:s28] =	ssyncadd.s32 $0xFFFFFC00  }
0x12c: {  	[tilespmem:s1], [sflag:$0x1] =	stream.strided.gather [hbm4b:s10+s16], $0x400, s31, s16, $0x38;
	[tilespmem:$0x2B00] =	vst v63  }
0x12d: {  	_ =	swait.ge [sflag:s28], $0x400  }
0x12e: {  	[sflag:s28] =	ssyncset.done $0x0  }
0x12f: {  	s9 =	rddreg [dreg:$0xe];
	[sflag:s28] =	ssyncadd.s32 $0xFFFFFC00  }
0x130: {  	[tilespmem:s12], [sflag:$0x1] =	stream.strided.gather [hbm4b:s9+s16], $0x400, s31, s16, $0x38;
	[tilespmem:$0x2B00] =	vst v63  }
0x131: {  	_ =	swait.ge [sflag:s28], $0x400  }
0x132: {  	[sflag:s28] =	ssyncset.done $0x0  }
0x133: {  	s10 =	rddreg [dreg:$0xf];
	[sflag:s28] =	ssyncadd.s32 $0xFFFFFC00  }
0x134: {  	[tilespmem:s13], [sflag:$0x1] =	stream.strided.gather [hbm4b:s10+s16], $0x400, s31, s16, $0x38;
	[tilespmem:$0x2B00] =	vst v63  }
0x135: {  	_ =	swait.ge [sflag:s28], $0x400  }
0x136: {  	[sflag:s28] =	ssyncset.done $0x0  }
0x137: {  	s10 =	simm.s32 $0x0;
	[sflag:s28] =	ssyncadd.s32 $0xFFFFFC00  }
0x138: {  	v1 =	vld [tilespmem:s10+$0x0];
	_ =	sdelay $0x4  }
0x139: {  	vm0 =	vgt.f32 v1, $5.000000070e-02  }
0x13a: {  	v2 =	vsel vm0, $0x1, v0  }
0x13b: {  	(xrf0) =	vadd.scan.msk.s32 $0xffff, v2;
	_ =	sdelay $0x5  }
0x13c: {  	v2 =	vimm.s32 $0x0;
	v3, _, _ =	vpop (xrf0)  }
0x13d: {  	v3 =	vadd.s32 v3, v2  }
0x13e: {  	v3 =	vadd.s32 $0xFFFFFFFF, v3;
	_ =	sdelay $0x4  }
0x13f: {  	[tilespmem:v3+s14+$0x0] =	vst.idx.msk vm0, v1  }
0x140: {  	v1 =	vld [tilespmem:s10+$0x400];
	_ =	sdelay $0x4  }
0x141: {  	[tilespmem:v3+s2+$0x0] =	vst.idx.msk vm0, v1  }
0x142: {  	v1 =	vld [tilespmem:s10+$0x800];
	_ =	sdelay $0x4  }
0x143: {  	[tilespmem:v3+s3+$0x0] =	vst.idx.msk vm0, v1  }
0x144: {  	v4 =	vld [tilespmem:s10+$0xC00];
	_ =	sdelay $0x4  }
0x145: {  	[tilespmem:v3+s4+$0x0] =	vst.idx.msk vm0, v4  }
0x146: {  	v1 =	vmpcnt.ones.xlane vm0;
	v4 =	vld [tilespmem:s10+$0x1000];
	_ =	sdelay $0x1  }
0x147: {  	v1 =	vadd.s32 v2, v1  }
0x148: {  	s8 =	simm.s32 $0x40;
	s9 =	simm.s32 $0x80;
	v2 =	vmov v1  }
.LBB2_7:
0x149: {  	p1 =	sne.s32 s9, $0xFC0  }
0x14a: {  	s10 =	sshra.s32 s8, $0x2;
	[tilespmem:v3+s5+$0x0] =	vst.idx.msk vm0, v4;
	s8 =	smov.u32 s9;
	s9 =	sadd.s32 $0x40, s9  }
0x14b: {  	v4 =	vld [tilespmem:s10+$0x0];
	_ =	sdelay $0x4  }
0x14c: {  	vm0 =	vgt.f32 v4, $5.000000070e-02  }
0x14d: {  	v3 =	vsel vm0, $0x1, v0;
	v5 =	vmpcnt.ones.xlane vm0  }
0x14e: {  	(xrf0) =	vadd.scan.msk.s32 $0xffff, v3  }
0x14f: {  	v1 =	vadd.s32 v1, v5;
	_ =	sdelay $0x4  }
0x150: {  	v3, _, _ =	vpop (xrf0)  }
0x151: {  	v3 =	vadd.s32 v3, v2;
	v2 =	vmov v1  }
0x152: {  	v3 =	vadd.s32 $0xFFFFFFFF, v3;
	_ =	sdelay $0x4  }
0x153: {  	[tilespmem:v3+s14+$0x0] =	vst.idx.msk vm0, v4  }
0x154: {  	v4 =	vld [tilespmem:s10+$0x400];
	_ =	sdelay $0x4  }
0x155: {  	[tilespmem:v3+s2+$0x0] =	vst.idx.msk vm0, v4  }
0x156: {  	v4 =	vld [tilespmem:s10+$0x800];
	_ =	sdelay $0x4  }
0x157: {  	[tilespmem:v3+s3+$0x0] =	vst.idx.msk vm0, v4  }
0x158: {  	v4 =	vld [tilespmem:s10+$0xC00];
	_ =	sdelay $0x1  }
.Ltmp5:
0x159: {  	(pc) =	sbr.rel @p1 .LBB2_7-.Ltmp5, $3  }
0x15a: {  	_ =	sdelay $0x1  }
0x15b: {  	[tilespmem:v3+s4+$0x0] =	vst.idx.msk vm0, v4  }
0x15c: {  	v4 =	vld [tilespmem:s10+$0x1000]  }
.Ltmp6:
0x15d: {  	_ = 	snop;
	(pc) =	sbr.rel .LBB2_8-.Ltmp6, $1  }
0x15e: {  	_ =	sdelay $0x3  }
.LBB2_10:
0x15f: {  	_ =	sfence.sel $0x180000  }
0x160: {  	[bflag:$0x0] =	sbarrier.arrive $0xFFFF  }
0x161: {  	_ =	strace $0x90000047  }
0x162: {  	s0 =	stileid.u32;
	[bflag:$0x2] =	sbarrier.arrive $0xFFFF  }
0x163: {  	p0 =	sne.s32 s0, $0x0;
	s0 =	rddreg [dreg:$0x1]  }
0x164: {  	s0 =	sadd.s32 @!p0 $0x100000, s0  }
0x165: {  	[sflag:s0] =	ssyncadd.tile.s32 @!p0 $0x1;
	_ =	shalt  }
.Lfunc_end2:
_tile_overlayer_lowered:
.L_overlay_start_2:
0x166: {  	(tag) =	ssettag $0x2  }
0x167: {  	s0 =	rddreg [dreg:$0x0];
	s2 =	stileid.u32  }
0x168: {  	s1 =	rddreg [dreg:$0x1];
	p0 =	sne.s32 s2, $0x0  }
0x169: {  	s3 =	rddreg [dreg:$0x2];
	[bflag:$0x3] =	sbarrier.arrive $0xFFFF;
	s2 =	simm.s32 @!p0 $0x1C01  }
0x16a: {  	[timem:s3], [sflag:s2] =	dma.local @!p0 [hbm:s0], s1  }
0x16b: {  	s0 =	simm.s32 @!p0 $0x1  }
0x16c: {  	_ =	swait.ge @!p0 [sflag:s0], s1  }
0x16d: {  	s1 =	ssub.s32 @!p0 $0x0, s1;
	[sflag:s0] =	ssyncset.done @!p0 $0x0  }
0x16e: {  	[sflag:s0] =	ssyncadd.s32 @!p0 s1  }
0x16f: {  	[bflag:$0x3] =	sbarrier.arrive $0xFFFF  }
0x170: {  	_ =	shalt  }

</sc_bundles>
